<compile_context>
chip_gen: v7x
topology: tpu7x:2x2x1
jax: 0.10.2.dev20260603
libtpu: 0.0.44.dev20260713+nightly
codegen_flags: <defaults>
</compile_context>

<pallas_src>
import functools
import jax
import jax.numpy as jnp
from jax import lax
from jax.experimental import pallas as pl
from jax.experimental.pallas import tpu as pltpu
from jax.experimental.pallas import tpu_sc as plsc

_NC = 2
_NS = 16
_NW = _NC * _NS
_CHUNK = 128
_GG = 5
_LANES = 128


def _gather_body(nch, d_e, idx_i_hbm, idx_c_hbm, idx_b_hbm, price_hbm,
                 zeros_hbm, t_item, t_cate, t_brand, out_p,
                 idx_v, pr_v, rows_i, rows_c, rows_b, tail, gsem, wsem):
  wid = lax.axis_index("s") * _NC + lax.axis_index("c")
  base = wid * nch * _CHUNK
  rows_g = _GG * _CHUNK
  pltpu.sync_copy(idx_i_hbm.at[wid], idx_v.at[0])
  pltpu.sync_copy(idx_c_hbm.at[wid], idx_v.at[1])
  pltpu.sync_copy(idx_b_hbm.at[wid], idx_v.at[2])
  pltpu.sync_copy(price_hbm.at[wid], pr_v)
  pltpu.sync_copy(zeros_hbm, tail)

  tables = ((t_item, rows_i, 0), (t_cate, rows_c, 1), (t_brand, rows_b, 2))
  lane0 = jnp.zeros((16,), jnp.int32)
  iota16 = lax.iota(jnp.int32, 16)

  def group_body(g, _):
    row0 = base + g * rows_g
    cps = []
    for tbl, rows, t in tables:
      for j in range(_GG):
        cps.append(pltpu.async_copy(
            tbl.at[idx_v.at[t, g * _GG + j]],
            rows.at[pl.ds(j * _CHUNK, _CHUNK)], gsem))
    for j in range(_GG):
      c = g * _GG + j
      for k in range(_CHUNK // 16):
        pv = pr_v[c, pl.ds(16 * k, 16)]
        rows_idx = iota16 + (j * _CHUNK + 16 * k)
        plsc.store_scatter(tail, [rows_idx, lane0], pv)
    for cp in cps:
      cp.wait()
    wr = [pltpu.async_copy(
        rows, out_p.at[pl.ds(row0, rows_g), pl.ds(t * d_e, d_e)], wsem)
        for _tbl, rows, t in tables]
    wr.append(pltpu.async_copy(
        tail, out_p.at[pl.ds(row0, rows_g), pl.ds(3 * d_e, d_e)], wsem))
    for cp in wr:
      cp.wait()
    return 0

  lax.fori_loop(0, nch // _GG, group_body, 0)


def _sc_gather(idx_i, idx_c, idx_b, price, zeros, emb_item, emb_cate,
               emb_brand):
  nw, nch, chunk = idx_i.shape
  n = nw * nch * chunk
  d_e = emb_item.shape[1]
  mesh = plsc.VectorSubcoreMesh(core_axis_name="c", subcore_axis_name="s",
                                num_cores=_NC, num_subcores=_NS)
  body = functools.partial(_gather_body, nch, d_e)
  return pl.kernel(
      body,
      out_type=jax.ShapeDtypeStruct((n, _LANES), jnp.float32),
      mesh=mesh,
      scratch_types=[
          pltpu.VMEM((3, nch, chunk), jnp.int32),
          pltpu.VMEM((nch, chunk), jnp.float32),
          pltpu.VMEM((_GG * chunk, d_e), jnp.float32),
          pltpu.VMEM((_GG * chunk, d_e), jnp.float32),
          pltpu.VMEM((_GG * chunk, d_e), jnp.float32),
          pltpu.VMEM((_GG * chunk, d_e), jnp.float32),
          pltpu.SemaphoreType.DMA,
          pltpu.SemaphoreType.DMA,
      ],
      compiler_params=pltpu.CompilerParams(use_tc_tiling_on_sc=False,
                                           needs_layout_passes=False),
  )(idx_i, idx_c, idx_b, price, zeros, emb_item, emb_cate, emb_brand)


_RPK_U = 16


def _repack_body(t_ref, iden_ref, out_ref):
  iden = iden_ref[...]
  for u in range(_RPK_U):
    pieces = [
        lax.dot_general(
            iden,
            t_ref[:, u * 512 + a * _LANES:u * 512 + (a + 1) * _LANES],
            (((1,), (1,)), ((), ())),
            preferred_element_type=jnp.float32)
        for a in range(4)
    ]
    out_ref[u * _LANES:(u + 1) * _LANES, :] = jnp.concatenate(pieces, axis=1)


def _repack_table(emb):
  v, d = emb.shape
  blk = 512 * _RPK_U
  tt = emb.T
  g = -(-v // blk)
  rows = blk * d // _LANES
  out = pl.pallas_call(
      _repack_body,
      grid=(g,),
      in_specs=[
          pl.BlockSpec((d, blk), lambda i: (0, i)),
          pl.BlockSpec((_LANES, _LANES), lambda i: (0, 0)),
      ],
      out_specs=pl.BlockSpec((rows, _LANES), lambda i: (i, 0)),
      out_shape=jax.ShapeDtypeStruct((g * rows, _LANES), jnp.float32),
  )(tt, jnp.eye(_LANES, dtype=jnp.float32))
  return out.reshape(g * blk, d)


def _remap_idx(v):
  return (v & ~511) + ((v & 127) << 2) + ((v >> 7) & 3)


def _mlp_body(p_ref, mm_ref, wp, wm, b1e, w2, b2, out_ref):
  h = (jnp.dot(p_ref[...], wp[...], preferred_element_type=jnp.float32)
       + jnp.dot(mm_ref[...], wm[...], preferred_element_type=jnp.float32)
       + b1e[...])
  h = jnp.maximum(h, 0.0)
  out_ref[...] = jnp.dot(h, w2[...], preferred_element_type=jnp.float32) + b2[...]


def _tc_mlp(p, mm2, wp, wm, b1e, w2, b2, bl=1024):
  n, d_mm = mm2.shape
  d_dnn = wp.shape[1]
  d_hid = w2.shape[1]
  grid = (n // bl,)
  full = lambda r, c: pl.BlockSpec((r, c), lambda i: (0, 0))
  return pl.pallas_call(
      _mlp_body,
      grid=grid,
      in_specs=[
          pl.BlockSpec((bl, _LANES), lambda i: (i, 0)),
          pl.BlockSpec((bl, d_mm), lambda i: (i, 0)),
          full(_LANES, d_dnn),
          full(d_mm, d_dnn),
          full(1, d_dnn),
          full(d_dnn, d_hid),
          full(1, d_hid),
      ],
      out_specs=pl.BlockSpec((bl, d_hid), lambda i: (i, 0)),
      out_shape=jax.ShapeDtypeStruct((n, d_hid), jnp.float32),
  )(p, mm2, wp, wm, b1e, w2, b2)


def kernel(seq_id, item_mask, feat_cate, feat_brand, feat_price, feat_mm,
           emb_item, emb_cate, emb_brand, mm_W, mm_b, W1, b1, W2, b2):
  b, l = seq_id.shape
  n = b * l
  d_e = emb_item.shape[1]
  d_mm_in, d_mm = mm_W.shape
  d_dnn = W1.shape[1]
  assert n % (_NW * _CHUNK) == 0
  nch = n // (_NW * _CHUNK)

  ids = _remap_idx(
      (seq_id * item_mask).astype(jnp.int32)).T.reshape(_NW, nch, _CHUNK)
  idx_c = _remap_idx(
      feat_cate.astype(jnp.int32)).T.reshape(_NW, nch, _CHUNK)
  idx_b = _remap_idx(
      feat_brand.astype(jnp.int32)).T.reshape(_NW, nch, _CHUNK)
  price = feat_price.astype(jnp.float32).T.reshape(_NW, nch, _CHUNK)
  zeros = jnp.zeros((_GG * _CHUNK, d_e), jnp.float32)

  p = _sc_gather(ids, idx_c, idx_b, price, zeros,
                 _repack_table(emb_item), _repack_table(emb_cate),
                 _repack_table(emb_brand))

  n_emb = 3 * d_e + 1
  w1_mm = W1[n_emb:]
  wp = jnp.concatenate(
      [W1[:n_emb], jnp.zeros((_LANES - n_emb, d_dnn), W1.dtype)], axis=0)
  wm = mm_W @ w1_mm
  b1e = (b1 + mm_b @ w1_mm)[None, :]

  mm2 = jnp.transpose(feat_mm, (1, 0, 2)).reshape(n, d_mm_in)
  out = _tc_mlp(p, mm2, wp, wm, b1e, W2, b2[None, :])
  return jnp.transpose(out.reshape(l, b, out.shape[-1]), (1, 0, 2))

# --- scband reference (transcript-rebuilt; emitter-appended) ---
"""Pipeline reference for scband-item-tower-68040871903245 (READ-ONLY COPY).

The authoritative reference and input builder live on the scoring server;
editing this copy changes nothing except your own understanding.
"""

import jax, jax.numpy as jnp
import numpy as np

B, L = 4096, 50
V_ITEM, D_ITEM = 1000000, 32
V_SP, D_SP = 100000, 32
D_MM_IN, D_MM = 128, 32
D_FEAT = D_ITEM + 2 * D_SP + 1 + D_MM  # 129
D_DNN, D_HID = 256, 128


def setup_inputs(seed: int = 0) -> dict:
    key = jax.random.key(seed)
    ks = jax.random.split(key, 16)
    seq_id = jax.random.randint(ks[0], (B, L), 0, V_ITEM + 1)
    item_mask = jax.random.randint(ks[1], (B, L), 0, 2)
    feat_cate = jax.random.randint(ks[2], (B, L), 0, V_SP + 1)
    feat_brand = jax.random.randint(ks[3], (B, L), 0, V_SP + 1)
    feat_price = jax.random.uniform(ks[4], (B, L), dtype=jnp.float32)
    feat_mm = jax.random.normal(ks[5], (B, L, D_MM_IN), dtype=jnp.float32) * 0.1
    # learned parameters (padding_idx=0 rows zeroed like nn.Embedding(padding_idx=0))
    emb_item = (jax.random.normal(ks[6], (V_ITEM + 1, D_ITEM), dtype=jnp.float32) * 0.02).at[0].set(0.0)
    emb_cate = (jax.random.normal(ks[7], (V_SP + 1, D_SP), dtype=jnp.float32) * 0.02).at[0].set(0.0)
    emb_brand = (jax.random.normal(ks[8], (V_SP + 1, D_SP), dtype=jnp.float32) * 0.02).at[0].set(0.0)
    mm_W = jax.random.normal(ks[9], (D_MM_IN, D_MM), dtype=jnp.float32) / np.sqrt(D_MM_IN)
    mm_b = jnp.zeros((D_MM,), dtype=jnp.float32)
    W1 = jax.random.normal(ks[10], (D_FEAT, D_DNN), dtype=jnp.float32) / np.sqrt(D_FEAT)
    b1 = jnp.zeros((D_DNN,), dtype=jnp.float32)
    W2 = jax.random.normal(ks[11], (D_DNN, D_HID), dtype=jnp.float32) / np.sqrt(D_DNN)
    b2 = jnp.zeros((D_HID,), dtype=jnp.float32)
    return {
        'seq_id': seq_id, 'item_mask': item_mask,
        'feat_cate': feat_cate, 'feat_brand': feat_brand,
        'feat_price': feat_price, 'feat_mm': feat_mm,
        'emb_item': emb_item, 'emb_cate': emb_cate, 'emb_brand': emb_brand,
        'mm_W': mm_W, 'mm_b': mm_b, 'W1': W1, 'b1': b1, 'W2': W2, 'b2': b2,
    }


def reference(seq_id, item_mask, feat_cate, feat_brand, feat_price, feat_mm,
              emb_item, emb_cate, emb_brand, mm_W, mm_b, W1, b1, W2, b2):
    # id embedding with mask applied to indices (masked positions -> padding row 0)
    id_embedding = jnp.take(emb_item, seq_id * item_mask, axis=0)
    # sparse feature embeddings
    cate_emb = jnp.take(emb_cate, feat_cate, axis=0)
    brand_emb = jnp.take(emb_brand, feat_brand, axis=0)
    # dense feature
    price = feat_price[..., None]
    # multimodal linear projection (dropout evaluated in eval mode -> identity)
    mm_emb = jnp.dot(feat_mm, mm_W) + mm_b
    item_features = jnp.concatenate([id_embedding, cate_emb, brand_emb, price, mm_emb], axis=-1)
    h = jax.nn.relu(jnp.dot(item_features, W1) + b1)
    out = jnp.dot(h, W2) + b2
    return out

if __name__ == "__main__":
    import jax
    _d = setup_inputs()
    print(jax.jit(kernel)(*tuple(_d.values())))

</pallas_src>

<mosaic_0001>
#map = affine_map<(d0, d1) -> (0, 0, 0)>
#map1 = affine_map<(d0, d1) -> (0, 0)>
module attributes {stable_mosaic.version = 14 : i64} {
  func.func @_gather_body(%arg0: i32, %arg1: i32, %arg2: memref<32x50x128xi32, #tpu.memory_space<hbm>>, %arg3: memref<32x50x128xi32, #tpu.memory_space<hbm>>, %arg4: memref<32x50x128xi32, #tpu.memory_space<hbm>>, %arg5: memref<32x50x128xf32, #tpu.memory_space<hbm>>, %arg6: memref<640x32xf32, #tpu.memory_space<hbm>>, %arg7: memref<1007616x32xf32, #tpu.memory_space<hbm>>, %arg8: memref<106496x32xf32, #tpu.memory_space<hbm>>, %arg9: memref<106496x32xf32, #tpu.memory_space<hbm>>, %arg10: memref<204800x128xf32, #tpu.memory_space<hbm>>, %arg11: memref<3x50x128xi32, #tpu.memory_space<vmem>>, %arg12: memref<50x128xf32, #tpu.memory_space<vmem>>, %arg13: memref<640x32xf32, #tpu.memory_space<vmem>>, %arg14: memref<640x32xf32, #tpu.memory_space<vmem>>, %arg15: memref<640x32xf32, #tpu.memory_space<vmem>>, %arg16: memref<640x32xf32, #tpu.memory_space<vmem>>, %arg17: memref<!tpu.dma_semaphore, #tpu.memory_space<semaphore_mem>>, %arg18: memref<!tpu.dma_semaphore, #tpu.memory_space<semaphore_mem>>) attributes {dimension_semantics = [#tpu.dimension_semantics<core_parallel>, #tpu.dimension_semantics<subcore_parallel>], iteration_bounds = array<i64: 2, 16>, scalar_prefetch = 0 : i64, scratch_operands = 8 : i64, tpu.core_type = #tpu.core_type<sc_vector_subcore>, window_params = [{transform_indices = #map}, {transform_indices = #map}, {transform_indices = #map}, {transform_indices = #map}, {transform_indices = #map1}, {transform_indices = #map1}, {transform_indices = #map1}, {transform_indices = #map1}, {transform_indices = #map1}]} {
    %mul3A = arith.constant 2 : i32
    %mul3A_0 = arith.muli %arg1, %mul3A : i32
    %add3A = arith.addi %mul3A_0, %arg0 : i32
    %mul3A_1 = arith.constant 50 : i32
    %mul3A_2 = arith.muli %add3A, %mul3A_1 : i32
    %mul3A_3 = arith.constant 128 : i32
    %mul3A_4 = arith.muli %mul3A_2, %mul3A_3 : i32
    %run_scoped3A = arith.constant 0 : i32
    "tpu.region"() ({
      %run_scoped3A_14 = tpu.sem_alloc : memref<!tpu.dma_semaphore, #tpu.memory_space<semaphore_mem>>
      %dma_start3A = arith.constant 0 : i32
      %dma_start3A_15 = arith.constant 0 : i32
      %dma_start3A_16 = tpu.memref_slice %arg11[%run_scoped3A, %dma_start3A, %dma_start3A_15] : memref<3x50x128xi32, #tpu.memory_space<vmem>> -> memref<1x50x128xi32, #tpu.memory_space<vmem>>
      %dma_start3A_17 = tpu.memref_squeeze %dma_start3A_16 : memref<1x50x128xi32, #tpu.memory_space<vmem>> -> memref<50x128xi32, #tpu.memory_space<vmem>>
      %dma_start3A_18 = arith.constant 0 : i32
      %dma_start3A_19 = arith.constant 0 : i32
      %dma_start3A_20 = tpu.memref_slice %arg2[%add3A, %dma_start3A_18, %dma_start3A_19] : memref<32x50x128xi32, #tpu.memory_space<hbm>> -> memref<1x50x128xi32, #tpu.memory_space<hbm>>
      %dma_start3A_21 = tpu.memref_squeeze %dma_start3A_20 : memref<1x50x128xi32, #tpu.memory_space<hbm>> -> memref<50x128xi32, #tpu.memory_space<hbm>>
      %dma_start3A_22 = arith.constant 0 : i32
      %dma_start3A_23 = arith.constant 0 : i32
      %dma_start3A_24 = tpu.memref_slice %arg11[%run_scoped3A, %dma_start3A_22, %dma_start3A_23] : memref<3x50x128xi32, #tpu.memory_space<vmem>> -> memref<1x50x128xi32, #tpu.memory_space<vmem>>
      %dma_start3A_25 = tpu.memref_squeeze %dma_start3A_24 : memref<1x50x128xi32, #tpu.memory_space<vmem>> -> memref<50x128xi32, #tpu.memory_space<vmem>>
      %dma_start3A_26 = arith.constant 0 : i32
      %dma_start3A_27 = arith.constant 0 : i32
      %dma_start3A_28 = tpu.memref_slice %arg2[%add3A, %dma_start3A_26, %dma_start3A_27] : memref<32x50x128xi32, #tpu.memory_space<hbm>> -> memref<1x50x128xi32, #tpu.memory_space<hbm>>
      %dma_start3A_29 = tpu.memref_squeeze %dma_start3A_28 : memref<1x50x128xi32, #tpu.memory_space<hbm>> -> memref<50x128xi32, #tpu.memory_space<hbm>>
      tpu.enqueue_dma source(%dma_start3A_29 : memref<50x128xi32, #tpu.memory_space<hbm>>) target(%dma_start3A_25 : memref<50x128xi32, #tpu.memory_space<vmem>>) target_semaphore(%run_scoped3A_14 : memref<!tpu.dma_semaphore, #tpu.memory_space<semaphore_mem>>)
      %dma_wait3A = arith.constant 0 : i32
      %dma_wait3A_30 = arith.constant 0 : i32
      %dma_wait3A_31 = tpu.memref_slice %arg11[%run_scoped3A, %dma_wait3A, %dma_wait3A_30] : memref<3x50x128xi32, #tpu.memory_space<vmem>> -> memref<1x50x128xi32, #tpu.memory_space<vmem>>
      %dma_wait3A_32 = tpu.memref_squeeze %dma_wait3A_31 : memref<1x50x128xi32, #tpu.memory_space<vmem>> -> memref<50x128xi32, #tpu.memory_space<vmem>>
      %dma_wait3A_33 = arith.constant 0 : i32
      %dma_wait3A_34 = arith.constant 0 : i32
      %dma_wait3A_35 = tpu.memref_slice %arg2[%add3A, %dma_wait3A_33, %dma_wait3A_34] : memref<32x50x128xi32, #tpu.memory_space<hbm>> -> memref<1x50x128xi32, #tpu.memory_space<hbm>>
      %dma_wait3A_36 = tpu.memref_squeeze %dma_wait3A_35 : memref<1x50x128xi32, #tpu.memory_space<hbm>> -> memref<50x128xi32, #tpu.memory_space<hbm>>
      %dma_wait3A_37 = arith.constant 0 : i32
      %dma_wait3A_38 = arith.constant 0 : i32
      %dma_wait3A_39 = tpu.memref_slice %arg11[%run_scoped3A, %dma_wait3A_37, %dma_wait3A_38] : memref<3x50x128xi32, #tpu.memory_space<vmem>> -> memref<1x50x128xi32, #tpu.memory_space<vmem>>
      %dma_wait3A_40 = tpu.memref_squeeze %dma_wait3A_39 : memref<1x50x128xi32, #tpu.memory_space<vmem>> -> memref<50x128xi32, #tpu.memory_space<vmem>>
      %dma_wait3A_41 = arith.constant 0 : i32
      %dma_wait3A_42 = arith.constant 0 : i32
      %dma_wait3A_43 = tpu.memref_slice %arg2[%add3A, %dma_wait3A_41, %dma_wait3A_42] : memref<32x50x128xi32, #tpu.memory_space<hbm>> -> memref<1x50x128xi32, #tpu.memory_space<hbm>>
      %dma_wait3A_44 = tpu.memref_squeeze %dma_wait3A_43 : memref<1x50x128xi32, #tpu.memory_space<hbm>> -> memref<50x128xi32, #tpu.memory_space<hbm>>
      tpu.wait_dma2 semaphore(%run_scoped3A_14 : memref<!tpu.dma_semaphore, #tpu.memory_space<semaphore_mem>>) src(%dma_wait3A_44 : memref<50x128xi32, #tpu.memory_space<hbm>>) dst(%dma_wait3A_40 : memref<50x128xi32, #tpu.memory_space<vmem>>)
      tpu.yield
    }) : () -> ()
    %run_scoped3A_5 = arith.constant 1 : i32
    "tpu.region"() ({
      %run_scoped3A_14 = tpu.sem_alloc : memref<!tpu.dma_semaphore, #tpu.memory_space<semaphore_mem>>
      %dma_start3A = arith.constant 0 : i32
      %dma_start3A_15 = arith.constant 0 : i32
      %dma_start3A_16 = tpu.memref_slice %arg11[%run_scoped3A_5, %dma_start3A, %dma_start3A_15] : memref<3x50x128xi32, #tpu.memory_space<vmem>> -> memref<1x50x128xi32, #tpu.memory_space<vmem>>
      %dma_start3A_17 = tpu.memref_squeeze %dma_start3A_16 : memref<1x50x128xi32, #tpu.memory_space<vmem>> -> memref<50x128xi32, #tpu.memory_space<vmem>>
      %dma_start3A_18 = arith.constant 0 : i32
      %dma_start3A_19 = arith.constant 0 : i32
      %dma_start3A_20 = tpu.memref_slice %arg3[%add3A, %dma_start3A_18, %dma_start3A_19] : memref<32x50x128xi32, #tpu.memory_space<hbm>> -> memref<1x50x128xi32, #tpu.memory_space<hbm>>
      %dma_start3A_21 = tpu.memref_squeeze %dma_start3A_20 : memref<1x50x128xi32, #tpu.memory_space<hbm>> -> memref<50x128xi32, #tpu.memory_space<hbm>>
      %dma_start3A_22 = arith.constant 0 : i32
      %dma_start3A_23 = arith.constant 0 : i32
      %dma_start3A_24 = tpu.memref_slice %arg11[%run_scoped3A_5, %dma_start3A_22, %dma_start3A_23] : memref<3x50x128xi32, #tpu.memory_space<vmem>> -> memref<1x50x128xi32, #tpu.memory_space<vmem>>
      %dma_start3A_25 = tpu.memref_squeeze %dma_start3A_24 : memref<1x50x128xi32, #tpu.memory_space<vmem>> -> memref<50x128xi32, #tpu.memory_space<vmem>>
      %dma_start3A_26 = arith.constant 0 : i32
      %dma_start3A_27 = arith.constant 0 : i32
      %dma_start3A_28 = tpu.memref_slice %arg3[%add3A, %dma_start3A_26, %dma_start3A_27] : memref<32x50x128xi32, #tpu.memory_space<hbm>> -> memref<1x50x128xi32, #tpu.memory_space<hbm>>
      %dma_start3A_29 = tpu.memref_squeeze %dma_start3A_28 : memref<1x50x128xi32, #tpu.memory_space<hbm>> -> memref<50x128xi32, #tpu.memory_space<hbm>>
      tpu.enqueue_dma source(%dma_start3A_29 : memref<50x128xi32, #tpu.memory_space<hbm>>) target(%dma_start3A_25 : memref<50x128xi32, #tpu.memory_space<vmem>>) target_semaphore(%run_scoped3A_14 : memref<!tpu.dma_semaphore, #tpu.memory_space<semaphore_mem>>)
      %dma_wait3A = arith.constant 0 : i32
      %dma_wait3A_30 = arith.constant 0 : i32
      %dma_wait3A_31 = tpu.memref_slice %arg11[%run_scoped3A_5, %dma_wait3A, %dma_wait3A_30] : memref<3x50x128xi32, #tpu.memory_space<vmem>> -> memref<1x50x128xi32, #tpu.memory_space<vmem>>
      %dma_wait3A_32 = tpu.memref_squeeze %dma_wait3A_31 : memref<1x50x128xi32, #tpu.memory_space<vmem>> -> memref<50x128xi32, #tpu.memory_space<vmem>>
      %dma_wait3A_33 = arith.constant 0 : i32
      %dma_wait3A_34 = arith.constant 0 : i32
      %dma_wait3A_35 = tpu.memref_slice %arg3[%add3A, %dma_wait3A_33, %dma_wait3A_34] : memref<32x50x128xi32, #tpu.memory_space<hbm>> -> memref<1x50x128xi32, #tpu.memory_space<hbm>>
      %dma_wait3A_36 = tpu.memref_squeeze %dma_wait3A_35 : memref<1x50x128xi32, #tpu.memory_space<hbm>> -> memref<50x128xi32, #tpu.memory_space<hbm>>
      %dma_wait3A_37 = arith.constant 0 : i32
      %dma_wait3A_38 = arith.constant 0 : i32
      %dma_wait3A_39 = tpu.memref_slice %arg11[%run_scoped3A_5, %dma_wait3A_37, %dma_wait3A_38] : memref<3x50x128xi32, #tpu.memory_space<vmem>> -> memref<1x50x128xi32, #tpu.memory_space<vmem>>
      %dma_wait3A_40 = tpu.memref_squeeze %dma_wait3A_39 : memref<1x50x128xi32, #tpu.memory_space<vmem>> -> memref<50x128xi32, #tpu.memory_space<vmem>>
      %dma_wait3A_41 = arith.constant 0 : i32
      %dma_wait3A_42 = arith.constant 0 : i32
      %dma_wait3A_43 = tpu.memref_slice %arg3[%add3A, %dma_wait3A_41, %dma_wait3A_42] : memref<32x50x128xi32, #tpu.memory_space<hbm>> -> memref<1x50x128xi32, #tpu.memory_space<hbm>>
      %dma_wait3A_44 = tpu.memref_squeeze %dma_wait3A_43 : memref<1x50x128xi32, #tpu.memory_space<hbm>> -> memref<50x128xi32, #tpu.memory_space<hbm>>
      tpu.wait_dma2 semaphore(%run_scoped3A_14 : memref<!tpu.dma_semaphore, #tpu.memory_space<semaphore_mem>>) src(%dma_wait3A_44 : memref<50x128xi32, #tpu.memory_space<hbm>>) dst(%dma_wait3A_40 : memref<50x128xi32, #tpu.memory_space<vmem>>)
      tpu.yield
    }) : () -> ()
    %run_scoped3A_6 = arith.constant 2 : i32
    "tpu.region"() ({
      %run_scoped3A_14 = tpu.sem_alloc : memref<!tpu.dma_semaphore, #tpu.memory_space<semaphore_mem>>
      %dma_start3A = arith.constant 0 : i32
      %dma_start3A_15 = arith.constant 0 : i32
      %dma_start3A_16 = tpu.memref_slice %arg11[%run_scoped3A_6, %dma_start3A, %dma_start3A_15] : memref<3x50x128xi32, #tpu.memory_space<vmem>> -> memref<1x50x128xi32, #tpu.memory_space<vmem>>
      %dma_start3A_17 = tpu.memref_squeeze %dma_start3A_16 : memref<1x50x128xi32, #tpu.memory_space<vmem>> -> memref<50x128xi32, #tpu.memory_space<vmem>>
      %dma_start3A_18 = arith.constant 0 : i32
      %dma_start3A_19 = arith.constant 0 : i32
      %dma_start3A_20 = tpu.memref_slice %arg4[%add3A, %dma_start3A_18, %dma_start3A_19] : memref<32x50x128xi32, #tpu.memory_space<hbm>> -> memref<1x50x128xi32, #tpu.memory_space<hbm>>
      %dma_start3A_21 = tpu.memref_squeeze %dma_start3A_20 : memref<1x50x128xi32, #tpu.memory_space<hbm>> -> memref<50x128xi32, #tpu.memory_space<hbm>>
      %dma_start3A_22 = arith.constant 0 : i32
      %dma_start3A_23 = arith.constant 0 : i32
      %dma_start3A_24 = tpu.memref_slice %arg11[%run_scoped3A_6, %dma_start3A_22, %dma_start3A_23] : memref<3x50x128xi32, #tpu.memory_space<vmem>> -> memref<1x50x128xi32, #tpu.memory_space<vmem>>
      %dma_start3A_25 = tpu.memref_squeeze %dma_start3A_24 : memref<1x50x128xi32, #tpu.memory_space<vmem>> -> memref<50x128xi32, #tpu.memory_space<vmem>>
      %dma_start3A_26 = arith.constant 0 : i32
      %dma_start3A_27 = arith.constant 0 : i32
      %dma_start3A_28 = tpu.memref_slice %arg4[%add3A, %dma_start3A_26, %dma_start3A_27] : memref<32x50x128xi32, #tpu.memory_space<hbm>> -> memref<1x50x128xi32, #tpu.memory_space<hbm>>
      %dma_start3A_29 = tpu.memref_squeeze %dma_start3A_28 : memref<1x50x128xi32, #tpu.memory_space<hbm>> -> memref<50x128xi32, #tpu.memory_space<hbm>>
      tpu.enqueue_dma source(%dma_start3A_29 : memref<50x128xi32, #tpu.memory_space<hbm>>) target(%dma_start3A_25 : memref<50x128xi32, #tpu.memory_space<vmem>>) target_semaphore(%run_scoped3A_14 : memref<!tpu.dma_semaphore, #tpu.memory_space<semaphore_mem>>)
      %dma_wait3A = arith.constant 0 : i32
      %dma_wait3A_30 = arith.constant 0 : i32
      %dma_wait3A_31 = tpu.memref_slice %arg11[%run_scoped3A_6, %dma_wait3A, %dma_wait3A_30] : memref<3x50x128xi32, #tpu.memory_space<vmem>> -> memref<1x50x128xi32, #tpu.memory_space<vmem>>
      %dma_wait3A_32 = tpu.memref_squeeze %dma_wait3A_31 : memref<1x50x128xi32, #tpu.memory_space<vmem>> -> memref<50x128xi32, #tpu.memory_space<vmem>>
      %dma_wait3A_33 = arith.constant 0 : i32
      %dma_wait3A_34 = arith.constant 0 : i32
      %dma_wait3A_35 = tpu.memref_slice %arg4[%add3A, %dma_wait3A_33, %dma_wait3A_34] : memref<32x50x128xi32, #tpu.memory_space<hbm>> -> memref<1x50x128xi32, #tpu.memory_space<hbm>>
      %dma_wait3A_36 = tpu.memref_squeeze %dma_wait3A_35 : memref<1x50x128xi32, #tpu.memory_space<hbm>> -> memref<50x128xi32, #tpu.memory_space<hbm>>
      %dma_wait3A_37 = arith.constant 0 : i32
      %dma_wait3A_38 = arith.constant 0 : i32
      %dma_wait3A_39 = tpu.memref_slice %arg11[%run_scoped3A_6, %dma_wait3A_37, %dma_wait3A_38] : memref<3x50x128xi32, #tpu.memory_space<vmem>> -> memref<1x50x128xi32, #tpu.memory_space<vmem>>
      %dma_wait3A_40 = tpu.memref_squeeze %dma_wait3A_39 : memref<1x50x128xi32, #tpu.memory_space<vmem>> -> memref<50x128xi32, #tpu.memory_space<vmem>>
      %dma_wait3A_41 = arith.constant 0 : i32
      %dma_wait3A_42 = arith.constant 0 : i32
      %dma_wait3A_43 = tpu.memref_slice %arg4[%add3A, %dma_wait3A_41, %dma_wait3A_42] : memref<32x50x128xi32, #tpu.memory_space<hbm>> -> memref<1x50x128xi32, #tpu.memory_space<hbm>>
      %dma_wait3A_44 = tpu.memref_squeeze %dma_wait3A_43 : memref<1x50x128xi32, #tpu.memory_space<hbm>> -> memref<50x128xi32, #tpu.memory_space<hbm>>
      tpu.wait_dma2 semaphore(%run_scoped3A_14 : memref<!tpu.dma_semaphore, #tpu.memory_space<semaphore_mem>>) src(%dma_wait3A_44 : memref<50x128xi32, #tpu.memory_space<hbm>>) dst(%dma_wait3A_40 : memref<50x128xi32, #tpu.memory_space<vmem>>)
      tpu.yield
    }) : () -> ()
    "tpu.region"() ({
      %run_scoped3A_14 = tpu.sem_alloc : memref<!tpu.dma_semaphore, #tpu.memory_space<semaphore_mem>>
      %dma_start3A = arith.constant 0 : i32
      %dma_start3A_15 = arith.constant 0 : i32
      %dma_start3A_16 = tpu.memref_slice %arg5[%add3A, %dma_start3A, %dma_start3A_15] : memref<32x50x128xf32, #tpu.memory_space<hbm>> -> memref<1x50x128xf32, #tpu.memory_space<hbm>>
      %dma_start3A_17 = tpu.memref_squeeze %dma_start3A_16 : memref<1x50x128xf32, #tpu.memory_space<hbm>> -> memref<50x128xf32, #tpu.memory_space<hbm>>
      %dma_start3A_18 = arith.constant 0 : i32
      %dma_start3A_19 = arith.constant 0 : i32
      %dma_start3A_20 = tpu.memref_slice %arg5[%add3A, %dma_start3A_18, %dma_start3A_19] : memref<32x50x128xf32, #tpu.memory_space<hbm>> -> memref<1x50x128xf32, #tpu.memory_space<hbm>>
      %dma_start3A_21 = tpu.memref_squeeze %dma_start3A_20 : memref<1x50x128xf32, #tpu.memory_space<hbm>> -> memref<50x128xf32, #tpu.memory_space<hbm>>
      tpu.enqueue_dma source(%dma_start3A_21 : memref<50x128xf32, #tpu.memory_space<hbm>>) target(%arg12 : memref<50x128xf32, #tpu.memory_space<vmem>>) target_semaphore(%run_scoped3A_14 : memref<!tpu.dma_semaphore, #tpu.memory_space<semaphore_mem>>)
      %dma_wait3A = arith.constant 0 : i32
      %dma_wait3A_22 = arith.constant 0 : i32
      %dma_wait3A_23 = tpu.memref_slice %arg5[%add3A, %dma_wait3A, %dma_wait3A_22] : memref<32x50x128xf32, #tpu.memory_space<hbm>> -> memref<1x50x128xf32, #tpu.memory_space<hbm>>
      %dma_wait3A_24 = tpu.memref_squeeze %dma_wait3A_23 : memref<1x50x128xf32, #tpu.memory_space<hbm>> -> memref<50x128xf32, #tpu.memory_space<hbm>>
      %dma_wait3A_25 = arith.constant 0 : i32
      %dma_wait3A_26 = arith.constant 0 : i32
      %dma_wait3A_27 = tpu.memref_slice %arg5[%add3A, %dma_wait3A_25, %dma_wait3A_26] : memref<32x50x128xf32, #tpu.memory_space<hbm>> -> memref<1x50x128xf32, #tpu.memory_space<hbm>>
      %dma_wait3A_28 = tpu.memref_squeeze %dma_wait3A_27 : memref<1x50x128xf32, #tpu.memory_space<hbm>> -> memref<50x128xf32, #tpu.memory_space<hbm>>
      tpu.wait_dma2 semaphore(%run_scoped3A_14 : memref<!tpu.dma_semaphore, #tpu.memory_space<semaphore_mem>>) src(%dma_wait3A_28 : memref<50x128xf32, #tpu.memory_space<hbm>>) dst(%arg12 : memref<50x128xf32, #tpu.memory_space<vmem>>)
      tpu.yield
    }) : () -> ()
    "tpu.region"() ({
      %run_scoped3A_14 = tpu.sem_alloc : memref<!tpu.dma_semaphore, #tpu.memory_space<semaphore_mem>>
      tpu.enqueue_dma source(%arg6 : memref<640x32xf32, #tpu.memory_space<hbm>>) target(%arg16 : memref<640x32xf32, #tpu.memory_space<vmem>>) target_semaphore(%run_scoped3A_14 : memref<!tpu.dma_semaphore, #tpu.memory_space<semaphore_mem>>)
      tpu.wait_dma2 semaphore(%run_scoped3A_14 : memref<!tpu.dma_semaphore, #tpu.memory_space<semaphore_mem>>) src(%arg6 : memref<640x32xf32, #tpu.memory_space<hbm>>) dst(%arg16 : memref<640x32xf32, #tpu.memory_space<vmem>>)
      tpu.yield
    }) : () -> ()
    %broadcast_in_dim3A = arith.constant 0 : i32
    %broadcast_in_dim3A_7 = vector.broadcast %broadcast_in_dim3A : i32 to vector<16xi32>
    %iota3A = tpu.iota {dimensions = array<i32: 0>} : vector<16xi32>
    %scan3A = arith.constant 0 : i32
    %scan3A_8 = arith.constant 0 : i32
    %scan3A_9 = arith.constant 10 : i32
    %scan3A_10 = arith.addi %scan3A_8, %scan3A_9 : i32
    %scan3A_11 = arith.constant 1 : i32
    %scan3A_12 = scf.for %scan3A_14 = %scan3A_8 to %scan3A_10 step %scan3A_11 iter_args(%scan3A_15 = %scan3A) -> (i32)  : i32 {
      %mul3A_16 = arith.constant 640 : i32
      %mul3A_17 = arith.muli %scan3A_14, %mul3A_16 : i32
      %add3A_18 = arith.addi %mul3A_4, %mul3A_17 : i32
      %mul3A_19 = arith.constant 5 : i32
      %mul3A_20 = arith.muli %scan3A_14, %mul3A_19 : i32
      %add3A_21 = arith.constant 0 : i32
      %add3A_22 = arith.addi %mul3A_20, %add3A_21 : i32
      %dma_start3A = arith.constant 0 : i32
      %dma_start3A_23 = arith.constant 0 : i32
      %dma_start3A_24 = arith.constant 0 : i32
      %dma_start3A_25 = tpu.memref_slice %arg13[%dma_start3A_23, %dma_start3A_24] : memref<640x32xf32, #tpu.memory_space<vmem>> -> memref<128x32xf32, #tpu.memory_space<vmem>>
      %dma_start3A_26 = arith.constant 0 : i32
      %dma_start3A_27 = tpu.memref_slice %arg11[%dma_start3A, %add3A_22, %dma_start3A_26] : memref<3x50x128xi32, #tpu.memory_space<vmem>> -> memref<1x1x128xi32, #tpu.memory_space<vmem>>
      %dma_start3A_28 = tpu.memref_squeeze %dma_start3A_27 : memref<1x1x128xi32, #tpu.memory_space<vmem>> -> memref<128xi32, #tpu.memory_space<vmem>>
      %dma_start3A_29 = arith.constant 0 : i32
      %dma_start3A_30 = arith.constant 0 : i32
      %dma_start3A_31 = tpu.memref_slice %arg7[%dma_start3A_29, %dma_start3A_30] : memref<1007616x32xf32, #tpu.memory_space<hbm>> -> memref<1007616x32xf32, #tpu.memory_space<hbm>>
      tpu.enqueue_indirect_dma source(%dma_start3A_31 : memref<1007616x32xf32, #tpu.memory_space<hbm>>) target(%dma_start3A_25 : memref<128x32xf32, #tpu.memory_space<vmem>>) offsets(%dma_start3A_28 : memref<128xi32, #tpu.memory_space<vmem>>) semaphore(%arg17 : memref<!tpu.dma_semaphore, #tpu.memory_space<semaphore_mem>>)
      %mul3A_32 = arith.constant 5 : i32
      %mul3A_33 = arith.muli %scan3A_14, %mul3A_32 : i32
      %add3A_34 = arith.constant 1 : i32
      %add3A_35 = arith.addi %mul3A_33, %add3A_34 : i32
      %dma_start3A_36 = arith.constant 0 : i32
      %dma_start3A_37 = arith.constant 128 : i32
      %dma_start3A_38 = arith.constant 0 : i32
      %dma_start3A_39 = tpu.memref_slice %arg13[%dma_start3A_37, %dma_start3A_38] : memref<640x32xf32, #tpu.memory_space<vmem>> -> memref<128x32xf32, #tpu.memory_space<vmem>>
      %dma_start3A_40 = arith.constant 0 : i32
      %dma_start3A_41 = tpu.memref_slice %arg11[%dma_start3A_36, %add3A_35, %dma_start3A_40] : memref<3x50x128xi32, #tpu.memory_space<vmem>> -> memref<1x1x128xi32, #tpu.memory_space<vmem>>
      %dma_start3A_42 = tpu.memref_squeeze %dma_start3A_41 : memref<1x1x128xi32, #tpu.memory_space<vmem>> -> memref<128xi32, #tpu.memory_space<vmem>>
      %dma_start3A_43 = arith.constant 0 : i32
      %dma_start3A_44 = arith.constant 0 : i32
      %dma_start3A_45 = tpu.memref_slice %arg7[%dma_start3A_43, %dma_start3A_44] : memref<1007616x32xf32, #tpu.memory_space<hbm>> -> memref<1007616x32xf32, #tpu.memory_space<hbm>>
      tpu.enqueue_indirect_dma source(%dma_start3A_45 : memref<1007616x32xf32, #tpu.memory_space<hbm>>) target(%dma_start3A_39 : memref<128x32xf32, #tpu.memory_space<vmem>>) offsets(%dma_start3A_42 : memref<128xi32, #tpu.memory_space<vmem>>) semaphore(%arg17 : memref<!tpu.dma_semaphore, #tpu.memory_space<semaphore_mem>>)
      %mul3A_46 = arith.constant 5 : i32
      %mul3A_47 = arith.muli %scan3A_14, %mul3A_46 : i32
      %add3A_48 = arith.constant 2 : i32
      %add3A_49 = arith.addi %mul3A_47, %add3A_48 : i32
      %dma_start3A_50 = arith.constant 0 : i32
      %dma_start3A_51 = arith.constant 256 : i32
      %dma_start3A_52 = arith.constant 0 : i32
      %dma_start3A_53 = tpu.memref_slice %arg13[%dma_start3A_51, %dma_start3A_52] : memref<640x32xf32, #tpu.memory_space<vmem>> -> memref<128x32xf32, #tpu.memory_space<vmem>>
      %dma_start3A_54 = arith.constant 0 : i32
      %dma_start3A_55 = tpu.memref_slice %arg11[%dma_start3A_50, %add3A_49, %dma_start3A_54] : memref<3x50x128xi32, #tpu.memory_space<vmem>> -> memref<1x1x128xi32, #tpu.memory_space<vmem>>
      %dma_start3A_56 = tpu.memref_squeeze %dma_start3A_55 : memref<1x1x128xi32, #tpu.memory_space<vmem>> -> memref<128xi32, #tpu.memory_space<vmem>>
      %dma_start3A_57 = arith.constant 0 : i32
      %dma_start3A_58 = arith.constant 0 : i32
      %dma_start3A_59 = tpu.memref_slice %arg7[%dma_start3A_57, %dma_start3A_58] : memref<1007616x32xf32, #tpu.memory_space<hbm>> -> memref<1007616x32xf32, #tpu.memory_space<hbm>>
      tpu.enqueue_indirect_dma source(%dma_start3A_59 : memref<1007616x32xf32, #tpu.memory_space<hbm>>) target(%dma_start3A_53 : memref<128x32xf32, #tpu.memory_space<vmem>>) offsets(%dma_start3A_56 : memref<128xi32, #tpu.memory_space<vmem>>) semaphore(%arg17 : memref<!tpu.dma_semaphore, #tpu.memory_space<semaphore_mem>>)
      %mul3A_60 = arith.constant 5 : i32
      %mul3A_61 = arith.muli %scan3A_14, %mul3A_60 : i32
      %add3A_62 = arith.constant 3 : i32
      %add3A_63 = arith.addi %mul3A_61, %add3A_62 : i32
      %dma_start3A_64 = arith.constant 0 : i32
      %dma_start3A_65 = arith.constant 384 : i32
      %dma_start3A_66 = arith.constant 0 : i32
      %dma_start3A_67 = tpu.memref_slice %arg13[%dma_start3A_65, %dma_start3A_66] : memref<640x32xf32, #tpu.memory_space<vmem>> -> memref<128x32xf32, #tpu.memory_space<vmem>>
      %dma_start3A_68 = arith.constant 0 : i32
      %dma_start3A_69 = tpu.memref_slice %arg11[%dma_start3A_64, %add3A_63, %dma_start3A_68] : memref<3x50x128xi32, #tpu.memory_space<vmem>> -> memref<1x1x128xi32, #tpu.memory_space<vmem>>
      %dma_start3A_70 = tpu.memref_squeeze %dma_start3A_69 : memref<1x1x128xi32, #tpu.memory_space<vmem>> -> memref<128xi32, #tpu.memory_space<vmem>>
      %dma_start3A_71 = arith.constant 0 : i32
      %dma_start3A_72 = arith.constant 0 : i32
      %dma_start3A_73 = tpu.memref_slice %arg7[%dma_start3A_71, %dma_start3A_72] : memref<1007616x32xf32, #tpu.memory_space<hbm>> -> memref<1007616x32xf32, #tpu.memory_space<hbm>>
      tpu.enqueue_indirect_dma source(%dma_start3A_73 : memref<1007616x32xf32, #tpu.memory_space<hbm>>) target(%dma_start3A_67 : memref<128x32xf32, #tpu.memory_space<vmem>>) offsets(%dma_start3A_70 : memref<128xi32, #tpu.memory_space<vmem>>) semaphore(%arg17 : memref<!tpu.dma_semaphore, #tpu.memory_space<semaphore_mem>>)
      %mul3A_74 = arith.constant 5 : i32
      %mul3A_75 = arith.muli %scan3A_14, %mul3A_74 : i32
      %add3A_76 = arith.constant 4 : i32
      %add3A_77 = arith.addi %mul3A_75, %add3A_76 : i32
      %dma_start3A_78 = arith.constant 0 : i32
      %dma_start3A_79 = arith.constant 512 : i32
      %dma_start3A_80 = arith.constant 0 : i32
      %dma_start3A_81 = tpu.memref_slice %arg13[%dma_start3A_79, %dma_start3A_80] : memref<640x32xf32, #tpu.memory_space<vmem>> -> memref<128x32xf32, #tpu.memory_space<vmem>>
      %dma_start3A_82 = arith.constant 0 : i32
      %dma_start3A_83 = tpu.memref_slice %arg11[%dma_start3A_78, %add3A_77, %dma_start3A_82] : memref<3x50x128xi32, #tpu.memory_space<vmem>> -> memref<1x1x128xi32, #tpu.memory_space<vmem>>
      %dma_start3A_84 = tpu.memref_squeeze %dma_start3A_83 : memref<1x1x128xi32, #tpu.memory_space<vmem>> -> memref<128xi32, #tpu.memory_space<vmem>>
      %dma_start3A_85 = arith.constant 0 : i32
      %dma_start3A_86 = arith.constant 0 : i32
      %dma_start3A_87 = tpu.memref_slice %arg7[%dma_start3A_85, %dma_start3A_86] : memref<1007616x32xf32, #tpu.memory_space<hbm>> -> memref<1007616x32xf32, #tpu.memory_space<hbm>>
      tpu.enqueue_indirect_dma source(%dma_start3A_87 : memref<1007616x32xf32, #tpu.memory_space<hbm>>) target(%dma_start3A_81 : memref<128x32xf32, #tpu.memory_space<vmem>>) offsets(%dma_start3A_84 : memref<128xi32, #tpu.memory_space<vmem>>) semaphore(%arg17 : memref<!tpu.dma_semaphore, #tpu.memory_space<semaphore_mem>>)
      %mul3A_88 = arith.constant 5 : i32
      %mul3A_89 = arith.muli %scan3A_14, %mul3A_88 : i32
      %add3A_90 = arith.constant 0 : i32
      %add3A_91 = arith.addi %mul3A_89, %add3A_90 : i32
      %dma_start3A_92 = arith.constant 1 : i32
      %dma_start3A_93 = arith.constant 0 : i32
      %dma_start3A_94 = arith.constant 0 : i32
      %dma_start3A_95 = tpu.memref_slice %arg14[%dma_start3A_93, %dma_start3A_94] : memref<640x32xf32, #tpu.memory_space<vmem>> -> memref<128x32xf32, #tpu.memory_space<vmem>>
      %dma_start3A_96 = arith.constant 0 : i32
      %dma_start3A_97 = tpu.memref_slice %arg11[%dma_start3A_92, %add3A_91, %dma_start3A_96] : memref<3x50x128xi32, #tpu.memory_space<vmem>> -> memref<1x1x128xi32, #tpu.memory_space<vmem>>
      %dma_start3A_98 = tpu.memref_squeeze %dma_start3A_97 : memref<1x1x128xi32, #tpu.memory_space<vmem>> -> memref<128xi32, #tpu.memory_space<vmem>>
      %dma_start3A_99 = arith.constant 0 : i32
      %dma_start3A_100 = arith.constant 0 : i32
      %dma_start3A_101 = tpu.memref_slice %arg8[%dma_start3A_99, %dma_start3A_100] : memref<106496x32xf32, #tpu.memory_space<hbm>> -> memref<106496x32xf32, #tpu.memory_space<hbm>>
      tpu.enqueue_indirect_dma source(%dma_start3A_101 : memref<106496x32xf32, #tpu.memory_space<hbm>>) target(%dma_start3A_95 : memref<128x32xf32, #tpu.memory_space<vmem>>) offsets(%dma_start3A_98 : memref<128xi32, #tpu.memory_space<vmem>>) semaphore(%arg17 : memref<!tpu.dma_semaphore, #tpu.memory_space<semaphore_mem>>)
      %mul3A_102 = arith.constant 5 : i32
      %mul3A_103 = arith.muli %scan3A_14, %mul3A_102 : i32
      %add3A_104 = arith.constant 1 : i32
      %add3A_105 = arith.addi %mul3A_103, %add3A_104 : i32
      %dma_start3A_106 = arith.constant 1 : i32
      %dma_start3A_107 = arith.constant 128 : i32
      %dma_start3A_108 = arith.constant 0 : i32
      %dma_start3A_109 = tpu.memref_slice %arg14[%dma_start3A_107, %dma_start3A_108] : memref<640x32xf32, #tpu.memory_space<vmem>> -> memref<128x32xf32, #tpu.memory_space<vmem>>
      %dma_start3A_110 = arith.constant 0 : i32
      %dma_start3A_111 = tpu.memref_slice %arg11[%dma_start3A_106, %add3A_105, %dma_start3A_110] : memref<3x50x128xi32, #tpu.memory_space<vmem>> -> memref<1x1x128xi32, #tpu.memory_space<vmem>>
      %dma_start3A_112 = tpu.memref_squeeze %dma_start3A_111 : memref<1x1x128xi32, #tpu.memory_space<vmem>> -> memref<128xi32, #tpu.memory_space<vmem>>
      %dma_start3A_113 = arith.constant 0 : i32
      %dma_start3A_114 = arith.constant 0 : i32
      %dma_start3A_115 = tpu.memref_slice %arg8[%dma_start3A_113, %dma_start3A_114] : memref<106496x32xf32, #tpu.memory_space<hbm>> -> memref<106496x32xf32, #tpu.memory_space<hbm>>
      tpu.enqueue_indirect_dma source(%dma_start3A_115 : memref<106496x32xf32, #tpu.memory_space<hbm>>) target(%dma_start3A_109 : memref<128x32xf32, #tpu.memory_space<vmem>>) offsets(%dma_start3A_112 : memref<128xi32, #tpu.memory_space<vmem>>) semaphore(%arg17 : memref<!tpu.dma_semaphore, #tpu.memory_space<semaphore_mem>>)
      %mul3A_116 = arith.constant 5 : i32
      %mul3A_117 = arith.muli %scan3A_14, %mul3A_116 : i32
      %add3A_118 = arith.constant 2 : i32
      %add3A_119 = arith.addi %mul3A_117, %add3A_118 : i32
      %dma_start3A_120 = arith.constant 1 : i32
      %dma_start3A_121 = arith.constant 256 : i32
      %dma_start3A_122 = arith.constant 0 : i32
      %dma_start3A_123 = tpu.memref_slice %arg14[%dma_start3A_121, %dma_start3A_122] : memref<640x32xf32, #tpu.memory_space<vmem>> -> memref<128x32xf32, #tpu.memory_space<vmem>>
      %dma_start3A_124 = arith.constant 0 : i32
      %dma_start3A_125 = tpu.memref_slice %arg11[%dma_start3A_120, %add3A_119, %dma_start3A_124] : memref<3x50x128xi32, #tpu.memory_space<vmem>> -> memref<1x1x128xi32, #tpu.memory_space<vmem>>
      %dma_start3A_126 = tpu.memref_squeeze %dma_start3A_125 : memref<1x1x128xi32, #tpu.memory_space<vmem>> -> memref<128xi32, #tpu.memory_space<vmem>>
      %dma_start3A_127 = arith.constant 0 : i32
      %dma_start3A_128 = arith.constant 0 : i32
      %dma_start3A_129 = tpu.memref_slice %arg8[%dma_start3A_127, %dma_start3A_128] : memref<106496x32xf32, #tpu.memory_space<hbm>> -> memref<106496x32xf32, #tpu.memory_space<hbm>>
      tpu.enqueue_indirect_dma source(%dma_start3A_129 : memref<106496x32xf32, #tpu.memory_space<hbm>>) target(%dma_start3A_123 : memref<128x32xf32, #tpu.memory_space<vmem>>) offsets(%dma_start3A_126 : memref<128xi32, #tpu.memory_space<vmem>>) semaphore(%arg17 : memref<!tpu.dma_semaphore, #tpu.memory_space<semaphore_mem>>)
      %mul3A_130 = arith.constant 5 : i32
      %mul3A_131 = arith.muli %scan3A_14, %mul3A_130 : i32
      %add3A_132 = arith.constant 3 : i32
      %add3A_133 = arith.addi %mul3A_131, %add3A_132 : i32
      %dma_start3A_134 = arith.constant 1 : i32
      %dma_start3A_135 = arith.constant 384 : i32
      %dma_start3A_136 = arith.constant 0 : i32
      %dma_start3A_137 = tpu.memref_slice %arg14[%dma_start3A_135, %dma_start3A_136] : memref<640x32xf32, #tpu.memory_space<vmem>> -> memref<128x32xf32, #tpu.memory_space<vmem>>
      %dma_start3A_138 = arith.constant 0 : i32
      %dma_start3A_139 = tpu.memref_slice %arg11[%dma_start3A_134, %add3A_133, %dma_start3A_138] : memref<3x50x128xi32, #tpu.memory_space<vmem>> -> memref<1x1x128xi32, #tpu.memory_space<vmem>>
      %dma_start3A_140 = tpu.memref_squeeze %dma_start3A_139 : memref<1x1x128xi32, #tpu.memory_space<vmem>> -> memref<128xi32, #tpu.memory_space<vmem>>
      %dma_start3A_141 = arith.constant 0 : i32
      %dma_start3A_142 = arith.constant 0 : i32
      %dma_start3A_143 = tpu.memref_slice %arg8[%dma_start3A_141, %dma_start3A_142] : memref<106496x32xf32, #tpu.memory_space<hbm>> -> memref<106496x32xf32, #tpu.memory_space<hbm>>
      tpu.enqueue_indirect_dma source(%dma_start3A_143 : memref<106496x32xf32, #tpu.memory_space<hbm>>) target(%dma_start3A_137 : memref<128x32xf32, #tpu.memory_space<vmem>>) offsets(%dma_start3A_140 : memref<128xi32, #tpu.memory_space<vmem>>) semaphore(%arg17 : memref<!tpu.dma_semaphore, #tpu.memory_space<semaphore_mem>>)
      %mul3A_144 = arith.constant 5 : i32
      %mul3A_145 = arith.muli %scan3A_14, %mul3A_144 : i32
      %add3A_146 = arith.constant 4 : i32
      %add3A_147 = arith.addi %mul3A_145, %add3A_146 : i32
      %dma_start3A_148 = arith.constant 1 : i32
      %dma_start3A_149 = arith.constant 512 : i32
      %dma_start3A_150 = arith.constant 0 : i32
      %dma_start3A_151 = tpu.memref_slice %arg14[%dma_start3A_149, %dma_start3A_150] : memref<640x32xf32, #tpu.memory_space<vmem>> -> memref<128x32xf32, #tpu.memory_space<vmem>>
      %dma_start3A_152 = arith.constant 0 : i32
      %dma_start3A_153 = tpu.memref_slice %arg11[%dma_start3A_148, %add3A_147, %dma_start3A_152] : memref<3x50x128xi32, #tpu.memory_space<vmem>> -> memref<1x1x128xi32, #tpu.memory_space<vmem>>
      %dma_start3A_154 = tpu.memref_squeeze %dma_start3A_153 : memref<1x1x128xi32, #tpu.memory_space<vmem>> -> memref<128xi32, #tpu.memory_space<vmem>>
      %dma_start3A_155 = arith.constant 0 : i32
      %dma_start3A_156 = arith.constant 0 : i32
      %dma_start3A_157 = tpu.memref_slice %arg8[%dma_start3A_155, %dma_start3A_156] : memref<106496x32xf32, #tpu.memory_space<hbm>> -> memref<106496x32xf32, #tpu.memory_space<hbm>>
      tpu.enqueue_indirect_dma source(%dma_start3A_157 : memref<106496x32xf32, #tpu.memory_space<hbm>>) target(%dma_start3A_151 : memref<128x32xf32, #tpu.memory_space<vmem>>) offsets(%dma_start3A_154 : memref<128xi32, #tpu.memory_space<vmem>>) semaphore(%arg17 : memref<!tpu.dma_semaphore, #tpu.memory_space<semaphore_mem>>)
      %mul3A_158 = arith.constant 5 : i32
      %mul3A_159 = arith.muli %scan3A_14, %mul3A_158 : i32
      %add3A_160 = arith.constant 0 : i32
      %add3A_161 = arith.addi %mul3A_159, %add3A_160 : i32
      %dma_start3A_162 = arith.constant 2 : i32
      %dma_start3A_163 = arith.constant 0 : i32
      %dma_start3A_164 = arith.constant 0 : i32
      %dma_start3A_165 = tpu.memref_slice %arg15[%dma_start3A_163, %dma_start3A_164] : memref<640x32xf32, #tpu.memory_space<vmem>> -> memref<128x32xf32, #tpu.memory_space<vmem>>
      %dma_start3A_166 = arith.constant 0 : i32
      %dma_start3A_167 = tpu.memref_slice %arg11[%dma_start3A_162, %add3A_161, %dma_start3A_166] : memref<3x50x128xi32, #tpu.memory_space<vmem>> -> memref<1x1x128xi32, #tpu.memory_space<vmem>>
      %dma_start3A_168 = tpu.memref_squeeze %dma_start3A_167 : memref<1x1x128xi32, #tpu.memory_space<vmem>> -> memref<128xi32, #tpu.memory_space<vmem>>
      %dma_start3A_169 = arith.constant 0 : i32
      %dma_start3A_170 = arith.constant 0 : i32
      %dma_start3A_171 = tpu.memref_slice %arg9[%dma_start3A_169, %dma_start3A_170] : memref<106496x32xf32, #tpu.memory_space<hbm>> -> memref<106496x32xf32, #tpu.memory_space<hbm>>
      tpu.enqueue_indirect_dma source(%dma_start3A_171 : memref<106496x32xf32, #tpu.memory_space<hbm>>) target(%dma_start3A_165 : memref<128x32xf32, #tpu.memory_space<vmem>>) offsets(%dma_start3A_168 : memref<128xi32, #tpu.memory_space<vmem>>) semaphore(%arg17 : memref<!tpu.dma_semaphore, #tpu.memory_space<semaphore_mem>>)
      %mul3A_172 = arith.constant 5 : i32
      %mul3A_173 = arith.muli %scan3A_14, %mul3A_172 : i32
      %add3A_174 = arith.constant 1 : i32
      %add3A_175 = arith.addi %mul3A_173, %add3A_174 : i32
      %dma_start3A_176 = arith.constant 2 : i32
      %dma_start3A_177 = arith.constant 128 : i32
      %dma_start3A_178 = arith.constant 0 : i32
      %dma_start3A_179 = tpu.memref_slice %arg15[%dma_start3A_177, %dma_start3A_178] : memref<640x32xf32, #tpu.memory_space<vmem>> -> memref<128x32xf32, #tpu.memory_space<vmem>>
      %dma_start3A_180 = arith.constant 0 : i32
      %dma_start3A_181 = tpu.memref_slice %arg11[%dma_start3A_176, %add3A_175, %dma_start3A_180] : memref<3x50x128xi32, #tpu.memory_space<vmem>> -> memref<1x1x128xi32, #tpu.memory_space<vmem>>
      %dma_start3A_182 = tpu.memref_squeeze %dma_start3A_181 : memref<1x1x128xi32, #tpu.memory_space<vmem>> -> memref<128xi32, #tpu.memory_space<vmem>>
      %dma_start3A_183 = arith.constant 0 : i32
      %dma_start3A_184 = arith.constant 0 : i32
      %dma_start3A_185 = tpu.memref_slice %arg9[%dma_start3A_183, %dma_start3A_184] : memref<106496x32xf32, #tpu.memory_space<hbm>> -> memref<106496x32xf32, #tpu.memory_space<hbm>>
      tpu.enqueue_indirect_dma source(%dma_start3A_185 : memref<106496x32xf32, #tpu.memory_space<hbm>>) target(%dma_start3A_179 : memref<128x32xf32, #tpu.memory_space<vmem>>) offsets(%dma_start3A_182 : memref<128xi32, #tpu.memory_space<vmem>>) semaphore(%arg17 : memref<!tpu.dma_semaphore, #tpu.memory_space<semaphore_mem>>)
      %mul3A_186 = arith.constant 5 : i32
      %mul3A_187 = arith.muli %scan3A_14, %mul3A_186 : i32
      %add3A_188 = arith.constant 2 : i32
      %add3A_189 = arith.addi %mul3A_187, %add3A_188 : i32
      %dma_start3A_190 = arith.constant 2 : i32
      %dma_start3A_191 = arith.constant 256 : i32
      %dma_start3A_192 = arith.constant 0 : i32
      %dma_start3A_193 = tpu.memref_slice %arg15[%dma_start3A_191, %dma_start3A_192] : memref<640x32xf32, #tpu.memory_space<vmem>> -> memref<128x32xf32, #tpu.memory_space<vmem>>
      %dma_start3A_194 = arith.constant 0 : i32
      %dma_start3A_195 = tpu.memref_slice %arg11[%dma_start3A_190, %add3A_189, %dma_start3A_194] : memref<3x50x128xi32, #tpu.memory_space<vmem>> -> memref<1x1x128xi32, #tpu.memory_space<vmem>>
      %dma_start3A_196 = tpu.memref_squeeze %dma_start3A_195 : memref<1x1x128xi32, #tpu.memory_space<vmem>> -> memref<128xi32, #tpu.memory_space<vmem>>
      %dma_start3A_197 = arith.constant 0 : i32
      %dma_start3A_198 = arith.constant 0 : i32
      %dma_start3A_199 = tpu.memref_slice %arg9[%dma_start3A_197, %dma_start3A_198] : memref<106496x32xf32, #tpu.memory_space<hbm>> -> memref<106496x32xf32, #tpu.memory_space<hbm>>
      tpu.enqueue_indirect_dma source(%dma_start3A_199 : memref<106496x32xf32, #tpu.memory_space<hbm>>) target(%dma_start3A_193 : memref<128x32xf32, #tpu.memory_space<vmem>>) offsets(%dma_start3A_196 : memref<128xi32, #tpu.memory_space<vmem>>) semaphore(%arg17 : memref<!tpu.dma_semaphore, #tpu.memory_space<semaphore_mem>>)
      %mul3A_200 = arith.constant 5 : i32
      %mul3A_201 = arith.muli %scan3A_14, %mul3A_200 : i32
      %add3A_202 = arith.constant 3 : i32
      %add3A_203 = arith.addi %mul3A_201, %add3A_202 : i32
      %dma_start3A_204 = arith.constant 2 : i32
      %dma_start3A_205 = arith.constant 384 : i32
      %dma_start3A_206 = arith.constant 0 : i32
      %dma_start3A_207 = tpu.memref_slice %arg15[%dma_start3A_205, %dma_start3A_206] : memref<640x32xf32, #tpu.memory_space<vmem>> -> memref<128x32xf32, #tpu.memory_space<vmem>>
      %dma_start3A_208 = arith.constant 0 : i32
      %dma_start3A_209 = tpu.memref_slice %arg11[%dma_start3A_204, %add3A_203, %dma_start3A_208] : memref<3x50x128xi32, #tpu.memory_space<vmem>> -> memref<1x1x128xi32, #tpu.memory_space<vmem>>
      %dma_start3A_210 = tpu.memref_squeeze %dma_start3A_209 : memref<1x1x128xi32, #tpu.memory_space<vmem>> -> memref<128xi32, #tpu.memory_space<vmem>>
      %dma_start3A_211 = arith.constant 0 : i32
      %dma_start3A_212 = arith.constant 0 : i32
      %dma_start3A_213 = tpu.memref_slice %arg9[%dma_start3A_211, %dma_start3A_212] : memref<106496x32xf32, #tpu.memory_space<hbm>> -> memref<106496x32xf32, #tpu.memory_space<hbm>>
      tpu.enqueue_indirect_dma source(%dma_start3A_213 : memref<106496x32xf32, #tpu.memory_space<hbm>>) target(%dma_start3A_207 : memref<128x32xf32, #tpu.memory_space<vmem>>) offsets(%dma_start3A_210 : memref<128xi32, #tpu.memory_space<vmem>>) semaphore(%arg17 : memref<!tpu.dma_semaphore, #tpu.memory_space<semaphore_mem>>)
      %mul3A_214 = arith.constant 5 : i32
      %mul3A_215 = arith.muli %scan3A_14, %mul3A_214 : i32
      %add3A_216 = arith.constant 4 : i32
      %add3A_217 = arith.addi %mul3A_215, %add3A_216 : i32
      %dma_start3A_218 = arith.constant 2 : i32
      %dma_start3A_219 = arith.constant 512 : i32
      %dma_start3A_220 = arith.constant 0 : i32
      %dma_start3A_221 = tpu.memref_slice %arg15[%dma_start3A_219, %dma_start3A_220] : memref<640x32xf32, #tpu.memory_space<vmem>> -> memref<128x32xf32, #tpu.memory_space<vmem>>
      %dma_start3A_222 = arith.constant 0 : i32
      %dma_start3A_223 = tpu.memref_slice %arg11[%dma_start3A_218, %add3A_217, %dma_start3A_222] : memref<3x50x128xi32, #tpu.memory_space<vmem>> -> memref<1x1x128xi32, #tpu.memory_space<vmem>>
      %dma_start3A_224 = tpu.memref_squeeze %dma_start3A_223 : memref<1x1x128xi32, #tpu.memory_space<vmem>> -> memref<128xi32, #tpu.memory_space<vmem>>
      %dma_start3A_225 = arith.constant 0 : i32
      %dma_start3A_226 = arith.constant 0 : i32
      %dma_start3A_227 = tpu.memref_slice %arg9[%dma_start3A_225, %dma_start3A_226] : memref<106496x32xf32, #tpu.memory_space<hbm>> -> memref<106496x32xf32, #tpu.memory_space<hbm>>
      tpu.enqueue_indirect_dma source(%dma_start3A_227 : memref<106496x32xf32, #tpu.memory_space<hbm>>) target(%dma_start3A_221 : memref<128x32xf32, #tpu.memory_space<vmem>>) offsets(%dma_start3A_224 : memref<128xi32, #tpu.memory_space<vmem>>) semaphore(%arg17 : memref<!tpu.dma_semaphore, #tpu.memory_space<semaphore_mem>>)
      %mul3A_228 = arith.constant 5 : i32
      %mul3A_229 = arith.muli %scan3A_14, %mul3A_228 : i32
      %add3A_230 = arith.constant 0 : i32
      %add3A_231 = arith.addi %mul3A_229, %add3A_230 : i32
      %get3A = arith.index_cast %add3A_231 : i32 to index
      %get3A_232 = arith.constant 0 : index
      %get3A_233 = tpu.vector_load %arg12[%get3A, %get3A_232] {strides = array<i32>} : memref<50x128xf32, #tpu.memory_space<vmem>>, vector<16xf32>,
      %add3A_234 = arith.constant 0 : i32
      %add3A_235 = vector.broadcast %add3A_234 : i32 to vector<16xi32>
      %add3A_236 = arith.addi %iota3A, %add3A_235 : vector<16xi32>
      tpu.vector_store_idx %arg16[%add3A_236, %broadcast_in_dim3A_7], %get3A_233 : memref<640x32xf32, #tpu.memory_space<vmem>>[vector<16xi32>, vector<16xi32>], vector<16xf32>,
      %get3A_237 = arith.index_cast %add3A_231 : i32 to index
      %get3A_238 = arith.constant 16 : index
      %get3A_239 = tpu.vector_load %arg12[%get3A_237, %get3A_238] {strides = array<i32>} : memref<50x128xf32, #tpu.memory_space<vmem>>, vector<16xf32>,
      %add3A_240 = arith.constant 16 : i32
      %add3A_241 = vector.broadcast %add3A_240 : i32 to vector<16xi32>
      %add3A_242 = arith.addi %iota3A, %add3A_241 : vector<16xi32>
      tpu.vector_store_idx %arg16[%add3A_242, %broadcast_in_dim3A_7], %get3A_239 : memref<640x32xf32, #tpu.memory_space<vmem>>[vector<16xi32>, vector<16xi32>], vector<16xf32>,
      %get3A_243 = arith.index_cast %add3A_231 : i32 to index
      %get3A_244 = arith.constant 32 : index
      %get3A_245 = tpu.vector_load %arg12[%get3A_243, %get3A_244] {strides = array<i32>} : memref<50x128xf32, #tpu.memory_space<vmem>>, vector<16xf32>,
      %add3A_246 = arith.constant 32 : i32
      %add3A_247 = vector.broadcast %add3A_246 : i32 to vector<16xi32>
      %add3A_248 = arith.addi %iota3A, %add3A_247 : vector<16xi32>
      tpu.vector_store_idx %arg16[%add3A_248, %broadcast_in_dim3A_7], %get3A_245 : memref<640x32xf32, #tpu.memory_space<vmem>>[vector<16xi32>, vector<16xi32>], vector<16xf32>,
      %get3A_249 = arith.index_cast %add3A_231 : i32 to index
      %get3A_250 = arith.constant 48 : index
      %get3A_251 = tpu.vector_load %arg12[%get3A_249, %get3A_250] {strides = array<i32>} : memref<50x128xf32, #tpu.memory_space<vmem>>, vector<16xf32>,
      %add3A_252 = arith.constant 48 : i32
      %add3A_253 = vector.broadcast %add3A_252 : i32 to vector<16xi32>
      %add3A_254 = arith.addi %iota3A, %add3A_253 : vector<16xi32>
      tpu.vector_store_idx %arg16[%add3A_254, %broadcast_in_dim3A_7], %get3A_251 : memref<640x32xf32, #tpu.memory_space<vmem>>[vector<16xi32>, vector<16xi32>], vector<16xf32>,
      %get3A_255 = arith.index_cast %add3A_231 : i32 to index
      %get3A_256 = arith.constant 64 : index
      %get3A_257 = tpu.vector_load %arg12[%get3A_255, %get3A_256] {strides = array<i32>} : memref<50x128xf32, #tpu.memory_space<vmem>>, vector<16xf32>,
      %add3A_258 = arith.constant 64 : i32
      %add3A_259 = vector.broadcast %add3A_258 : i32 to vector<16xi32>
      %add3A_260 = arith.addi %iota3A, %add3A_259 : vector<16xi32>
      tpu.vector_store_idx %arg16[%add3A_260, %broadcast_in_dim3A_7], %get3A_257 : memref<640x32xf32, #tpu.memory_space<vmem>>[vector<16xi32>, vector<16xi32>], vector<16xf32>,
      %get3A_261 = arith.index_cast %add3A_231 : i32 to index
      %get3A_262 = arith.constant 80 : index
      %get3A_263 = tpu.vector_load %arg12[%get3A_261, %get3A_262] {strides = array<i32>} : memref<50x128xf32, #tpu.memory_space<vmem>>, vector<16xf32>,
      %add3A_264 = arith.constant 80 : i32
      %add3A_265 = vector.broadcast %add3A_264 : i32 to vector<16xi32>
      %add3A_266 = arith.addi %iota3A, %add3A_265 : vector<16xi32>
      tpu.vector_store_idx %arg16[%add3A_266, %broadcast_in_dim3A_7], %get3A_263 : memref<640x32xf32, #tpu.memory_space<vmem>>[vector<16xi32>, vector<16xi32>], vector<16xf32>,
      %get3A_267 = arith.index_cast %add3A_231 : i32 to index
      %get3A_268 = arith.constant 96 : index
      %get3A_269 = tpu.vector_load %arg12[%get3A_267, %get3A_268] {strides = array<i32>} : memref<50x128xf32, #tpu.memory_space<vmem>>, vector<16xf32>,
      %add3A_270 = arith.constant 96 : i32
      %add3A_271 = vector.broadcast %add3A_270 : i32 to vector<16xi32>
      %add3A_272 = arith.addi %iota3A, %add3A_271 : vector<16xi32>
      tpu.vector_store_idx %arg16[%add3A_272, %broadcast_in_dim3A_7], %get3A_269 : memref<640x32xf32, #tpu.memory_space<vmem>>[vector<16xi32>, vector<16xi32>], vector<16xf32>,
      %get3A_273 = arith.index_cast %add3A_231 : i32 to index
      %get3A_274 = arith.constant 112 : index
      %get3A_275 = tpu.vector_load %arg12[%get3A_273, %get3A_274] {strides = array<i32>} : memref<50x128xf32, #tpu.memory_space<vmem>>, vector<16xf32>,
      %add3A_276 = arith.constant 112 : i32
      %add3A_277 = vector.broadcast %add3A_276 : i32 to vector<16xi32>
      %add3A_278 = arith.addi %iota3A, %add3A_277 : vector<16xi32>
      tpu.vector_store_idx %arg16[%add3A_278, %broadcast_in_dim3A_7], %get3A_275 : memref<640x32xf32, #tpu.memory_space<vmem>>[vector<16xi32>, vector<16xi32>], vector<16xf32>,
      %mul3A_279 = arith.constant 5 : i32
      %mul3A_280 = arith.muli %scan3A_14, %mul3A_279 : i32
      %add3A_281 = arith.constant 1 : i32
      %add3A_282 = arith.addi %mul3A_280, %add3A_281 : i32
      %get3A_283 = arith.index_cast %add3A_282 : i32 to index
      %get3A_284 = arith.constant 0 : index
      %get3A_285 = tpu.vector_load %arg12[%get3A_283, %get3A_284] {strides = array<i32>} : memref<50x128xf32, #tpu.memory_space<vmem>>, vector<16xf32>,
      %add3A_286 = arith.constant 128 : i32
      %add3A_287 = vector.broadcast %add3A_286 : i32 to vector<16xi32>
      %add3A_288 = arith.addi %iota3A, %add3A_287 : vector<16xi32>
      tpu.vector_store_idx %arg16[%add3A_288, %broadcast_in_dim3A_7], %get3A_285 : memref<640x32xf32, #tpu.memory_space<vmem>>[vector<16xi32>, vector<16xi32>], vector<16xf32>,
      %get3A_289 = arith.index_cast %add3A_282 : i32 to index
      %get3A_290 = arith.constant 16 : index
      %get3A_291 = tpu.vector_load %arg12[%get3A_289, %get3A_290] {strides = array<i32>} : memref<50x128xf32, #tpu.memory_space<vmem>>, vector<16xf32>,
      %add3A_292 = arith.constant 144 : i32
      %add3A_293 = vector.broadcast %add3A_292 : i32 to vector<16xi32>
      %add3A_294 = arith.addi %iota3A, %add3A_293 : vector<16xi32>
      tpu.vector_store_idx %arg16[%add3A_294, %broadcast_in_dim3A_7], %get3A_291 : memref<640x32xf32, #tpu.memory_space<vmem>>[vector<16xi32>, vector<16xi32>], vector<16xf32>,
      %get3A_295 = arith.index_cast %add3A_282 : i32 to index
      %get3A_296 = arith.constant 32 : index
      %get3A_297 = tpu.vector_load %arg12[%get3A_295, %get3A_296] {strides = array<i32>} : memref<50x128xf32, #tpu.memory_space<vmem>>, vector<16xf32>,
      %add3A_298 = arith.constant 160 : i32
      %add3A_299 = vector.broadcast %add3A_298 : i32 to vector<16xi32>
      %add3A_300 = arith.addi %iota3A, %add3A_299 : vector<16xi32>
      tpu.vector_store_idx %arg16[%add3A_300, %broadcast_in_dim3A_7], %get3A_297 : memref<640x32xf32, #tpu.memory_space<vmem>>[vector<16xi32>, vector<16xi32>], vector<16xf32>,
      %get3A_301 = arith.index_cast %add3A_282 : i32 to index
      %get3A_302 = arith.constant 48 : index
      %get3A_303 = tpu.vector_load %arg12[%get3A_301, %get3A_302] {strides = array<i32>} : memref<50x128xf32, #tpu.memory_space<vmem>>, vector<16xf32>,
      %add3A_304 = arith.constant 176 : i32
      %add3A_305 = vector.broadcast %add3A_304 : i32 to vector<16xi32>
      %add3A_306 = arith.addi %iota3A, %add3A_305 : vector<16xi32>
      tpu.vector_store_idx %arg16[%add3A_306, %broadcast_in_dim3A_7], %get3A_303 : memref<640x32xf32, #tpu.memory_space<vmem>>[vector<16xi32>, vector<16xi32>], vector<16xf32>,
      %get3A_307 = arith.index_cast %add3A_282 : i32 to index
      %get3A_308 = arith.constant 64 : index
      %get3A_309 = tpu.vector_load %arg12[%get3A_307, %get3A_308] {strides = array<i32>} : memref<50x128xf32, #tpu.memory_space<vmem>>, vector<16xf32>,
      %add3A_310 = arith.constant 192 : i32
      %add3A_311 = vector.broadcast %add3A_310 : i32 to vector<16xi32>
      %add3A_312 = arith.addi %iota3A, %add3A_311 : vector<16xi32>
      tpu.vector_store_idx %arg16[%add3A_312, %broadcast_in_dim3A_7], %get3A_309 : memref<640x32xf32, #tpu.memory_space<vmem>>[vector<16xi32>, vector<16xi32>], vector<16xf32>,
      %get3A_313 = arith.index_cast %add3A_282 : i32 to index
      %get3A_314 = arith.constant 80 : index
      %get3A_315 = tpu.vector_load %arg12[%get3A_313, %get3A_314] {strides = array<i32>} : memref<50x128xf32, #tpu.memory_space<vmem>>, vector<16xf32>,
      %add3A_316 = arith.constant 208 : i32
      %add3A_317 = vector.broadcast %add3A_316 : i32 to vector<16xi32>
      %add3A_318 = arith.addi %iota3A, %add3A_317 : vector<16xi32>
      tpu.vector_store_idx %arg16[%add3A_318, %broadcast_in_dim3A_7], %get3A_315 : memref<640x32xf32, #tpu.memory_space<vmem>>[vector<16xi32>, vector<16xi32>], vector<16xf32>,
      %get3A_319 = arith.index_cast %add3A_282 : i32 to index
      %get3A_320 = arith.constant 96 : index
      %get3A_321 = tpu.vector_load %arg12[%get3A_319, %get3A_320] {strides = array<i32>} : memref<50x128xf32, #tpu.memory_space<vmem>>, vector<16xf32>,
      %add3A_322 = arith.constant 224 : i32
      %add3A_323 = vector.broadcast %add3A_322 : i32 to vector<16xi32>
      %add3A_324 = arith.addi %iota3A, %add3A_323 : vector<16xi32>
      tpu.vector_store_idx %arg16[%add3A_324, %broadcast_in_dim3A_7], %get3A_321 : memref<640x32xf32, #tpu.memory_space<vmem>>[vector<16xi32>, vector<16xi32>], vector<16xf32>,
      %get3A_325 = arith.index_cast %add3A_282 : i32 to index
      %get3A_326 = arith.constant 112 : index
      %get3A_327 = tpu.vector_load %arg12[%get3A_325, %get3A_326] {strides = array<i32>} : memref<50x128xf32, #tpu.memory_space<vmem>>, vector<16xf32>,
      %add3A_328 = arith.constant 240 : i32
      %add3A_329 = vector.broadcast %add3A_328 : i32 to vector<16xi32>
      %add3A_330 = arith.addi %iota3A, %add3A_329 : vector<16xi32>
      tpu.vector_store_idx %arg16[%add3A_330, %broadcast_in_dim3A_7], %get3A_327 : memref<640x32xf32, #tpu.memory_space<vmem>>[vector<16xi32>, vector<16xi32>], vector<16xf32>,
      %mul3A_331 = arith.constant 5 : i32
      %mul3A_332 = arith.muli %scan3A_14, %mul3A_331 : i32
      %add3A_333 = arith.constant 2 : i32
      %add3A_334 = arith.addi %mul3A_332, %add3A_333 : i32
      %get3A_335 = arith.index_cast %add3A_334 : i32 to index
      %get3A_336 = arith.constant 0 : index
      %get3A_337 = tpu.vector_load %arg12[%get3A_335, %get3A_336] {strides = array<i32>} : memref<50x128xf32, #tpu.memory_space<vmem>>, vector<16xf32>,
      %add3A_338 = arith.constant 256 : i32
      %add3A_339 = vector.broadcast %add3A_338 : i32 to vector<16xi32>
      %add3A_340 = arith.addi %iota3A, %add3A_339 : vector<16xi32>
      tpu.vector_store_idx %arg16[%add3A_340, %broadcast_in_dim3A_7], %get3A_337 : memref<640x32xf32, #tpu.memory_space<vmem>>[vector<16xi32>, vector<16xi32>], vector<16xf32>,
      %get3A_341 = arith.index_cast %add3A_334 : i32 to index
      %get3A_342 = arith.constant 16 : index
      %get3A_343 = tpu.vector_load %arg12[%get3A_341, %get3A_342] {strides = array<i32>} : memref<50x128xf32, #tpu.memory_space<vmem>>, vector<16xf32>,
      %add3A_344 = arith.constant 272 : i32
      %add3A_345 = vector.broadcast %add3A_344 : i32 to vector<16xi32>
      %add3A_346 = arith.addi %iota3A, %add3A_345 : vector<16xi32>
      tpu.vector_store_idx %arg16[%add3A_346, %broadcast_in_dim3A_7], %get3A_343 : memref<640x32xf32, #tpu.memory_space<vmem>>[vector<16xi32>, vector<16xi32>], vector<16xf32>,
      %get3A_347 = arith.index_cast %add3A_334 : i32 to index
      %get3A_348 = arith.constant 32 : index
      %get3A_349 = tpu.vector_load %arg12[%get3A_347, %get3A_348] {strides = array<i32>} : memref<50x128xf32, #tpu.memory_space<vmem>>, vector<16xf32>,
      %add3A_350 = arith.constant 288 : i32
      %add3A_351 = vector.broadcast %add3A_350 : i32 to vector<16xi32>
      %add3A_352 = arith.addi %iota3A, %add3A_351 : vector<16xi32>
      tpu.vector_store_idx %arg16[%add3A_352, %broadcast_in_dim3A_7], %get3A_349 : memref<640x32xf32, #tpu.memory_space<vmem>>[vector<16xi32>, vector<16xi32>], vector<16xf32>,
      %get3A_353 = arith.index_cast %add3A_334 : i32 to index
      %get3A_354 = arith.constant 48 : index
      %get3A_355 = tpu.vector_load %arg12[%get3A_353, %get3A_354] {strides = array<i32>} : memref<50x128xf32, #tpu.memory_space<vmem>>, vector<16xf32>,
      %add3A_356 = arith.constant 304 : i32
      %add3A_357 = vector.broadcast %add3A_356 : i32 to vector<16xi32>
      %add3A_358 = arith.addi %iota3A, %add3A_357 : vector<16xi32>
      tpu.vector_store_idx %arg16[%add3A_358, %broadcast_in_dim3A_7], %get3A_355 : memref<640x32xf32, #tpu.memory_space<vmem>>[vector<16xi32>, vector<16xi32>], vector<16xf32>,
      %get3A_359 = arith.index_cast %add3A_334 : i32 to index
      %get3A_360 = arith.constant 64 : index
      %get3A_361 = tpu.vector_load %arg12[%get3A_359, %get3A_360] {strides = array<i32>} : memref<50x128xf32, #tpu.memory_space<vmem>>, vector<16xf32>,
      %add3A_362 = arith.constant 320 : i32
      %add3A_363 = vector.broadcast %add3A_362 : i32 to vector<16xi32>
      %add3A_364 = arith.addi %iota3A, %add3A_363 : vector<16xi32>
      tpu.vector_store_idx %arg16[%add3A_364, %broadcast_in_dim3A_7], %get3A_361 : memref<640x32xf32, #tpu.memory_space<vmem>>[vector<16xi32>, vector<16xi32>], vector<16xf32>,
      %get3A_365 = arith.index_cast %add3A_334 : i32 to index
      %get3A_366 = arith.constant 80 : index
      %get3A_367 = tpu.vector_load %arg12[%get3A_365, %get3A_366] {strides = array<i32>} : memref<50x128xf32, #tpu.memory_space<vmem>>, vector<16xf32>,
      %add3A_368 = arith.constant 336 : i32
      %add3A_369 = vector.broadcast %add3A_368 : i32 to vector<16xi32>
      %add3A_370 = arith.addi %iota3A, %add3A_369 : vector<16xi32>
      tpu.vector_store_idx %arg16[%add3A_370, %broadcast_in_dim3A_7], %get3A_367 : memref<640x32xf32, #tpu.memory_space<vmem>>[vector<16xi32>, vector<16xi32>], vector<16xf32>,
      %get3A_371 = arith.index_cast %add3A_334 : i32 to index
      %get3A_372 = arith.constant 96 : index
      %get3A_373 = tpu.vector_load %arg12[%get3A_371, %get3A_372] {strides = array<i32>} : memref<50x128xf32, #tpu.memory_space<vmem>>, vector<16xf32>,
      %add3A_374 = arith.constant 352 : i32
      %add3A_375 = vector.broadcast %add3A_374 : i32 to vector<16xi32>
      %add3A_376 = arith.addi %iota3A, %add3A_375 : vector<16xi32>
      tpu.vector_store_idx %arg16[%add3A_376, %broadcast_in_dim3A_7], %get3A_373 : memref<640x32xf32, #tpu.memory_space<vmem>>[vector<16xi32>, vector<16xi32>], vector<16xf32>,
      %get3A_377 = arith.index_cast %add3A_334 : i32 to index
      %get3A_378 = arith.constant 112 : index
      %get3A_379 = tpu.vector_load %arg12[%get3A_377, %get3A_378] {strides = array<i32>} : memref<50x128xf32, #tpu.memory_space<vmem>>, vector<16xf32>,
      %add3A_380 = arith.constant 368 : i32
      %add3A_381 = vector.broadcast %add3A_380 : i32 to vector<16xi32>
      %add3A_382 = arith.addi %iota3A, %add3A_381 : vector<16xi32>
      tpu.vector_store_idx %arg16[%add3A_382, %broadcast_in_dim3A_7], %get3A_379 : memref<640x32xf32, #tpu.memory_space<vmem>>[vector<16xi32>, vector<16xi32>], vector<16xf32>,
      %mul3A_383 = arith.constant 5 : i32
      %mul3A_384 = arith.muli %scan3A_14, %mul3A_383 : i32
      %add3A_385 = arith.constant 3 : i32
      %add3A_386 = arith.addi %mul3A_384, %add3A_385 : i32
      %get3A_387 = arith.index_cast %add3A_386 : i32 to index
      %get3A_388 = arith.constant 0 : index
      %get3A_389 = tpu.vector_load %arg12[%get3A_387, %get3A_388] {strides = array<i32>} : memref<50x128xf32, #tpu.memory_space<vmem>>, vector<16xf32>,
      %add3A_390 = arith.constant 384 : i32
      %add3A_391 = vector.broadcast %add3A_390 : i32 to vector<16xi32>
      %add3A_392 = arith.addi %iota3A, %add3A_391 : vector<16xi32>
      tpu.vector_store_idx %arg16[%add3A_392, %broadcast_in_dim3A_7], %get3A_389 : memref<640x32xf32, #tpu.memory_space<vmem>>[vector<16xi32>, vector<16xi32>], vector<16xf32>,
      %get3A_393 = arith.index_cast %add3A_386 : i32 to index
      %get3A_394 = arith.constant 16 : index
      %get3A_395 = tpu.vector_load %arg12[%get3A_393, %get3A_394] {strides = array<i32>} : memref<50x128xf32, #tpu.memory_space<vmem>>, vector<16xf32>,
      %add3A_396 = arith.constant 400 : i32
      %add3A_397 = vector.broadcast %add3A_396 : i32 to vector<16xi32>
      %add3A_398 = arith.addi %iota3A, %add3A_397 : vector<16xi32>
      tpu.vector_store_idx %arg16[%add3A_398, %broadcast_in_dim3A_7], %get3A_395 : memref<640x32xf32, #tpu.memory_space<vmem>>[vector<16xi32>, vector<16xi32>], vector<16xf32>,
      %get3A_399 = arith.index_cast %add3A_386 : i32 to index
      %get3A_400 = arith.constant 32 : index
      %get3A_401 = tpu.vector_load %arg12[%get3A_399, %get3A_400] {strides = array<i32>} : memref<50x128xf32, #tpu.memory_space<vmem>>, vector<16xf32>,
      %add3A_402 = arith.constant 416 : i32
      %add3A_403 = vector.broadcast %add3A_402 : i32 to vector<16xi32>
      %add3A_404 = arith.addi %iota3A, %add3A_403 : vector<16xi32>
      tpu.vector_store_idx %arg16[%add3A_404, %broadcast_in_dim3A_7], %get3A_401 : memref<640x32xf32, #tpu.memory_space<vmem>>[vector<16xi32>, vector<16xi32>], vector<16xf32>,
      %get3A_405 = arith.index_cast %add3A_386 : i32 to index
      %get3A_406 = arith.constant 48 : index
      %get3A_407 = tpu.vector_load %arg12[%get3A_405, %get3A_406] {strides = array<i32>} : memref<50x128xf32, #tpu.memory_space<vmem>>, vector<16xf32>,
      %add3A_408 = arith.constant 432 : i32
      %add3A_409 = vector.broadcast %add3A_408 : i32 to vector<16xi32>
      %add3A_410 = arith.addi %iota3A, %add3A_409 : vector<16xi32>
      tpu.vector_store_idx %arg16[%add3A_410, %broadcast_in_dim3A_7], %get3A_407 : memref<640x32xf32, #tpu.memory_space<vmem>>[vector<16xi32>, vector<16xi32>], vector<16xf32>,
      %get3A_411 = arith.index_cast %add3A_386 : i32 to index
      %get3A_412 = arith.constant 64 : index
      %get3A_413 = tpu.vector_load %arg12[%get3A_411, %get3A_412] {strides = array<i32>} : memref<50x128xf32, #tpu.memory_space<vmem>>, vector<16xf32>,
      %add3A_414 = arith.constant 448 : i32
      %add3A_415 = vector.broadcast %add3A_414 : i32 to vector<16xi32>
      %add3A_416 = arith.addi %iota3A, %add3A_415 : vector<16xi32>
      tpu.vector_store_idx %arg16[%add3A_416, %broadcast_in_dim3A_7], %get3A_413 : memref<640x32xf32, #tpu.memory_space<vmem>>[vector<16xi32>, vector<16xi32>], vector<16xf32>,
      %get3A_417 = arith.index_cast %add3A_386 : i32 to index
      %get3A_418 = arith.constant 80 : index
      %get3A_419 = tpu.vector_load %arg12[%get3A_417, %get3A_418] {strides = array<i32>} : memref<50x128xf32, #tpu.memory_space<vmem>>, vector<16xf32>,
      %add3A_420 = arith.constant 464 : i32
      %add3A_421 = vector.broadcast %add3A_420 : i32 to vector<16xi32>
      %add3A_422 = arith.addi %iota3A, %add3A_421 : vector<16xi32>
      tpu.vector_store_idx %arg16[%add3A_422, %broadcast_in_dim3A_7], %get3A_419 : memref<640x32xf32, #tpu.memory_space<vmem>>[vector<16xi32>, vector<16xi32>], vector<16xf32>,
      %get3A_423 = arith.index_cast %add3A_386 : i32 to index
      %get3A_424 = arith.constant 96 : index
      %get3A_425 = tpu.vector_load %arg12[%get3A_423, %get3A_424] {strides = array<i32>} : memref<50x128xf32, #tpu.memory_space<vmem>>, vector<16xf32>,
      %add3A_426 = arith.constant 480 : i32
      %add3A_427 = vector.broadcast %add3A_426 : i32 to vector<16xi32>
      %add3A_428 = arith.addi %iota3A, %add3A_427 : vector<16xi32>
      tpu.vector_store_idx %arg16[%add3A_428, %broadcast_in_dim3A_7], %get3A_425 : memref<640x32xf32, #tpu.memory_space<vmem>>[vector<16xi32>, vector<16xi32>], vector<16xf32>,
      %get3A_429 = arith.index_cast %add3A_386 : i32 to index
      %get3A_430 = arith.constant 112 : index
      %get3A_431 = tpu.vector_load %arg12[%get3A_429, %get3A_430] {strides = array<i32>} : memref<50x128xf32, #tpu.memory_space<vmem>>, vector<16xf32>,
      %add3A_432 = arith.constant 496 : i32
      %add3A_433 = vector.broadcast %add3A_432 : i32 to vector<16xi32>
      %add3A_434 = arith.addi %iota3A, %add3A_433 : vector<16xi32>
      tpu.vector_store_idx %arg16[%add3A_434, %broadcast_in_dim3A_7], %get3A_431 : memref<640x32xf32, #tpu.memory_space<vmem>>[vector<16xi32>, vector<16xi32>], vector<16xf32>,
      %mul3A_435 = arith.constant 5 : i32
      %mul3A_436 = arith.muli %scan3A_14, %mul3A_435 : i32
      %add3A_437 = arith.constant 4 : i32
      %add3A_438 = arith.addi %mul3A_436, %add3A_437 : i32
      %get3A_439 = arith.index_cast %add3A_438 : i32 to index
      %get3A_440 = arith.constant 0 : index
      %get3A_441 = tpu.vector_load %arg12[%get3A_439, %get3A_440] {strides = array<i32>} : memref<50x128xf32, #tpu.memory_space<vmem>>, vector<16xf32>,
      %add3A_442 = arith.constant 512 : i32
      %add3A_443 = vector.broadcast %add3A_442 : i32 to vector<16xi32>
      %add3A_444 = arith.addi %iota3A, %add3A_443 : vector<16xi32>
      tpu.vector_store_idx %arg16[%add3A_444, %broadcast_in_dim3A_7], %get3A_441 : memref<640x32xf32, #tpu.memory_space<vmem>>[vector<16xi32>, vector<16xi32>], vector<16xf32>,
      %get3A_445 = arith.index_cast %add3A_438 : i32 to index
      %get3A_446 = arith.constant 16 : index
      %get3A_447 = tpu.vector_load %arg12[%get3A_445, %get3A_446] {strides = array<i32>} : memref<50x128xf32, #tpu.memory_space<vmem>>, vector<16xf32>,
      %add3A_448 = arith.constant 528 : i32
      %add3A_449 = vector.broadcast %add3A_448 : i32 to vector<16xi32>
      %add3A_450 = arith.addi %iota3A, %add3A_449 : vector<16xi32>
      tpu.vector_store_idx %arg16[%add3A_450, %broadcast_in_dim3A_7], %get3A_447 : memref<640x32xf32, #tpu.memory_space<vmem>>[vector<16xi32>, vector<16xi32>], vector<16xf32>,
      %get3A_451 = arith.index_cast %add3A_438 : i32 to index
      %get3A_452 = arith.constant 32 : index
      %get3A_453 = tpu.vector_load %arg12[%get3A_451, %get3A_452] {strides = array<i32>} : memref<50x128xf32, #tpu.memory_space<vmem>>, vector<16xf32>,
      %add3A_454 = arith.constant 544 : i32
      %add3A_455 = vector.broadcast %add3A_454 : i32 to vector<16xi32>
      %add3A_456 = arith.addi %iota3A, %add3A_455 : vector<16xi32>
      tpu.vector_store_idx %arg16[%add3A_456, %broadcast_in_dim3A_7], %get3A_453 : memref<640x32xf32, #tpu.memory_space<vmem>>[vector<16xi32>, vector<16xi32>], vector<16xf32>,
      %get3A_457 = arith.index_cast %add3A_438 : i32 to index
      %get3A_458 = arith.constant 48 : index
      %get3A_459 = tpu.vector_load %arg12[%get3A_457, %get3A_458] {strides = array<i32>} : memref<50x128xf32, #tpu.memory_space<vmem>>, vector<16xf32>,
      %add3A_460 = arith.constant 560 : i32
      %add3A_461 = vector.broadcast %add3A_460 : i32 to vector<16xi32>
      %add3A_462 = arith.addi %iota3A, %add3A_461 : vector<16xi32>
      tpu.vector_store_idx %arg16[%add3A_462, %broadcast_in_dim3A_7], %get3A_459 : memref<640x32xf32, #tpu.memory_space<vmem>>[vector<16xi32>, vector<16xi32>], vector<16xf32>,
      %get3A_463 = arith.index_cast %add3A_438 : i32 to index
      %get3A_464 = arith.constant 64 : index
      %get3A_465 = tpu.vector_load %arg12[%get3A_463, %get3A_464] {strides = array<i32>} : memref<50x128xf32, #tpu.memory_space<vmem>>, vector<16xf32>,
      %add3A_466 = arith.constant 576 : i32
      %add3A_467 = vector.broadcast %add3A_466 : i32 to vector<16xi32>
      %add3A_468 = arith.addi %iota3A, %add3A_467 : vector<16xi32>
      tpu.vector_store_idx %arg16[%add3A_468, %broadcast_in_dim3A_7], %get3A_465 : memref<640x32xf32, #tpu.memory_space<vmem>>[vector<16xi32>, vector<16xi32>], vector<16xf32>,
      %get3A_469 = arith.index_cast %add3A_438 : i32 to index
      %get3A_470 = arith.constant 80 : index
      %get3A_471 = tpu.vector_load %arg12[%get3A_469, %get3A_470] {strides = array<i32>} : memref<50x128xf32, #tpu.memory_space<vmem>>, vector<16xf32>,
      %add3A_472 = arith.constant 592 : i32
      %add3A_473 = vector.broadcast %add3A_472 : i32 to vector<16xi32>
      %add3A_474 = arith.addi %iota3A, %add3A_473 : vector<16xi32>
      tpu.vector_store_idx %arg16[%add3A_474, %broadcast_in_dim3A_7], %get3A_471 : memref<640x32xf32, #tpu.memory_space<vmem>>[vector<16xi32>, vector<16xi32>], vector<16xf32>,
      %get3A_475 = arith.index_cast %add3A_438 : i32 to index
      %get3A_476 = arith.constant 96 : index
      %get3A_477 = tpu.vector_load %arg12[%get3A_475, %get3A_476] {strides = array<i32>} : memref<50x128xf32, #tpu.memory_space<vmem>>, vector<16xf32>,
      %add3A_478 = arith.constant 608 : i32
      %add3A_479 = vector.broadcast %add3A_478 : i32 to vector<16xi32>
      %add3A_480 = arith.addi %iota3A, %add3A_479 : vector<16xi32>
      tpu.vector_store_idx %arg16[%add3A_480, %broadcast_in_dim3A_7], %get3A_477 : memref<640x32xf32, #tpu.memory_space<vmem>>[vector<16xi32>, vector<16xi32>], vector<16xf32>,
      %get3A_481 = arith.index_cast %add3A_438 : i32 to index
      %get3A_482 = arith.constant 112 : index
      %get3A_483 = tpu.vector_load %arg12[%get3A_481, %get3A_482] {strides = array<i32>} : memref<50x128xf32, #tpu.memory_space<vmem>>, vector<16xf32>,
      %add3A_484 = arith.constant 624 : i32
      %add3A_485 = vector.broadcast %add3A_484 : i32 to vector<16xi32>
      %add3A_486 = arith.addi %iota3A, %add3A_485 : vector<16xi32>
      tpu.vector_store_idx %arg16[%add3A_486, %broadcast_in_dim3A_7], %get3A_483 : memref<640x32xf32, #tpu.memory_space<vmem>>[vector<16xi32>, vector<16xi32>], vector<16xf32>,
      %dma_wait3A = arith.constant 0 : i32
      %dma_wait3A_487 = arith.constant 0 : i32
      %dma_wait3A_488 = arith.constant 0 : i32
      %dma_wait3A_489 = tpu.memref_slice %arg13[%dma_wait3A_487, %dma_wait3A_488] : memref<640x32xf32, #tpu.memory_space<vmem>> -> memref<128x32xf32, #tpu.memory_space<vmem>>
      %dma_wait3A_490 = arith.constant 0 : i32
      %dma_wait3A_491 = tpu.memref_slice %arg11[%dma_wait3A, %add3A_22, %dma_wait3A_490] : memref<3x50x128xi32, #tpu.memory_space<vmem>> -> memref<1x1x128xi32, #tpu.memory_space<vmem>>
      %dma_wait3A_492 = tpu.memref_squeeze %dma_wait3A_491 : memref<1x1x128xi32, #tpu.memory_space<vmem>> -> memref<128xi32, #tpu.memory_space<vmem>>
      %dma_wait3A_493 = arith.constant 0 : i32
      %dma_wait3A_494 = arith.constant 0 : i32
      %dma_wait3A_495 = tpu.memref_slice %arg7[%dma_wait3A_493, %dma_wait3A_494] : memref<1007616x32xf32, #tpu.memory_space<hbm>> -> memref<1007616x32xf32, #tpu.memory_space<hbm>>
      tpu.wait_indirect_dma semaphore(%arg17 : memref<!tpu.dma_semaphore, #tpu.memory_space<semaphore_mem>>) src(%dma_wait3A_495 : memref<1007616x32xf32, #tpu.memory_space<hbm>>) dst(%dma_wait3A_489 : memref<128x32xf32, #tpu.memory_space<vmem>>)
      %dma_wait3A_496 = arith.constant 0 : i32
      %dma_wait3A_497 = arith.constant 128 : i32
      %dma_wait3A_498 = arith.constant 0 : i32
      %dma_wait3A_499 = tpu.memref_slice %arg13[%dma_wait3A_497, %dma_wait3A_498] : memref<640x32xf32, #tpu.memory_space<vmem>> -> memref<128x32xf32, #tpu.memory_space<vmem>>
      %dma_wait3A_500 = arith.constant 0 : i32
      %dma_wait3A_501 = tpu.memref_slice %arg11[%dma_wait3A_496, %add3A_35, %dma_wait3A_500] : memref<3x50x128xi32, #tpu.memory_space<vmem>> -> memref<1x1x128xi32, #tpu.memory_space<vmem>>
      %dma_wait3A_502 = tpu.memref_squeeze %dma_wait3A_501 : memref<1x1x128xi32, #tpu.memory_space<vmem>> -> memref<128xi32, #tpu.memory_space<vmem>>
      %dma_wait3A_503 = arith.constant 0 : i32
      %dma_wait3A_504 = arith.constant 0 : i32
      %dma_wait3A_505 = tpu.memref_slice %arg7[%dma_wait3A_503, %dma_wait3A_504] : memref<1007616x32xf32, #tpu.memory_space<hbm>> -> memref<1007616x32xf32, #tpu.memory_space<hbm>>
      tpu.wait_indirect_dma semaphore(%arg17 : memref<!tpu.dma_semaphore, #tpu.memory_space<semaphore_mem>>) src(%dma_wait3A_505 : memref<1007616x32xf32, #tpu.memory_space<hbm>>) dst(%dma_wait3A_499 : memref<128x32xf32, #tpu.memory_space<vmem>>)
      %dma_wait3A_506 = arith.constant 0 : i32
      %dma_wait3A_507 = arith.constant 256 : i32
      %dma_wait3A_508 = arith.constant 0 : i32
      %dma_wait3A_509 = tpu.memref_slice %arg13[%dma_wait3A_507, %dma_wait3A_508] : memref<640x32xf32, #tpu.memory_space<vmem>> -> memref<128x32xf32, #tpu.memory_space<vmem>>
      %dma_wait3A_510 = arith.constant 0 : i32
      %dma_wait3A_511 = tpu.memref_slice %arg11[%dma_wait3A_506, %add3A_49, %dma_wait3A_510] : memref<3x50x128xi32, #tpu.memory_space<vmem>> -> memref<1x1x128xi32, #tpu.memory_space<vmem>>
      %dma_wait3A_512 = tpu.memref_squeeze %dma_wait3A_511 : memref<1x1x128xi32, #tpu.memory_space<vmem>> -> memref<128xi32, #tpu.memory_space<vmem>>
      %dma_wait3A_513 = arith.constant 0 : i32
      %dma_wait3A_514 = arith.constant 0 : i32
      %dma_wait3A_515 = tpu.memref_slice %arg7[%dma_wait3A_513, %dma_wait3A_514] : memref<1007616x32xf32, #tpu.memory_space<hbm>> -> memref<1007616x32xf32, #tpu.memory_space<hbm>>
      tpu.wait_indirect_dma semaphore(%arg17 : memref<!tpu.dma_semaphore, #tpu.memory_space<semaphore_mem>>) src(%dma_wait3A_515 : memref<1007616x32xf32, #tpu.memory_space<hbm>>) dst(%dma_wait3A_509 : memref<128x32xf32, #tpu.memory_space<vmem>>)
      %dma_wait3A_516 = arith.constant 0 : i32
      %dma_wait3A_517 = arith.constant 384 : i32
      %dma_wait3A_518 = arith.constant 0 : i32
      %dma_wait3A_519 = tpu.memref_slice %arg13[%dma_wait3A_517, %dma_wait3A_518] : memref<640x32xf32, #tpu.memory_space<vmem>> -> memref<128x32xf32, #tpu.memory_space<vmem>>
      %dma_wait3A_520 = arith.constant 0 : i32
      %dma_wait3A_521 = tpu.memref_slice %arg11[%dma_wait3A_516, %add3A_63, %dma_wait3A_520] : memref<3x50x128xi32, #tpu.memory_space<vmem>> -> memref<1x1x128xi32, #tpu.memory_space<vmem>>
      %dma_wait3A_522 = tpu.memref_squeeze %dma_wait3A_521 : memref<1x1x128xi32, #tpu.memory_space<vmem>> -> memref<128xi32, #tpu.memory_space<vmem>>
      %dma_wait3A_523 = arith.constant 0 : i32
      %dma_wait3A_524 = arith.constant 0 : i32
      %dma_wait3A_525 = tpu.memref_slice %arg7[%dma_wait3A_523, %dma_wait3A_524] : memref<1007616x32xf32, #tpu.memory_space<hbm>> -> memref<1007616x32xf32, #tpu.memory_space<hbm>>
      tpu.wait_indirect_dma semaphore(%arg17 : memref<!tpu.dma_semaphore, #tpu.memory_space<semaphore_mem>>) src(%dma_wait3A_525 : memref<1007616x32xf32, #tpu.memory_space<hbm>>) dst(%dma_wait3A_519 : memref<128x32xf32, #tpu.memory_space<vmem>>)
      %dma_wait3A_526 = arith.constant 0 : i32
      %dma_wait3A_527 = arith.constant 512 : i32
      %dma_wait3A_528 = arith.constant 0 : i32
      %dma_wait3A_529 = tpu.memref_slice %arg13[%dma_wait3A_527, %dma_wait3A_528] : memref<640x32xf32, #tpu.memory_space<vmem>> -> memref<128x32xf32, #tpu.memory_space<vmem>>
      %dma_wait3A_530 = arith.constant 0 : i32
      %dma_wait3A_531 = tpu.memref_slice %arg11[%dma_wait3A_526, %add3A_77, %dma_wait3A_530] : memref<3x50x128xi32, #tpu.memory_space<vmem>> -> memref<1x1x128xi32, #tpu.memory_space<vmem>>
      %dma_wait3A_532 = tpu.memref_squeeze %dma_wait3A_531 : memref<1x1x128xi32, #tpu.memory_space<vmem>> -> memref<128xi32, #tpu.memory_space<vmem>>
      %dma_wait3A_533 = arith.constant 0 : i32
      %dma_wait3A_534 = arith.constant 0 : i32
      %dma_wait3A_535 = tpu.memref_slice %arg7[%dma_wait3A_533, %dma_wait3A_534] : memref<1007616x32xf32, #tpu.memory_space<hbm>> -> memref<1007616x32xf32, #tpu.memory_space<hbm>>
      tpu.wait_indirect_dma semaphore(%arg17 : memref<!tpu.dma_semaphore, #tpu.memory_space<semaphore_mem>>) src(%dma_wait3A_535 : memref<1007616x32xf32, #tpu.memory_space<hbm>>) dst(%dma_wait3A_529 : memref<128x32xf32, #tpu.memory_space<vmem>>)
      %dma_wait3A_536 = arith.constant 1 : i32
      %dma_wait3A_537 = arith.constant 0 : i32
      %dma_wait3A_538 = arith.constant 0 : i32
      %dma_wait3A_539 = tpu.memref_slice %arg14[%dma_wait3A_537, %dma_wait3A_538] : memref<640x32xf32, #tpu.memory_space<vmem>> -> memref<128x32xf32, #tpu.memory_space<vmem>>
      %dma_wait3A_540 = arith.constant 0 : i32
      %dma_wait3A_541 = tpu.memref_slice %arg11[%dma_wait3A_536, %add3A_91, %dma_wait3A_540] : memref<3x50x128xi32, #tpu.memory_space<vmem>> -> memref<1x1x128xi32, #tpu.memory_space<vmem>>
      %dma_wait3A_542 = tpu.memref_squeeze %dma_wait3A_541 : memref<1x1x128xi32, #tpu.memory_space<vmem>> -> memref<128xi32, #tpu.memory_space<vmem>>
      %dma_wait3A_543 = arith.constant 0 : i32
      %dma_wait3A_544 = arith.constant 0 : i32
      %dma_wait3A_545 = tpu.memref_slice %arg8[%dma_wait3A_543, %dma_wait3A_544] : memref<106496x32xf32, #tpu.memory_space<hbm>> -> memref<106496x32xf32, #tpu.memory_space<hbm>>
      tpu.wait_indirect_dma semaphore(%arg17 : memref<!tpu.dma_semaphore, #tpu.memory_space<semaphore_mem>>) src(%dma_wait3A_545 : memref<106496x32xf32, #tpu.memory_space<hbm>>) dst(%dma_wait3A_539 : memref<128x32xf32, #tpu.memory_space<vmem>>)
      %dma_wait3A_546 = arith.constant 1 : i32
      %dma_wait3A_547 = arith.constant 128 : i32
      %dma_wait3A_548 = arith.constant 0 : i32
      %dma_wait3A_549 = tpu.memref_slice %arg14[%dma_wait3A_547, %dma_wait3A_548] : memref<640x32xf32, #tpu.memory_space<vmem>> -> memref<128x32xf32, #tpu.memory_space<vmem>>
      %dma_wait3A_550 = arith.constant 0 : i32
      %dma_wait3A_551 = tpu.memref_slice %arg11[%dma_wait3A_546, %add3A_105, %dma_wait3A_550] : memref<3x50x128xi32, #tpu.memory_space<vmem>> -> memref<1x1x128xi32, #tpu.memory_space<vmem>>
      %dma_wait3A_552 = tpu.memref_squeeze %dma_wait3A_551 : memref<1x1x128xi32, #tpu.memory_space<vmem>> -> memref<128xi32, #tpu.memory_space<vmem>>
      %dma_wait3A_553 = arith.constant 0 : i32
      %dma_wait3A_554 = arith.constant 0 : i32
      %dma_wait3A_555 = tpu.memref_slice %arg8[%dma_wait3A_553, %dma_wait3A_554] : memref<106496x32xf32, #tpu.memory_space<hbm>> -> memref<106496x32xf32, #tpu.memory_space<hbm>>
      tpu.wait_indirect_dma semaphore(%arg17 : memref<!tpu.dma_semaphore, #tpu.memory_space<semaphore_mem>>) src(%dma_wait3A_555 : memref<106496x32xf32, #tpu.memory_space<hbm>>) dst(%dma_wait3A_549 : memref<128x32xf32, #tpu.memory_space<vmem>>)
      %dma_wait3A_556 = arith.constant 1 : i32
      %dma_wait3A_557 = arith.constant 256 : i32
      %dma_wait3A_558 = arith.constant 0 : i32
      %dma_wait3A_559 = tpu.memref_slice %arg14[%dma_wait3A_557, %dma_wait3A_558] : memref<640x32xf32, #tpu.memory_space<vmem>> -> memref<128x32xf32, #tpu.memory_space<vmem>>
      %dma_wait3A_560 = arith.constant 0 : i32
      %dma_wait3A_561 = tpu.memref_slice %arg11[%dma_wait3A_556, %add3A_119, %dma_wait3A_560] : memref<3x50x128xi32, #tpu.memory_space<vmem>> -> memref<1x1x128xi32, #tpu.memory_space<vmem>>
      %dma_wait3A_562 = tpu.memref_squeeze %dma_wait3A_561 : memref<1x1x128xi32, #tpu.memory_space<vmem>> -> memref<128xi32, #tpu.memory_space<vmem>>
      %dma_wait3A_563 = arith.constant 0 : i32
      %dma_wait3A_564 = arith.constant 0 : i32
      %dma_wait3A_565 = tpu.memref_slice %arg8[%dma_wait3A_563, %dma_wait3A_564] : memref<106496x32xf32, #tpu.memory_space<hbm>> -> memref<106496x32xf32, #tpu.memory_space<hbm>>
      tpu.wait_indirect_dma semaphore(%arg17 : memref<!tpu.dma_semaphore, #tpu.memory_space<semaphore_mem>>) src(%dma_wait3A_565 : memref<106496x32xf32, #tpu.memory_space<hbm>>) dst(%dma_wait3A_559 : memref<128x32xf32, #tpu.memory_space<vmem>>)
      %dma_wait3A_566 = arith.constant 1 : i32
      %dma_wait3A_567 = arith.constant 384 : i32
      %dma_wait3A_568 = arith.constant 0 : i32
      %dma_wait3A_569 = tpu.memref_slice %arg14[%dma_wait3A_567, %dma_wait3A_568] : memref<640x32xf32, #tpu.memory_space<vmem>> -> memref<128x32xf32, #tpu.memory_space<vmem>>
      %dma_wait3A_570 = arith.constant 0 : i32
      %dma_wait3A_571 = tpu.memref_slice %arg11[%dma_wait3A_566, %add3A_133, %dma_wait3A_570] : memref<3x50x128xi32, #tpu.memory_space<vmem>> -> memref<1x1x128xi32, #tpu.memory_space<vmem>>
      %dma_wait3A_572 = tpu.memref_squeeze %dma_wait3A_571 : memref<1x1x128xi32, #tpu.memory_space<vmem>> -> memref<128xi32, #tpu.memory_space<vmem>>
      %dma_wait3A_573 = arith.constant 0 : i32
      %dma_wait3A_574 = arith.constant 0 : i32
      %dma_wait3A_575 = tpu.memref_slice %arg8[%dma_wait3A_573, %dma_wait3A_574] : memref<106496x32xf32, #tpu.memory_space<hbm>> -> memref<106496x32xf32, #tpu.memory_space<hbm>>
      tpu.wait_indirect_dma semaphore(%arg17 : memref<!tpu.dma_semaphore, #tpu.memory_space<semaphore_mem>>) src(%dma_wait3A_575 : memref<106496x32xf32, #tpu.memory_space<hbm>>) dst(%dma_wait3A_569 : memref<128x32xf32, #tpu.memory_space<vmem>>)
      %dma_wait3A_576 = arith.constant 1 : i32
      %dma_wait3A_577 = arith.constant 512 : i32
      %dma_wait3A_578 = arith.constant 0 : i32
      %dma_wait3A_579 = tpu.memref_slice %arg14[%dma_wait3A_577, %dma_wait3A_578] : memref<640x32xf32, #tpu.memory_space<vmem>> -> memref<128x32xf32, #tpu.memory_space<vmem>>
      %dma_wait3A_580 = arith.constant 0 : i32
      %dma_wait3A_581 = tpu.memref_slice %arg11[%dma_wait3A_576, %add3A_147, %dma_wait3A_580] : memref<3x50x128xi32, #tpu.memory_space<vmem>> -> memref<1x1x128xi32, #tpu.memory_space<vmem>>
      %dma_wait3A_582 = tpu.memref_squeeze %dma_wait3A_581 : memref<1x1x128xi32, #tpu.memory_space<vmem>> -> memref<128xi32, #tpu.memory_space<vmem>>
      %dma_wait3A_583 = arith.constant 0 : i32
      %dma_wait3A_584 = arith.constant 0 : i32
      %dma_wait3A_585 = tpu.memref_slice %arg8[%dma_wait3A_583, %dma_wait3A_584] : memref<106496x32xf32, #tpu.memory_space<hbm>> -> memref<106496x32xf32, #tpu.memory_space<hbm>>
      tpu.wait_indirect_dma semaphore(%arg17 : memref<!tpu.dma_semaphore, #tpu.memory_space<semaphore_mem>>) src(%dma_wait3A_585 : memref<106496x32xf32, #tpu.memory_space<hbm>>) dst(%dma_wait3A_579 : memref<128x32xf32, #tpu.memory_space<vmem>>)
      %dma_wait3A_586 = arith.constant 2 : i32
      %dma_wait3A_587 = arith.constant 0 : i32
      %dma_wait3A_588 = arith.constant 0 : i32
      %dma_wait3A_589 = tpu.memref_slice %arg15[%dma_wait3A_587, %dma_wait3A_588] : memref<640x32xf32, #tpu.memory_space<vmem>> -> memref<128x32xf32, #tpu.memory_space<vmem>>
      %dma_wait3A_590 = arith.constant 0 : i32
      %dma_wait3A_591 = tpu.memref_slice %arg11[%dma_wait3A_586, %add3A_161, %dma_wait3A_590] : memref<3x50x128xi32, #tpu.memory_space<vmem>> -> memref<1x1x128xi32, #tpu.memory_space<vmem>>
      %dma_wait3A_592 = tpu.memref_squeeze %dma_wait3A_591 : memref<1x1x128xi32, #tpu.memory_space<vmem>> -> memref<128xi32, #tpu.memory_space<vmem>>
      %dma_wait3A_593 = arith.constant 0 : i32
      %dma_wait3A_594 = arith.constant 0 : i32
      %dma_wait3A_595 = tpu.memref_slice %arg9[%dma_wait3A_593, %dma_wait3A_594] : memref<106496x32xf32, #tpu.memory_space<hbm>> -> memref<106496x32xf32, #tpu.memory_space<hbm>>
      tpu.wait_indirect_dma semaphore(%arg17 : memref<!tpu.dma_semaphore, #tpu.memory_space<semaphore_mem>>) src(%dma_wait3A_595 : memref<106496x32xf32, #tpu.memory_space<hbm>>) dst(%dma_wait3A_589 : memref<128x32xf32, #tpu.memory_space<vmem>>)
      %dma_wait3A_596 = arith.constant 2 : i32
      %dma_wait3A_597 = arith.constant 128 : i32
      %dma_wait3A_598 = arith.constant 0 : i32
      %dma_wait3A_599 = tpu.memref_slice %arg15[%dma_wait3A_597, %dma_wait3A_598] : memref<640x32xf32, #tpu.memory_space<vmem>> -> memref<128x32xf32, #tpu.memory_space<vmem>>
      %dma_wait3A_600 = arith.constant 0 : i32
      %dma_wait3A_601 = tpu.memref_slice %arg11[%dma_wait3A_596, %add3A_175, %dma_wait3A_600] : memref<3x50x128xi32, #tpu.memory_space<vmem>> -> memref<1x1x128xi32, #tpu.memory_space<vmem>>
      %dma_wait3A_602 = tpu.memref_squeeze %dma_wait3A_601 : memref<1x1x128xi32, #tpu.memory_space<vmem>> -> memref<128xi32, #tpu.memory_space<vmem>>
      %dma_wait3A_603 = arith.constant 0 : i32
      %dma_wait3A_604 = arith.constant 0 : i32
      %dma_wait3A_605 = tpu.memref_slice %arg9[%dma_wait3A_603, %dma_wait3A_604] : memref<106496x32xf32, #tpu.memory_space<hbm>> -> memref<106496x32xf32, #tpu.memory_space<hbm>>
      tpu.wait_indirect_dma semaphore(%arg17 : memref<!tpu.dma_semaphore, #tpu.memory_space<semaphore_mem>>) src(%dma_wait3A_605 : memref<106496x32xf32, #tpu.memory_space<hbm>>) dst(%dma_wait3A_599 : memref<128x32xf32, #tpu.memory_space<vmem>>)
      %dma_wait3A_606 = arith.constant 2 : i32
      %dma_wait3A_607 = arith.constant 256 : i32
      %dma_wait3A_608 = arith.constant 0 : i32
      %dma_wait3A_609 = tpu.memref_slice %arg15[%dma_wait3A_607, %dma_wait3A_608] : memref<640x32xf32, #tpu.memory_space<vmem>> -> memref<128x32xf32, #tpu.memory_space<vmem>>
      %dma_wait3A_610 = arith.constant 0 : i32
      %dma_wait3A_611 = tpu.memref_slice %arg11[%dma_wait3A_606, %add3A_189, %dma_wait3A_610] : memref<3x50x128xi32, #tpu.memory_space<vmem>> -> memref<1x1x128xi32, #tpu.memory_space<vmem>>
      %dma_wait3A_612 = tpu.memref_squeeze %dma_wait3A_611 : memref<1x1x128xi32, #tpu.memory_space<vmem>> -> memref<128xi32, #tpu.memory_space<vmem>>
      %dma_wait3A_613 = arith.constant 0 : i32
      %dma_wait3A_614 = arith.constant 0 : i32
      %dma_wait3A_615 = tpu.memref_slice %arg9[%dma_wait3A_613, %dma_wait3A_614] : memref<106496x32xf32, #tpu.memory_space<hbm>> -> memref<106496x32xf32, #tpu.memory_space<hbm>>
      tpu.wait_indirect_dma semaphore(%arg17 : memref<!tpu.dma_semaphore, #tpu.memory_space<semaphore_mem>>) src(%dma_wait3A_615 : memref<106496x32xf32, #tpu.memory_space<hbm>>) dst(%dma_wait3A_609 : memref<128x32xf32, #tpu.memory_space<vmem>>)
      %dma_wait3A_616 = arith.constant 2 : i32
      %dma_wait3A_617 = arith.constant 384 : i32
      %dma_wait3A_618 = arith.constant 0 : i32
      %dma_wait3A_619 = tpu.memref_slice %arg15[%dma_wait3A_617, %dma_wait3A_618] : memref<640x32xf32, #tpu.memory_space<vmem>> -> memref<128x32xf32, #tpu.memory_space<vmem>>
      %dma_wait3A_620 = arith.constant 0 : i32
      %dma_wait3A_621 = tpu.memref_slice %arg11[%dma_wait3A_616, %add3A_203, %dma_wait3A_620] : memref<3x50x128xi32, #tpu.memory_space<vmem>> -> memref<1x1x128xi32, #tpu.memory_space<vmem>>
      %dma_wait3A_622 = tpu.memref_squeeze %dma_wait3A_621 : memref<1x1x128xi32, #tpu.memory_space<vmem>> -> memref<128xi32, #tpu.memory_space<vmem>>
      %dma_wait3A_623 = arith.constant 0 : i32
      %dma_wait3A_624 = arith.constant 0 : i32
      %dma_wait3A_625 = tpu.memref_slice %arg9[%dma_wait3A_623, %dma_wait3A_624] : memref<106496x32xf32, #tpu.memory_space<hbm>> -> memref<106496x32xf32, #tpu.memory_space<hbm>>
      tpu.wait_indirect_dma semaphore(%arg17 : memref<!tpu.dma_semaphore, #tpu.memory_space<semaphore_mem>>) src(%dma_wait3A_625 : memref<106496x32xf32, #tpu.memory_space<hbm>>) dst(%dma_wait3A_619 : memref<128x32xf32, #tpu.memory_space<vmem>>)
      %dma_wait3A_626 = arith.constant 2 : i32
      %dma_wait3A_627 = arith.constant 512 : i32
      %dma_wait3A_628 = arith.constant 0 : i32
      %dma_wait3A_629 = tpu.memref_slice %arg15[%dma_wait3A_627, %dma_wait3A_628] : memref<640x32xf32, #tpu.memory_space<vmem>> -> memref<128x32xf32, #tpu.memory_space<vmem>>
      %dma_wait3A_630 = arith.constant 0 : i32
      %dma_wait3A_631 = tpu.memref_slice %arg11[%dma_wait3A_626, %add3A_217, %dma_wait3A_630] : memref<3x50x128xi32, #tpu.memory_space<vmem>> -> memref<1x1x128xi32, #tpu.memory_space<vmem>>
      %dma_wait3A_632 = tpu.memref_squeeze %dma_wait3A_631 : memref<1x1x128xi32, #tpu.memory_space<vmem>> -> memref<128xi32, #tpu.memory_space<vmem>>
      %dma_wait3A_633 = arith.constant 0 : i32
      %dma_wait3A_634 = arith.constant 0 : i32
      %dma_wait3A_635 = tpu.memref_slice %arg9[%dma_wait3A_633, %dma_wait3A_634] : memref<106496x32xf32, #tpu.memory_space<hbm>> -> memref<106496x32xf32, #tpu.memory_space<hbm>>
      tpu.wait_indirect_dma semaphore(%arg17 : memref<!tpu.dma_semaphore, #tpu.memory_space<semaphore_mem>>) src(%dma_wait3A_635 : memref<106496x32xf32, #tpu.memory_space<hbm>>) dst(%dma_wait3A_629 : memref<128x32xf32, #tpu.memory_space<vmem>>)
      %dma_start3A_636 = arith.constant 0 : i32
      %dma_start3A_637 = tpu.memref_slice %arg10[%add3A_18, %dma_start3A_636] : memref<204800x128xf32, #tpu.memory_space<hbm>> -> memref<640x32xf32, #tpu.memory_space<hbm>>
      %dma_start3A_638 = arith.constant 0 : i32
      %dma_start3A_639 = tpu.memref_slice %arg10[%add3A_18, %dma_start3A_638] : memref<204800x128xf32, #tpu.memory_space<hbm>> -> memref<640x32xf32, #tpu.memory_space<hbm>>
      tpu.enqueue_dma source(%arg13 : memref<640x32xf32, #tpu.memory_space<vmem>>) target(%dma_start3A_639 : memref<640x32xf32, #tpu.memory_space<hbm>>) target_semaphore(%arg18 : memref<!tpu.dma_semaphore, #tpu.memory_space<semaphore_mem>>)
      %dma_start3A_640 = arith.constant 32 : i32
      %dma_start3A_641 = tpu.memref_slice %arg10[%add3A_18, %dma_start3A_640] : memref<204800x128xf32, #tpu.memory_space<hbm>> -> memref<640x32xf32, #tpu.memory_space<hbm>>
      %dma_start3A_642 = arith.constant 32 : i32
      %dma_start3A_643 = tpu.memref_slice %arg10[%add3A_18, %dma_start3A_642] : memref<204800x128xf32, #tpu.memory_space<hbm>> -> memref<640x32xf32, #tpu.memory_space<hbm>>
      tpu.enqueue_dma source(%arg14 : memref<640x32xf32, #tpu.memory_space<vmem>>) target(%dma_start3A_643 : memref<640x32xf32, #tpu.memory_space<hbm>>) target_semaphore(%arg18 : memref<!tpu.dma_semaphore, #tpu.memory_space<semaphore_mem>>)
      %dma_start3A_644 = arith.constant 64 : i32
      %dma_start3A_645 = tpu.memref_slice %arg10[%add3A_18, %dma_start3A_644] : memref<204800x128xf32, #tpu.memory_space<hbm>> -> memref<640x32xf32, #tpu.memory_space<hbm>>
      %dma_start3A_646 = arith.constant 64 : i32
      %dma_start3A_647 = tpu.memref_slice %arg10[%add3A_18, %dma_start3A_646] : memref<204800x128xf32, #tpu.memory_space<hbm>> -> memref<640x32xf32, #tpu.memory_space<hbm>>
      tpu.enqueue_dma source(%arg15 : memref<640x32xf32, #tpu.memory_space<vmem>>) target(%dma_start3A_647 : memref<640x32xf32, #tpu.memory_space<hbm>>) target_semaphore(%arg18 : memref<!tpu.dma_semaphore, #tpu.memory_space<semaphore_mem>>)
      %dma_start3A_648 = arith.constant 96 : i32
      %dma_start3A_649 = tpu.memref_slice %arg10[%add3A_18, %dma_start3A_648] : memref<204800x128xf32, #tpu.memory_space<hbm>> -> memref<640x32xf32, #tpu.memory_space<hbm>>
      %dma_start3A_650 = arith.constant 96 : i32
      %dma_start3A_651 = tpu.memref_slice %arg10[%add3A_18, %dma_start3A_650] : memref<204800x128xf32, #tpu.memory_space<hbm>> -> memref<640x32xf32, #tpu.memory_space<hbm>>
      tpu.enqueue_dma source(%arg16 : memref<640x32xf32, #tpu.memory_space<vmem>>) target(%dma_start3A_651 : memref<640x32xf32, #tpu.memory_space<hbm>>) target_semaphore(%arg18 : memref<!tpu.dma_semaphore, #tpu.memory_space<semaphore_mem>>)
      %dma_wait3A_652 = arith.constant 0 : i32
      %dma_wait3A_653 = tpu.memref_slice %arg10[%add3A_18, %dma_wait3A_652] : memref<204800x128xf32, #tpu.memory_space<hbm>> -> memref<640x32xf32, #tpu.memory_space<hbm>>
      %dma_wait3A_654 = arith.constant 0 : i32
      %dma_wait3A_655 = tpu.memref_slice %arg10[%add3A_18, %dma_wait3A_654] : memref<204800x128xf32, #tpu.memory_space<hbm>> -> memref<640x32xf32, #tpu.memory_space<hbm>>
      tpu.wait_dma2 semaphore(%arg18 : memref<!tpu.dma_semaphore, #tpu.memory_space<semaphore_mem>>) src(%arg13 : memref<640x32xf32, #tpu.memory_space<vmem>>) dst(%dma_wait3A_655 : memref<640x32xf32, #tpu.memory_space<hbm>>)
      %dma_wait3A_656 = arith.constant 32 : i32
      %dma_wait3A_657 = tpu.memref_slice %arg10[%add3A_18, %dma_wait3A_656] : memref<204800x128xf32, #tpu.memory_space<hbm>> -> memref<640x32xf32, #tpu.memory_space<hbm>>
      %dma_wait3A_658 = arith.constant 32 : i32
      %dma_wait3A_659 = tpu.memref_slice %arg10[%add3A_18, %dma_wait3A_658] : memref<204800x128xf32, #tpu.memory_space<hbm>> -> memref<640x32xf32, #tpu.memory_space<hbm>>
      tpu.wait_dma2 semaphore(%arg18 : memref<!tpu.dma_semaphore, #tpu.memory_space<semaphore_mem>>) src(%arg14 : memref<640x32xf32, #tpu.memory_space<vmem>>) dst(%dma_wait3A_659 : memref<640x32xf32, #tpu.memory_space<hbm>>)
      %dma_wait3A_660 = arith.constant 64 : i32
      %dma_wait3A_661 = tpu.memref_slice %arg10[%add3A_18, %dma_wait3A_660] : memref<204800x128xf32, #tpu.memory_space<hbm>> -> memref<640x32xf32, #tpu.memory_space<hbm>>
      %dma_wait3A_662 = arith.constant 64 : i32
      %dma_wait3A_663 = tpu.memref_slice %arg10[%add3A_18, %dma_wait3A_662] : memref<204800x128xf32, #tpu.memory_space<hbm>> -> memref<640x32xf32, #tpu.memory_space<hbm>>
      tpu.wait_dma2 semaphore(%arg18 : memref<!tpu.dma_semaphore, #tpu.memory_space<semaphore_mem>>) src(%arg15 : memref<640x32xf32, #tpu.memory_space<vmem>>) dst(%dma_wait3A_663 : memref<640x32xf32, #tpu.memory_space<hbm>>)
      %dma_wait3A_664 = arith.constant 96 : i32
      %dma_wait3A_665 = tpu.memref_slice %arg10[%add3A_18, %dma_wait3A_664] : memref<204800x128xf32, #tpu.memory_space<hbm>> -> memref<640x32xf32, #tpu.memory_space<hbm>>
      %dma_wait3A_666 = arith.constant 96 : i32
      %dma_wait3A_667 = tpu.memref_slice %arg10[%add3A_18, %dma_wait3A_666] : memref<204800x128xf32, #tpu.memory_space<hbm>> -> memref<640x32xf32, #tpu.memory_space<hbm>>
      tpu.wait_dma2 semaphore(%arg18 : memref<!tpu.dma_semaphore, #tpu.memory_space<semaphore_mem>>) src(%arg16 : memref<640x32xf32, #tpu.memory_space<vmem>>) dst(%dma_wait3A_667 : memref<640x32xf32, #tpu.memory_space<hbm>>)
      %scan3A_668 = arith.constant 0 : i32
      scf.yield %scan3A_668 : i32
    }
    %scan3A_13 = arith.constant 10 : i32
    return
  }
}

module attributes {stable_mosaic.version = 14 : i64} {
  func.func @_repack_body(%arg0: i32, %arg1: memref<32x8192xf32, #tpu.memory_space<vmem>>, %arg2: memref<128x128xf32, #tpu.memory_space<vmem>>, %arg3: memref<2048x128xf32, #tpu.memory_space<vmem>>) attributes {dimension_semantics = [#tpu.dimension_semantics<arbitrary>], iteration_bounds = array<i64: 13>, scalar_prefetch = 0 : i64, scratch_operands = 0 : i64, tpu.core_type = #tpu.core_type<tc>, window_params = [{transform_indices = @transform_0, window_bounds = array<i64: 32, 8192>}, {pipeline_mode = #tpu.pipeline_mode<synchronous>, transform_indices = @transform_1, window_bounds = array<i64: 128, 128>}, {transform_indices = @transform_2, window_bounds = array<i64: 2048, 128>}]} {
    %get3A = arith.constant 0 : index
    %get3A_0 = arith.constant 0 : index
    %get3A_1 = vector.load %arg2[%get3A, %get3A_0] : memref<128x128xf32, #tpu.memory_space<vmem>>, vector<128x128xf32>
    %get3A_2 = arith.constant 0 : index
    %get3A_3 = arith.constant 0 : index
    %get3A_4 = vector.load %arg1[%get3A_2, %get3A_3] : memref<32x8192xf32, #tpu.memory_space<vmem>>, vector<32x128xf32>
    %dot_general3A = arith.constant dense<0.000000e+00> : vector<128x32xf32>
    %dot_general3A_5 = tpu.matmul %get3A_1, %get3A_4, %dot_general3A {dimension_numbers = #tpu.dot_dimension_numbers<[1], [1], [0], [0], [0, 0, 1, 0], [], []>, transpose_lhs_hint = false} : vector<128x128xf32>, vector<32x128xf32>, vector<128x32xf32> -> vector<128x32xf32>
    %get3A_6 = arith.constant 0 : index
    %get3A_7 = arith.constant 128 : index
    %get3A_8 = vector.load %arg1[%get3A_6, %get3A_7] : memref<32x8192xf32, #tpu.memory_space<vmem>>, vector<32x128xf32>
    %dot_general3A_9 = arith.constant dense<0.000000e+00> : vector<128x32xf32>
    %dot_general3A_10 = tpu.matmul %get3A_1, %get3A_8, %dot_general3A_9 {dimension_numbers = #tpu.dot_dimension_numbers<[1], [1], [0], [0], [0, 0, 1, 0], [], []>, transpose_lhs_hint = false} : vector<128x128xf32>, vector<32x128xf32>, vector<128x32xf32> -> vector<128x32xf32>
    %get3A_11 = arith.constant 0 : index
    %get3A_12 = arith.constant 256 : index
    %get3A_13 = vector.load %arg1[%get3A_11, %get3A_12] : memref<32x8192xf32, #tpu.memory_space<vmem>>, vector<32x128xf32>
    %dot_general3A_14 = arith.constant dense<0.000000e+00> : vector<128x32xf32>
    %dot_general3A_15 = tpu.matmul %get3A_1, %get3A_13, %dot_general3A_14 {dimension_numbers = #tpu.dot_dimension_numbers<[1], [1], [0], [0], [0, 0, 1, 0], [], []>, transpose_lhs_hint = false} : vector<128x128xf32>, vector<32x128xf32>, vector<128x32xf32> -> vector<128x32xf32>
    %get3A_16 = arith.constant 0 : index
    %get3A_17 = arith.constant 384 : index
    %get3A_18 = vector.load %arg1[%get3A_16, %get3A_17] : memref<32x8192xf32, #tpu.memory_space<vmem>>, vector<32x128xf32>
    %dot_general3A_19 = arith.constant dense<0.000000e+00> : vector<128x32xf32>
    %dot_general3A_20 = tpu.matmul %get3A_1, %get3A_18, %dot_general3A_19 {dimension_numbers = #tpu.dot_dimension_numbers<[1], [1], [0], [0], [0, 0, 1, 0], [], []>, transpose_lhs_hint = false} : vector<128x128xf32>, vector<32x128xf32>, vector<128x32xf32> -> vector<128x32xf32>
    %concatenate3A = tpu.concatenate %dot_general3A_5, %dot_general3A_10, %dot_general3A_15, %dot_general3A_20 in 1 : vector<128x32xf32>, vector<128x32xf32>, vector<128x32xf32>, vector<128x32xf32> -> vector<128x128xf32>
    %swap3A = arith.constant 0 : index
    %swap3A_21 = arith.constant 0 : index
    %swap3A_22 = vector.load %arg3[%swap3A, %swap3A_21] : memref<2048x128xf32, #tpu.memory_space<vmem>>, vector<128x128xf32>
    tpu.vector_store %arg3[%swap3A, %swap3A_21], %concatenate3A {strides = array<i32>} : memref<2048x128xf32, #tpu.memory_space<vmem>>, vector<128x128xf32>,
    %get3A_23 = arith.constant 0 : index
    %get3A_24 = arith.constant 512 : index
    %get3A_25 = vector.load %arg1[%get3A_23, %get3A_24] : memref<32x8192xf32, #tpu.memory_space<vmem>>, vector<32x128xf32>
    %dot_general3A_26 = arith.constant dense<0.000000e+00> : vector<128x32xf32>
    %dot_general3A_27 = tpu.matmul %get3A_1, %get3A_25, %dot_general3A_26 {dimension_numbers = #tpu.dot_dimension_numbers<[1], [1], [0], [0], [0, 0, 1, 0], [], []>, transpose_lhs_hint = false} : vector<128x128xf32>, vector<32x128xf32>, vector<128x32xf32> -> vector<128x32xf32>
    %get3A_28 = arith.constant 0 : index
    %get3A_29 = arith.constant 640 : index
    %get3A_30 = vector.load %arg1[%get3A_28, %get3A_29] : memref<32x8192xf32, #tpu.memory_space<vmem>>, vector<32x128xf32>
    %dot_general3A_31 = arith.constant dense<0.000000e+00> : vector<128x32xf32>
    %dot_general3A_32 = tpu.matmul %get3A_1, %get3A_30, %dot_general3A_31 {dimension_numbers = #tpu.dot_dimension_numbers<[1], [1], [0], [0], [0, 0, 1, 0], [], []>, transpose_lhs_hint = false} : vector<128x128xf32>, vector<32x128xf32>, vector<128x32xf32> -> vector<128x32xf32>
    %get3A_33 = arith.constant 0 : index
    %get3A_34 = arith.constant 768 : index
    %get3A_35 = vector.load %arg1[%get3A_33, %get3A_34] : memref<32x8192xf32, #tpu.memory_space<vmem>>, vector<32x128xf32>
    %dot_general3A_36 = arith.constant dense<0.000000e+00> : vector<128x32xf32>
    %dot_general3A_37 = tpu.matmul %get3A_1, %get3A_35, %dot_general3A_36 {dimension_numbers = #tpu.dot_dimension_numbers<[1], [1], [0], [0], [0, 0, 1, 0], [], []>, transpose_lhs_hint = false} : vector<128x128xf32>, vector<32x128xf32>, vector<128x32xf32> -> vector<128x32xf32>
    %get3A_38 = arith.constant 0 : index
    %get3A_39 = arith.constant 896 : index
    %get3A_40 = vector.load %arg1[%get3A_38, %get3A_39] : memref<32x8192xf32, #tpu.memory_space<vmem>>, vector<32x128xf32>
    %dot_general3A_41 = arith.constant dense<0.000000e+00> : vector<128x32xf32>
    %dot_general3A_42 = tpu.matmul %get3A_1, %get3A_40, %dot_general3A_41 {dimension_numbers = #tpu.dot_dimension_numbers<[1], [1], [0], [0], [0, 0, 1, 0], [], []>, transpose_lhs_hint = false} : vector<128x128xf32>, vector<32x128xf32>, vector<128x32xf32> -> vector<128x32xf32>
    %concatenate3A_43 = tpu.concatenate %dot_general3A_27, %dot_general3A_32, %dot_general3A_37, %dot_general3A_42 in 1 : vector<128x32xf32>, vector<128x32xf32>, vector<128x32xf32>, vector<128x32xf32> -> vector<128x128xf32>
    %swap3A_44 = arith.constant 128 : index
    %swap3A_45 = arith.constant 0 : index
    %swap3A_46 = vector.load %arg3[%swap3A_44, %swap3A_45] : memref<2048x128xf32, #tpu.memory_space<vmem>>, vector<128x128xf32>
    tpu.vector_store %arg3[%swap3A_44, %swap3A_45], %concatenate3A_43 {strides = array<i32>} : memref<2048x128xf32, #tpu.memory_space<vmem>>, vector<128x128xf32>,
    %get3A_47 = arith.constant 0 : index
    %get3A_48 = arith.constant 1024 : index
    %get3A_49 = vector.load %arg1[%get3A_47, %get3A_48] : memref<32x8192xf32, #tpu.memory_space<vmem>>, vector<32x128xf32>
    %dot_general3A_50 = arith.constant dense<0.000000e+00> : vector<128x32xf32>
    %dot_general3A_51 = tpu.matmul %get3A_1, %get3A_49, %dot_general3A_50 {dimension_numbers = #tpu.dot_dimension_numbers<[1], [1], [0], [0], [0, 0, 1, 0], [], []>, transpose_lhs_hint = false} : vector<128x128xf32>, vector<32x128xf32>, vector<128x32xf32> -> vector<128x32xf32>
    %get3A_52 = arith.constant 0 : index
    %get3A_53 = arith.constant 1152 : index
    %get3A_54 = vector.load %arg1[%get3A_52, %get3A_53] : memref<32x8192xf32, #tpu.memory_space<vmem>>, vector<32x128xf32>
    %dot_general3A_55 = arith.constant dense<0.000000e+00> : vector<128x32xf32>
    %dot_general3A_56 = tpu.matmul %get3A_1, %get3A_54, %dot_general3A_55 {dimension_numbers = #tpu.dot_dimension_numbers<[1], [1], [0], [0], [0, 0, 1, 0], [], []>, transpose_lhs_hint = false} : vector<128x128xf32>, vector<32x128xf32>, vector<128x32xf32> -> vector<128x32xf32>
    %get3A_57 = arith.constant 0 : index
    %get3A_58 = arith.constant 1280 : index
    %get3A_59 = vector.load %arg1[%get3A_57, %get3A_58] : memref<32x8192xf32, #tpu.memory_space<vmem>>, vector<32x128xf32>
    %dot_general3A_60 = arith.constant dense<0.000000e+00> : vector<128x32xf32>
    %dot_general3A_61 = tpu.matmul %get3A_1, %get3A_59, %dot_general3A_60 {dimension_numbers = #tpu.dot_dimension_numbers<[1], [1], [0], [0], [0, 0, 1, 0], [], []>, transpose_lhs_hint = false} : vector<128x128xf32>, vector<32x128xf32>, vector<128x32xf32> -> vector<128x32xf32>
    %get3A_62 = arith.constant 0 : index
    %get3A_63 = arith.constant 1408 : index
    %get3A_64 = vector.load %arg1[%get3A_62, %get3A_63] : memref<32x8192xf32, #tpu.memory_space<vmem>>, vector<32x128xf32>
    %dot_general3A_65 = arith.constant dense<0.000000e+00> : vector<128x32xf32>
    %dot_general3A_66 = tpu.matmul %get3A_1, %get3A_64, %dot_general3A_65 {dimension_numbers = #tpu.dot_dimension_numbers<[1], [1], [0], [0], [0, 0, 1, 0], [], []>, transpose_lhs_hint = false} : vector<128x128xf32>, vector<32x128xf32>, vector<128x32xf32> -> vector<128x32xf32>
    %concatenate3A_67 = tpu.concatenate %dot_general3A_51, %dot_general3A_56, %dot_general3A_61, %dot_general3A_66 in 1 : vector<128x32xf32>, vector<128x32xf32>, vector<128x32xf32>, vector<128x32xf32> -> vector<128x128xf32>
    %swap3A_68 = arith.constant 256 : index
    %swap3A_69 = arith.constant 0 : index
    %swap3A_70 = vector.load %arg3[%swap3A_68, %swap3A_69] : memref<2048x128xf32, #tpu.memory_space<vmem>>, vector<128x128xf32>
    tpu.vector_store %arg3[%swap3A_68, %swap3A_69], %concatenate3A_67 {strides = array<i32>} : memref<2048x128xf32, #tpu.memory_space<vmem>>, vector<128x128xf32>,
    %get3A_71 = arith.constant 0 : index
    %get3A_72 = arith.constant 1536 : index
    %get3A_73 = vector.load %arg1[%get3A_71, %get3A_72] : memref<32x8192xf32, #tpu.memory_space<vmem>>, vector<32x128xf32>
    %dot_general3A_74 = arith.constant dense<0.000000e+00> : vector<128x32xf32>
    %dot_general3A_75 = tpu.matmul %get3A_1, %get3A_73, %dot_general3A_74 {dimension_numbers = #tpu.dot_dimension_numbers<[1], [1], [0], [0], [0, 0, 1, 0], [], []>, transpose_lhs_hint = false} : vector<128x128xf32>, vector<32x128xf32>, vector<128x32xf32> -> vector<128x32xf32>
    %get3A_76 = arith.constant 0 : index
    %get3A_77 = arith.constant 1664 : index
    %get3A_78 = vector.load %arg1[%get3A_76, %get3A_77] : memref<32x8192xf32, #tpu.memory_space<vmem>>, vector<32x128xf32>
    %dot_general3A_79 = arith.constant dense<0.000000e+00> : vector<128x32xf32>
    %dot_general3A_80 = tpu.matmul %get3A_1, %get3A_78, %dot_general3A_79 {dimension_numbers = #tpu.dot_dimension_numbers<[1], [1], [0], [0], [0, 0, 1, 0], [], []>, transpose_lhs_hint = false} : vector<128x128xf32>, vector<32x128xf32>, vector<128x32xf32> -> vector<128x32xf32>
    %get3A_81 = arith.constant 0 : index
    %get3A_82 = arith.constant 1792 : index
    %get3A_83 = vector.load %arg1[%get3A_81, %get3A_82] : memref<32x8192xf32, #tpu.memory_space<vmem>>, vector<32x128xf32>
    %dot_general3A_84 = arith.constant dense<0.000000e+00> : vector<128x32xf32>
    %dot_general3A_85 = tpu.matmul %get3A_1, %get3A_83, %dot_general3A_84 {dimension_numbers = #tpu.dot_dimension_numbers<[1], [1], [0], [0], [0, 0, 1, 0], [], []>, transpose_lhs_hint = false} : vector<128x128xf32>, vector<32x128xf32>, vector<128x32xf32> -> vector<128x32xf32>
    %get3A_86 = arith.constant 0 : index
    %get3A_87 = arith.constant 1920 : index
    %get3A_88 = vector.load %arg1[%get3A_86, %get3A_87] : memref<32x8192xf32, #tpu.memory_space<vmem>>, vector<32x128xf32>
    %dot_general3A_89 = arith.constant dense<0.000000e+00> : vector<128x32xf32>
    %dot_general3A_90 = tpu.matmul %get3A_1, %get3A_88, %dot_general3A_89 {dimension_numbers = #tpu.dot_dimension_numbers<[1], [1], [0], [0], [0, 0, 1, 0], [], []>, transpose_lhs_hint = false} : vector<128x128xf32>, vector<32x128xf32>, vector<128x32xf32> -> vector<128x32xf32>
    %concatenate3A_91 = tpu.concatenate %dot_general3A_75, %dot_general3A_80, %dot_general3A_85, %dot_general3A_90 in 1 : vector<128x32xf32>, vector<128x32xf32>, vector<128x32xf32>, vector<128x32xf32> -> vector<128x128xf32>
    %swap3A_92 = arith.constant 384 : index
    %swap3A_93 = arith.constant 0 : index
    %swap3A_94 = vector.load %arg3[%swap3A_92, %swap3A_93] : memref<2048x128xf32, #tpu.memory_space<vmem>>, vector<128x128xf32>
    tpu.vector_store %arg3[%swap3A_92, %swap3A_93], %concatenate3A_91 {strides = array<i32>} : memref<2048x128xf32, #tpu.memory_space<vmem>>, vector<128x128xf32>,
    %get3A_95 = arith.constant 0 : index
    %get3A_96 = arith.constant 2048 : index
    %get3A_97 = vector.load %arg1[%get3A_95, %get3A_96] : memref<32x8192xf32, #tpu.memory_space<vmem>>, vector<32x128xf32>
    %dot_general3A_98 = arith.constant dense<0.000000e+00> : vector<128x32xf32>
    %dot_general3A_99 = tpu.matmul %get3A_1, %get3A_97, %dot_general3A_98 {dimension_numbers = #tpu.dot_dimension_numbers<[1], [1], [0], [0], [0, 0, 1, 0], [], []>, transpose_lhs_hint = false} : vector<128x128xf32>, vector<32x128xf32>, vector<128x32xf32> -> vector<128x32xf32>
    %get3A_100 = arith.constant 0 : index
    %get3A_101 = arith.constant 2176 : index
    %get3A_102 = vector.load %arg1[%get3A_100, %get3A_101] : memref<32x8192xf32, #tpu.memory_space<vmem>>, vector<32x128xf32>
    %dot_general3A_103 = arith.constant dense<0.000000e+00> : vector<128x32xf32>
    %dot_general3A_104 = tpu.matmul %get3A_1, %get3A_102, %dot_general3A_103 {dimension_numbers = #tpu.dot_dimension_numbers<[1], [1], [0], [0], [0, 0, 1, 0], [], []>, transpose_lhs_hint = false} : vector<128x128xf32>, vector<32x128xf32>, vector<128x32xf32> -> vector<128x32xf32>
    %get3A_105 = arith.constant 0 : index
    %get3A_106 = arith.constant 2304 : index
    %get3A_107 = vector.load %arg1[%get3A_105, %get3A_106] : memref<32x8192xf32, #tpu.memory_space<vmem>>, vector<32x128xf32>
    %dot_general3A_108 = arith.constant dense<0.000000e+00> : vector<128x32xf32>
    %dot_general3A_109 = tpu.matmul %get3A_1, %get3A_107, %dot_general3A_108 {dimension_numbers = #tpu.dot_dimension_numbers<[1], [1], [0], [0], [0, 0, 1, 0], [], []>, transpose_lhs_hint = false} : vector<128x128xf32>, vector<32x128xf32>, vector<128x32xf32> -> vector<128x32xf32>
    %get3A_110 = arith.constant 0 : index
    %get3A_111 = arith.constant 2432 : index
    %get3A_112 = vector.load %arg1[%get3A_110, %get3A_111] : memref<32x8192xf32, #tpu.memory_space<vmem>>, vector<32x128xf32>
    %dot_general3A_113 = arith.constant dense<0.000000e+00> : vector<128x32xf32>
    %dot_general3A_114 = tpu.matmul %get3A_1, %get3A_112, %dot_general3A_113 {dimension_numbers = #tpu.dot_dimension_numbers<[1], [1], [0], [0], [0, 0, 1, 0], [], []>, transpose_lhs_hint = false} : vector<128x128xf32>, vector<32x128xf32>, vector<128x32xf32> -> vector<128x32xf32>
    %concatenate3A_115 = tpu.concatenate %dot_general3A_99, %dot_general3A_104, %dot_general3A_109, %dot_general3A_114 in 1 : vector<128x32xf32>, vector<128x32xf32>, vector<128x32xf32>, vector<128x32xf32> -> vector<128x128xf32>
    %swap3A_116 = arith.constant 512 : index
    %swap3A_117 = arith.constant 0 : index
    %swap3A_118 = vector.load %arg3[%swap3A_116, %swap3A_117] : memref<2048x128xf32, #tpu.memory_space<vmem>>, vector<128x128xf32>
    tpu.vector_store %arg3[%swap3A_116, %swap3A_117], %concatenate3A_115 {strides = array<i32>} : memref<2048x128xf32, #tpu.memory_space<vmem>>, vector<128x128xf32>,
    %get3A_119 = arith.constant 0 : index
    %get3A_120 = arith.constant 2560 : index
    %get3A_121 = vector.load %arg1[%get3A_119, %get3A_120] : memref<32x8192xf32, #tpu.memory_space<vmem>>, vector<32x128xf32>
    %dot_general3A_122 = arith.constant dense<0.000000e+00> : vector<128x32xf32>
    %dot_general3A_123 = tpu.matmul %get3A_1, %get3A_121, %dot_general3A_122 {dimension_numbers = #tpu.dot_dimension_numbers<[1], [1], [0], [0], [0, 0, 1, 0], [], []>, transpose_lhs_hint = false} : vector<128x128xf32>, vector<32x128xf32>, vector<128x32xf32> -> vector<128x32xf32>
    %get3A_124 = arith.constant 0 : index
    %get3A_125 = arith.constant 2688 : index
    %get3A_126 = vector.load %arg1[%get3A_124, %get3A_125] : memref<32x8192xf32, #tpu.memory_space<vmem>>, vector<32x128xf32>
    %dot_general3A_127 = arith.constant dense<0.000000e+00> : vector<128x32xf32>
    %dot_general3A_128 = tpu.matmul %get3A_1, %get3A_126, %dot_general3A_127 {dimension_numbers = #tpu.dot_dimension_numbers<[1], [1], [0], [0], [0, 0, 1, 0], [], []>, transpose_lhs_hint = false} : vector<128x128xf32>, vector<32x128xf32>, vector<128x32xf32> -> vector<128x32xf32>
    %get3A_129 = arith.constant 0 : index
    %get3A_130 = arith.constant 2816 : index
    %get3A_131 = vector.load %arg1[%get3A_129, %get3A_130] : memref<32x8192xf32, #tpu.memory_space<vmem>>, vector<32x128xf32>
    %dot_general3A_132 = arith.constant dense<0.000000e+00> : vector<128x32xf32>
    %dot_general3A_133 = tpu.matmul %get3A_1, %get3A_131, %dot_general3A_132 {dimension_numbers = #tpu.dot_dimension_numbers<[1], [1], [0], [0], [0, 0, 1, 0], [], []>, transpose_lhs_hint = false} : vector<128x128xf32>, vector<32x128xf32>, vector<128x32xf32> -> vector<128x32xf32>
    %get3A_134 = arith.constant 0 : index
    %get3A_135 = arith.constant 2944 : index
    %get3A_136 = vector.load %arg1[%get3A_134, %get3A_135] : memref<32x8192xf32, #tpu.memory_space<vmem>>, vector<32x128xf32>
    %dot_general3A_137 = arith.constant dense<0.000000e+00> : vector<128x32xf32>
    %dot_general3A_138 = tpu.matmul %get3A_1, %get3A_136, %dot_general3A_137 {dimension_numbers = #tpu.dot_dimension_numbers<[1], [1], [0], [0], [0, 0, 1, 0], [], []>, transpose_lhs_hint = false} : vector<128x128xf32>, vector<32x128xf32>, vector<128x32xf32> -> vector<128x32xf32>
    %concatenate3A_139 = tpu.concatenate %dot_general3A_123, %dot_general3A_128, %dot_general3A_133, %dot_general3A_138 in 1 : vector<128x32xf32>, vector<128x32xf32>, vector<128x32xf32>, vector<128x32xf32> -> vector<128x128xf32>
    %swap3A_140 = arith.constant 640 : index
    %swap3A_141 = arith.constant 0 : index
    %swap3A_142 = vector.load %arg3[%swap3A_140, %swap3A_141] : memref<2048x128xf32, #tpu.memory_space<vmem>>, vector<128x128xf32>
    tpu.vector_store %arg3[%swap3A_140, %swap3A_141], %concatenate3A_139 {strides = array<i32>} : memref<2048x128xf32, #tpu.memory_space<vmem>>, vector<128x128xf32>,
    %get3A_143 = arith.constant 0 : index
    %get3A_144 = arith.constant 3072 : index
    %get3A_145 = vector.load %arg1[%get3A_143, %get3A_144] : memref<32x8192xf32, #tpu.memory_space<vmem>>, vector<32x128xf32>
    %dot_general3A_146 = arith.constant dense<0.000000e+00> : vector<128x32xf32>
    %dot_general3A_147 = tpu.matmul %get3A_1, %get3A_145, %dot_general3A_146 {dimension_numbers = #tpu.dot_dimension_numbers<[1], [1], [0], [0], [0, 0, 1, 0], [], []>, transpose_lhs_hint = false} : vector<128x128xf32>, vector<32x128xf32>, vector<128x32xf32> -> vector<128x32xf32>
    %get3A_148 = arith.constant 0 : index
    %get3A_149 = arith.constant 3200 : index
    %get3A_150 = vector.load %arg1[%get3A_148, %get3A_149] : memref<32x8192xf32, #tpu.memory_space<vmem>>, vector<32x128xf32>
    %dot_general3A_151 = arith.constant dense<0.000000e+00> : vector<128x32xf32>
    %dot_general3A_152 = tpu.matmul %get3A_1, %get3A_150, %dot_general3A_151 {dimension_numbers = #tpu.dot_dimension_numbers<[1], [1], [0], [0], [0, 0, 1, 0], [], []>, transpose_lhs_hint = false} : vector<128x128xf32>, vector<32x128xf32>, vector<128x32xf32> -> vector<128x32xf32>
    %get3A_153 = arith.constant 0 : index
    %get3A_154 = arith.constant 3328 : index
    %get3A_155 = vector.load %arg1[%get3A_153, %get3A_154] : memref<32x8192xf32, #tpu.memory_space<vmem>>, vector<32x128xf32>
    %dot_general3A_156 = arith.constant dense<0.000000e+00> : vector<128x32xf32>
    %dot_general3A_157 = tpu.matmul %get3A_1, %get3A_155, %dot_general3A_156 {dimension_numbers = #tpu.dot_dimension_numbers<[1], [1], [0], [0], [0, 0, 1, 0], [], []>, transpose_lhs_hint = false} : vector<128x128xf32>, vector<32x128xf32>, vector<128x32xf32> -> vector<128x32xf32>
    %get3A_158 = arith.constant 0 : index
    %get3A_159 = arith.constant 3456 : index
    %get3A_160 = vector.load %arg1[%get3A_158, %get3A_159] : memref<32x8192xf32, #tpu.memory_space<vmem>>, vector<32x128xf32>
    %dot_general3A_161 = arith.constant dense<0.000000e+00> : vector<128x32xf32>
    %dot_general3A_162 = tpu.matmul %get3A_1, %get3A_160, %dot_general3A_161 {dimension_numbers = #tpu.dot_dimension_numbers<[1], [1], [0], [0], [0, 0, 1, 0], [], []>, transpose_lhs_hint = false} : vector<128x128xf32>, vector<32x128xf32>, vector<128x32xf32> -> vector<128x32xf32>
    %concatenate3A_163 = tpu.concatenate %dot_general3A_147, %dot_general3A_152, %dot_general3A_157, %dot_general3A_162 in 1 : vector<128x32xf32>, vector<128x32xf32>, vector<128x32xf32>, vector<128x32xf32> -> vector<128x128xf32>
    %swap3A_164 = arith.constant 768 : index
    %swap3A_165 = arith.constant 0 : index
    %swap3A_166 = vector.load %arg3[%swap3A_164, %swap3A_165] : memref<2048x128xf32, #tpu.memory_space<vmem>>, vector<128x128xf32>
    tpu.vector_store %arg3[%swap3A_164, %swap3A_165], %concatenate3A_163 {strides = array<i32>} : memref<2048x128xf32, #tpu.memory_space<vmem>>, vector<128x128xf32>,
    %get3A_167 = arith.constant 0 : index
    %get3A_168 = arith.constant 3584 : index
    %get3A_169 = vector.load %arg1[%get3A_167, %get3A_168] : memref<32x8192xf32, #tpu.memory_space<vmem>>, vector<32x128xf32>
    %dot_general3A_170 = arith.constant dense<0.000000e+00> : vector<128x32xf32>
    %dot_general3A_171 = tpu.matmul %get3A_1, %get3A_169, %dot_general3A_170 {dimension_numbers = #tpu.dot_dimension_numbers<[1], [1], [0], [0], [0, 0, 1, 0], [], []>, transpose_lhs_hint = false} : vector<128x128xf32>, vector<32x128xf32>, vector<128x32xf32> -> vector<128x32xf32>
    %get3A_172 = arith.constant 0 : index
    %get3A_173 = arith.constant 3712 : index
    %get3A_174 = vector.load %arg1[%get3A_172, %get3A_173] : memref<32x8192xf32, #tpu.memory_space<vmem>>, vector<32x128xf32>
    %dot_general3A_175 = arith.constant dense<0.000000e+00> : vector<128x32xf32>
    %dot_general3A_176 = tpu.matmul %get3A_1, %get3A_174, %dot_general3A_175 {dimension_numbers = #tpu.dot_dimension_numbers<[1], [1], [0], [0], [0, 0, 1, 0], [], []>, transpose_lhs_hint = false} : vector<128x128xf32>, vector<32x128xf32>, vector<128x32xf32> -> vector<128x32xf32>
    %get3A_177 = arith.constant 0 : index
    %get3A_178 = arith.constant 3840 : index
    %get3A_179 = vector.load %arg1[%get3A_177, %get3A_178] : memref<32x8192xf32, #tpu.memory_space<vmem>>, vector<32x128xf32>
    %dot_general3A_180 = arith.constant dense<0.000000e+00> : vector<128x32xf32>
    %dot_general3A_181 = tpu.matmul %get3A_1, %get3A_179, %dot_general3A_180 {dimension_numbers = #tpu.dot_dimension_numbers<[1], [1], [0], [0], [0, 0, 1, 0], [], []>, transpose_lhs_hint = false} : vector<128x128xf32>, vector<32x128xf32>, vector<128x32xf32> -> vector<128x32xf32>
    %get3A_182 = arith.constant 0 : index
    %get3A_183 = arith.constant 3968 : index
    %get3A_184 = vector.load %arg1[%get3A_182, %get3A_183] : memref<32x8192xf32, #tpu.memory_space<vmem>>, vector<32x128xf32>
    %dot_general3A_185 = arith.constant dense<0.000000e+00> : vector<128x32xf32>
    %dot_general3A_186 = tpu.matmul %get3A_1, %get3A_184, %dot_general3A_185 {dimension_numbers = #tpu.dot_dimension_numbers<[1], [1], [0], [0], [0, 0, 1, 0], [], []>, transpose_lhs_hint = false} : vector<128x128xf32>, vector<32x128xf32>, vector<128x32xf32> -> vector<128x32xf32>
    %concatenate3A_187 = tpu.concatenate %dot_general3A_171, %dot_general3A_176, %dot_general3A_181, %dot_general3A_186 in 1 : vector<128x32xf32>, vector<128x32xf32>, vector<128x32xf32>, vector<128x32xf32> -> vector<128x128xf32>
    %swap3A_188 = arith.constant 896 : index
    %swap3A_189 = arith.constant 0 : index
    %swap3A_190 = vector.load %arg3[%swap3A_188, %swap3A_189] : memref<2048x128xf32, #tpu.memory_space<vmem>>, vector<128x128xf32>
    tpu.vector_store %arg3[%swap3A_188, %swap3A_189], %concatenate3A_187 {strides = array<i32>} : memref<2048x128xf32, #tpu.memory_space<vmem>>, vector<128x128xf32>,
    %get3A_191 = arith.constant 0 : index
    %get3A_192 = arith.constant 4096 : index
    %get3A_193 = vector.load %arg1[%get3A_191, %get3A_192] : memref<32x8192xf32, #tpu.memory_space<vmem>>, vector<32x128xf32>
    %dot_general3A_194 = arith.constant dense<0.000000e+00> : vector<128x32xf32>
    %dot_general3A_195 = tpu.matmul %get3A_1, %get3A_193, %dot_general3A_194 {dimension_numbers = #tpu.dot_dimension_numbers<[1], [1], [0], [0], [0, 0, 1, 0], [], []>, transpose_lhs_hint = false} : vector<128x128xf32>, vector<32x128xf32>, vector<128x32xf32> -> vector<128x32xf32>
    %get3A_196 = arith.constant 0 : index
    %get3A_197 = arith.constant 4224 : index
    %get3A_198 = vector.load %arg1[%get3A_196, %get3A_197] : memref<32x8192xf32, #tpu.memory_space<vmem>>, vector<32x128xf32>
    %dot_general3A_199 = arith.constant dense<0.000000e+00> : vector<128x32xf32>
    %dot_general3A_200 = tpu.matmul %get3A_1, %get3A_198, %dot_general3A_199 {dimension_numbers = #tpu.dot_dimension_numbers<[1], [1], [0], [0], [0, 0, 1, 0], [], []>, transpose_lhs_hint = false} : vector<128x128xf32>, vector<32x128xf32>, vector<128x32xf32> -> vector<128x32xf32>
    %get3A_201 = arith.constant 0 : index
    %get3A_202 = arith.constant 4352 : index
    %get3A_203 = vector.load %arg1[%get3A_201, %get3A_202] : memref<32x8192xf32, #tpu.memory_space<vmem>>, vector<32x128xf32>
    %dot_general3A_204 = arith.constant dense<0.000000e+00> : vector<128x32xf32>
    %dot_general3A_205 = tpu.matmul %get3A_1, %get3A_203, %dot_general3A_204 {dimension_numbers = #tpu.dot_dimension_numbers<[1], [1], [0], [0], [0, 0, 1, 0], [], []>, transpose_lhs_hint = false} : vector<128x128xf32>, vector<32x128xf32>, vector<128x32xf32> -> vector<128x32xf32>
    %get3A_206 = arith.constant 0 : index
    %get3A_207 = arith.constant 4480 : index
    %get3A_208 = vector.load %arg1[%get3A_206, %get3A_207] : memref<32x8192xf32, #tpu.memory_space<vmem>>, vector<32x128xf32>
    %dot_general3A_209 = arith.constant dense<0.000000e+00> : vector<128x32xf32>
    %dot_general3A_210 = tpu.matmul %get3A_1, %get3A_208, %dot_general3A_209 {dimension_numbers = #tpu.dot_dimension_numbers<[1], [1], [0], [0], [0, 0, 1, 0], [], []>, transpose_lhs_hint = false} : vector<128x128xf32>, vector<32x128xf32>, vector<128x32xf32> -> vector<128x32xf32>
    %concatenate3A_211 = tpu.concatenate %dot_general3A_195, %dot_general3A_200, %dot_general3A_205, %dot_general3A_210 in 1 : vector<128x32xf32>, vector<128x32xf32>, vector<128x32xf32>, vector<128x32xf32> -> vector<128x128xf32>
    %swap3A_212 = arith.constant 1024 : index
    %swap3A_213 = arith.constant 0 : index
    %swap3A_214 = vector.load %arg3[%swap3A_212, %swap3A_213] : memref<2048x128xf32, #tpu.memory_space<vmem>>, vector<128x128xf32>
    tpu.vector_store %arg3[%swap3A_212, %swap3A_213], %concatenate3A_211 {strides = array<i32>} : memref<2048x128xf32, #tpu.memory_space<vmem>>, vector<128x128xf32>,
    %get3A_215 = arith.constant 0 : index
    %get3A_216 = arith.constant 4608 : index
    %get3A_217 = vector.load %arg1[%get3A_215, %get3A_216] : memref<32x8192xf32, #tpu.memory_space<vmem>>, vector<32x128xf32>
    %dot_general3A_218 = arith.constant dense<0.000000e+00> : vector<128x32xf32>
    %dot_general3A_219 = tpu.matmul %get3A_1, %get3A_217, %dot_general3A_218 {dimension_numbers = #tpu.dot_dimension_numbers<[1], [1], [0], [0], [0, 0, 1, 0], [], []>, transpose_lhs_hint = false} : vector<128x128xf32>, vector<32x128xf32>, vector<128x32xf32> -> vector<128x32xf32>
    %get3A_220 = arith.constant 0 : index
    %get3A_221 = arith.constant 4736 : index
    %get3A_222 = vector.load %arg1[%get3A_220, %get3A_221] : memref<32x8192xf32, #tpu.memory_space<vmem>>, vector<32x128xf32>
    %dot_general3A_223 = arith.constant dense<0.000000e+00> : vector<128x32xf32>
    %dot_general3A_224 = tpu.matmul %get3A_1, %get3A_222, %dot_general3A_223 {dimension_numbers = #tpu.dot_dimension_numbers<[1], [1], [0], [0], [0, 0, 1, 0], [], []>, transpose_lhs_hint = false} : vector<128x128xf32>, vector<32x128xf32>, vector<128x32xf32> -> vector<128x32xf32>
    %get3A_225 = arith.constant 0 : index
    %get3A_226 = arith.constant 4864 : index
    %get3A_227 = vector.load %arg1[%get3A_225, %get3A_226] : memref<32x8192xf32, #tpu.memory_space<vmem>>, vector<32x128xf32>
    %dot_general3A_228 = arith.constant dense<0.000000e+00> : vector<128x32xf32>
    %dot_general3A_229 = tpu.matmul %get3A_1, %get3A_227, %dot_general3A_228 {dimension_numbers = #tpu.dot_dimension_numbers<[1], [1], [0], [0], [0, 0, 1, 0], [], []>, transpose_lhs_hint = false} : vector<128x128xf32>, vector<32x128xf32>, vector<128x32xf32> -> vector<128x32xf32>
    %get3A_230 = arith.constant 0 : index
    %get3A_231 = arith.constant 4992 : index
    %get3A_232 = vector.load %arg1[%get3A_230, %get3A_231] : memref<32x8192xf32, #tpu.memory_space<vmem>>, vector<32x128xf32>
    %dot_general3A_233 = arith.constant dense<0.000000e+00> : vector<128x32xf32>
    %dot_general3A_234 = tpu.matmul %get3A_1, %get3A_232, %dot_general3A_233 {dimension_numbers = #tpu.dot_dimension_numbers<[1], [1], [0], [0], [0, 0, 1, 0], [], []>, transpose_lhs_hint = false} : vector<128x128xf32>, vector<32x128xf32>, vector<128x32xf32> -> vector<128x32xf32>
    %concatenate3A_235 = tpu.concatenate %dot_general3A_219, %dot_general3A_224, %dot_general3A_229, %dot_general3A_234 in 1 : vector<128x32xf32>, vector<128x32xf32>, vector<128x32xf32>, vector<128x32xf32> -> vector<128x128xf32>
    %swap3A_236 = arith.constant 1152 : index
    %swap3A_237 = arith.constant 0 : index
    %swap3A_238 = vector.load %arg3[%swap3A_236, %swap3A_237] : memref<2048x128xf32, #tpu.memory_space<vmem>>, vector<128x128xf32>
    tpu.vector_store %arg3[%swap3A_236, %swap3A_237], %concatenate3A_235 {strides = array<i32>} : memref<2048x128xf32, #tpu.memory_space<vmem>>, vector<128x128xf32>,
    %get3A_239 = arith.constant 0 : index
    %get3A_240 = arith.constant 5120 : index
    %get3A_241 = vector.load %arg1[%get3A_239, %get3A_240] : memref<32x8192xf32, #tpu.memory_space<vmem>>, vector<32x128xf32>
    %dot_general3A_242 = arith.constant dense<0.000000e+00> : vector<128x32xf32>
    %dot_general3A_243 = tpu.matmul %get3A_1, %get3A_241, %dot_general3A_242 {dimension_numbers = #tpu.dot_dimension_numbers<[1], [1], [0], [0], [0, 0, 1, 0], [], []>, transpose_lhs_hint = false} : vector<128x128xf32>, vector<32x128xf32>, vector<128x32xf32> -> vector<128x32xf32>
    %get3A_244 = arith.constant 0 : index
    %get3A_245 = arith.constant 5248 : index
    %get3A_246 = vector.load %arg1[%get3A_244, %get3A_245] : memref<32x8192xf32, #tpu.memory_space<vmem>>, vector<32x128xf32>
    %dot_general3A_247 = arith.constant dense<0.000000e+00> : vector<128x32xf32>
    %dot_general3A_248 = tpu.matmul %get3A_1, %get3A_246, %dot_general3A_247 {dimension_numbers = #tpu.dot_dimension_numbers<[1], [1], [0], [0], [0, 0, 1, 0], [], []>, transpose_lhs_hint = false} : vector<128x128xf32>, vector<32x128xf32>, vector<128x32xf32> -> vector<128x32xf32>
    %get3A_249 = arith.constant 0 : index
    %get3A_250 = arith.constant 5376 : index
    %get3A_251 = vector.load %arg1[%get3A_249, %get3A_250] : memref<32x8192xf32, #tpu.memory_space<vmem>>, vector<32x128xf32>
    %dot_general3A_252 = arith.constant dense<0.000000e+00> : vector<128x32xf32>
    %dot_general3A_253 = tpu.matmul %get3A_1, %get3A_251, %dot_general3A_252 {dimension_numbers = #tpu.dot_dimension_numbers<[1], [1], [0], [0], [0, 0, 1, 0], [], []>, transpose_lhs_hint = false} : vector<128x128xf32>, vector<32x128xf32>, vector<128x32xf32> -> vector<128x32xf32>
    %get3A_254 = arith.constant 0 : index
    %get3A_255 = arith.constant 5504 : index
    %get3A_256 = vector.load %arg1[%get3A_254, %get3A_255] : memref<32x8192xf32, #tpu.memory_space<vmem>>, vector<32x128xf32>
    %dot_general3A_257 = arith.constant dense<0.000000e+00> : vector<128x32xf32>
    %dot_general3A_258 = tpu.matmul %get3A_1, %get3A_256, %dot_general3A_257 {dimension_numbers = #tpu.dot_dimension_numbers<[1], [1], [0], [0], [0, 0, 1, 0], [], []>, transpose_lhs_hint = false} : vector<128x128xf32>, vector<32x128xf32>, vector<128x32xf32> -> vector<128x32xf32>
    %concatenate3A_259 = tpu.concatenate %dot_general3A_243, %dot_general3A_248, %dot_general3A_253, %dot_general3A_258 in 1 : vector<128x32xf32>, vector<128x32xf32>, vector<128x32xf32>, vector<128x32xf32> -> vector<128x128xf32>
    %swap3A_260 = arith.constant 1280 : index
    %swap3A_261 = arith.constant 0 : index
    %swap3A_262 = vector.load %arg3[%swap3A_260, %swap3A_261] : memref<2048x128xf32, #tpu.memory_space<vmem>>, vector<128x128xf32>
    tpu.vector_store %arg3[%swap3A_260, %swap3A_261], %concatenate3A_259 {strides = array<i32>} : memref<2048x128xf32, #tpu.memory_space<vmem>>, vector<128x128xf32>,
    %get3A_263 = arith.constant 0 : index
    %get3A_264 = arith.constant 5632 : index
    %get3A_265 = vector.load %arg1[%get3A_263, %get3A_264] : memref<32x8192xf32, #tpu.memory_space<vmem>>, vector<32x128xf32>
    %dot_general3A_266 = arith.constant dense<0.000000e+00> : vector<128x32xf32>
    %dot_general3A_267 = tpu.matmul %get3A_1, %get3A_265, %dot_general3A_266 {dimension_numbers = #tpu.dot_dimension_numbers<[1], [1], [0], [0], [0, 0, 1, 0], [], []>, transpose_lhs_hint = false} : vector<128x128xf32>, vector<32x128xf32>, vector<128x32xf32> -> vector<128x32xf32>
    %get3A_268 = arith.constant 0 : index
    %get3A_269 = arith.constant 5760 : index
    %get3A_270 = vector.load %arg1[%get3A_268, %get3A_269] : memref<32x8192xf32, #tpu.memory_space<vmem>>, vector<32x128xf32>
    %dot_general3A_271 = arith.constant dense<0.000000e+00> : vector<128x32xf32>
    %dot_general3A_272 = tpu.matmul %get3A_1, %get3A_270, %dot_general3A_271 {dimension_numbers = #tpu.dot_dimension_numbers<[1], [1], [0], [0], [0, 0, 1, 0], [], []>, transpose_lhs_hint = false} : vector<128x128xf32>, vector<32x128xf32>, vector<128x32xf32> -> vector<128x32xf32>
    %get3A_273 = arith.constant 0 : index
    %get3A_274 = arith.constant 5888 : index
    %get3A_275 = vector.load %arg1[%get3A_273, %get3A_274] : memref<32x8192xf32, #tpu.memory_space<vmem>>, vector<32x128xf32>
    %dot_general3A_276 = arith.constant dense<0.000000e+00> : vector<128x32xf32>
    %dot_general3A_277 = tpu.matmul %get3A_1, %get3A_275, %dot_general3A_276 {dimension_numbers = #tpu.dot_dimension_numbers<[1], [1], [0], [0], [0, 0, 1, 0], [], []>, transpose_lhs_hint = false} : vector<128x128xf32>, vector<32x128xf32>, vector<128x32xf32> -> vector<128x32xf32>
    %get3A_278 = arith.constant 0 : index
    %get3A_279 = arith.constant 6016 : index
    %get3A_280 = vector.load %arg1[%get3A_278, %get3A_279] : memref<32x8192xf32, #tpu.memory_space<vmem>>, vector<32x128xf32>
    %dot_general3A_281 = arith.constant dense<0.000000e+00> : vector<128x32xf32>
    %dot_general3A_282 = tpu.matmul %get3A_1, %get3A_280, %dot_general3A_281 {dimension_numbers = #tpu.dot_dimension_numbers<[1], [1], [0], [0], [0, 0, 1, 0], [], []>, transpose_lhs_hint = false} : vector<128x128xf32>, vector<32x128xf32>, vector<128x32xf32> -> vector<128x32xf32>
    %concatenate3A_283 = tpu.concatenate %dot_general3A_267, %dot_general3A_272, %dot_general3A_277, %dot_general3A_282 in 1 : vector<128x32xf32>, vector<128x32xf32>, vector<128x32xf32>, vector<128x32xf32> -> vector<128x128xf32>
    %swap3A_284 = arith.constant 1408 : index
    %swap3A_285 = arith.constant 0 : index
    %swap3A_286 = vector.load %arg3[%swap3A_284, %swap3A_285] : memref<2048x128xf32, #tpu.memory_space<vmem>>, vector<128x128xf32>
    tpu.vector_store %arg3[%swap3A_284, %swap3A_285], %concatenate3A_283 {strides = array<i32>} : memref<2048x128xf32, #tpu.memory_space<vmem>>, vector<128x128xf32>,
    %get3A_287 = arith.constant 0 : index
    %get3A_288 = arith.constant 6144 : index
    %get3A_289 = vector.load %arg1[%get3A_287, %get3A_288] : memref<32x8192xf32, #tpu.memory_space<vmem>>, vector<32x128xf32>
    %dot_general3A_290 = arith.constant dense<0.000000e+00> : vector<128x32xf32>
    %dot_general3A_291 = tpu.matmul %get3A_1, %get3A_289, %dot_general3A_290 {dimension_numbers = #tpu.dot_dimension_numbers<[1], [1], [0], [0], [0, 0, 1, 0], [], []>, transpose_lhs_hint = false} : vector<128x128xf32>, vector<32x128xf32>, vector<128x32xf32> -> vector<128x32xf32>
    %get3A_292 = arith.constant 0 : index
    %get3A_293 = arith.constant 6272 : index
    %get3A_294 = vector.load %arg1[%get3A_292, %get3A_293] : memref<32x8192xf32, #tpu.memory_space<vmem>>, vector<32x128xf32>
    %dot_general3A_295 = arith.constant dense<0.000000e+00> : vector<128x32xf32>
    %dot_general3A_296 = tpu.matmul %get3A_1, %get3A_294, %dot_general3A_295 {dimension_numbers = #tpu.dot_dimension_numbers<[1], [1], [0], [0], [0, 0, 1, 0], [], []>, transpose_lhs_hint = false} : vector<128x128xf32>, vector<32x128xf32>, vector<128x32xf32> -> vector<128x32xf32>
    %get3A_297 = arith.constant 0 : index
    %get3A_298 = arith.constant 6400 : index
    %get3A_299 = vector.load %arg1[%get3A_297, %get3A_298] : memref<32x8192xf32, #tpu.memory_space<vmem>>, vector<32x128xf32>
    %dot_general3A_300 = arith.constant dense<0.000000e+00> : vector<128x32xf32>
    %dot_general3A_301 = tpu.matmul %get3A_1, %get3A_299, %dot_general3A_300 {dimension_numbers = #tpu.dot_dimension_numbers<[1], [1], [0], [0], [0, 0, 1, 0], [], []>, transpose_lhs_hint = false} : vector<128x128xf32>, vector<32x128xf32>, vector<128x32xf32> -> vector<128x32xf32>
    %get3A_302 = arith.constant 0 : index
    %get3A_303 = arith.constant 6528 : index
    %get3A_304 = vector.load %arg1[%get3A_302, %get3A_303] : memref<32x8192xf32, #tpu.memory_space<vmem>>, vector<32x128xf32>
    %dot_general3A_305 = arith.constant dense<0.000000e+00> : vector<128x32xf32>
    %dot_general3A_306 = tpu.matmul %get3A_1, %get3A_304, %dot_general3A_305 {dimension_numbers = #tpu.dot_dimension_numbers<[1], [1], [0], [0], [0, 0, 1, 0], [], []>, transpose_lhs_hint = false} : vector<128x128xf32>, vector<32x128xf32>, vector<128x32xf32> -> vector<128x32xf32>
    %concatenate3A_307 = tpu.concatenate %dot_general3A_291, %dot_general3A_296, %dot_general3A_301, %dot_general3A_306 in 1 : vector<128x32xf32>, vector<128x32xf32>, vector<128x32xf32>, vector<128x32xf32> -> vector<128x128xf32>
    %swap3A_308 = arith.constant 1536 : index
    %swap3A_309 = arith.constant 0 : index
    %swap3A_310 = vector.load %arg3[%swap3A_308, %swap3A_309] : memref<2048x128xf32, #tpu.memory_space<vmem>>, vector<128x128xf32>
    tpu.vector_store %arg3[%swap3A_308, %swap3A_309], %concatenate3A_307 {strides = array<i32>} : memref<2048x128xf32, #tpu.memory_space<vmem>>, vector<128x128xf32>,
    %get3A_311 = arith.constant 0 : index
    %get3A_312 = arith.constant 6656 : index
    %get3A_313 = vector.load %arg1[%get3A_311, %get3A_312] : memref<32x8192xf32, #tpu.memory_space<vmem>>, vector<32x128xf32>
    %dot_general3A_314 = arith.constant dense<0.000000e+00> : vector<128x32xf32>
    %dot_general3A_315 = tpu.matmul %get3A_1, %get3A_313, %dot_general3A_314 {dimension_numbers = #tpu.dot_dimension_numbers<[1], [1], [0], [0], [0, 0, 1, 0], [], []>, transpose_lhs_hint = false} : vector<128x128xf32>, vector<32x128xf32>, vector<128x32xf32> -> vector<128x32xf32>
    %get3A_316 = arith.constant 0 : index
    %get3A_317 = arith.constant 6784 : index
    %get3A_318 = vector.load %arg1[%get3A_316, %get3A_317] : memref<32x8192xf32, #tpu.memory_space<vmem>>, vector<32x128xf32>
    %dot_general3A_319 = arith.constant dense<0.000000e+00> : vector<128x32xf32>
    %dot_general3A_320 = tpu.matmul %get3A_1, %get3A_318, %dot_general3A_319 {dimension_numbers = #tpu.dot_dimension_numbers<[1], [1], [0], [0], [0, 0, 1, 0], [], []>, transpose_lhs_hint = false} : vector<128x128xf32>, vector<32x128xf32>, vector<128x32xf32> -> vector<128x32xf32>
    %get3A_321 = arith.constant 0 : index
    %get3A_322 = arith.constant 6912 : index
    %get3A_323 = vector.load %arg1[%get3A_321, %get3A_322] : memref<32x8192xf32, #tpu.memory_space<vmem>>, vector<32x128xf32>
    %dot_general3A_324 = arith.constant dense<0.000000e+00> : vector<128x32xf32>
    %dot_general3A_325 = tpu.matmul %get3A_1, %get3A_323, %dot_general3A_324 {dimension_numbers = #tpu.dot_dimension_numbers<[1], [1], [0], [0], [0, 0, 1, 0], [], []>, transpose_lhs_hint = false} : vector<128x128xf32>, vector<32x128xf32>, vector<128x32xf32> -> vector<128x32xf32>
    %get3A_326 = arith.constant 0 : index
    %get3A_327 = arith.constant 7040 : index
    %get3A_328 = vector.load %arg1[%get3A_326, %get3A_327] : memref<32x8192xf32, #tpu.memory_space<vmem>>, vector<32x128xf32>
    %dot_general3A_329 = arith.constant dense<0.000000e+00> : vector<128x32xf32>
    %dot_general3A_330 = tpu.matmul %get3A_1, %get3A_328, %dot_general3A_329 {dimension_numbers = #tpu.dot_dimension_numbers<[1], [1], [0], [0], [0, 0, 1, 0], [], []>, transpose_lhs_hint = false} : vector<128x128xf32>, vector<32x128xf32>, vector<128x32xf32> -> vector<128x32xf32>
    %concatenate3A_331 = tpu.concatenate %dot_general3A_315, %dot_general3A_320, %dot_general3A_325, %dot_general3A_330 in 1 : vector<128x32xf32>, vector<128x32xf32>, vector<128x32xf32>, vector<128x32xf32> -> vector<128x128xf32>
    %swap3A_332 = arith.constant 1664 : index
    %swap3A_333 = arith.constant 0 : index
    %swap3A_334 = vector.load %arg3[%swap3A_332, %swap3A_333] : memref<2048x128xf32, #tpu.memory_space<vmem>>, vector<128x128xf32>
    tpu.vector_store %arg3[%swap3A_332, %swap3A_333], %concatenate3A_331 {strides = array<i32>} : memref<2048x128xf32, #tpu.memory_space<vmem>>, vector<128x128xf32>,
    %get3A_335 = arith.constant 0 : index
    %get3A_336 = arith.constant 7168 : index
    %get3A_337 = vector.load %arg1[%get3A_335, %get3A_336] : memref<32x8192xf32, #tpu.memory_space<vmem>>, vector<32x128xf32>
    %dot_general3A_338 = arith.constant dense<0.000000e+00> : vector<128x32xf32>
    %dot_general3A_339 = tpu.matmul %get3A_1, %get3A_337, %dot_general3A_338 {dimension_numbers = #tpu.dot_dimension_numbers<[1], [1], [0], [0], [0, 0, 1, 0], [], []>, transpose_lhs_hint = false} : vector<128x128xf32>, vector<32x128xf32>, vector<128x32xf32> -> vector<128x32xf32>
    %get3A_340 = arith.constant 0 : index
    %get3A_341 = arith.constant 7296 : index
    %get3A_342 = vector.load %arg1[%get3A_340, %get3A_341] : memref<32x8192xf32, #tpu.memory_space<vmem>>, vector<32x128xf32>
    %dot_general3A_343 = arith.constant dense<0.000000e+00> : vector<128x32xf32>
    %dot_general3A_344 = tpu.matmul %get3A_1, %get3A_342, %dot_general3A_343 {dimension_numbers = #tpu.dot_dimension_numbers<[1], [1], [0], [0], [0, 0, 1, 0], [], []>, transpose_lhs_hint = false} : vector<128x128xf32>, vector<32x128xf32>, vector<128x32xf32> -> vector<128x32xf32>
    %get3A_345 = arith.constant 0 : index
    %get3A_346 = arith.constant 7424 : index
    %get3A_347 = vector.load %arg1[%get3A_345, %get3A_346] : memref<32x8192xf32, #tpu.memory_space<vmem>>, vector<32x128xf32>
    %dot_general3A_348 = arith.constant dense<0.000000e+00> : vector<128x32xf32>
    %dot_general3A_349 = tpu.matmul %get3A_1, %get3A_347, %dot_general3A_348 {dimension_numbers = #tpu.dot_dimension_numbers<[1], [1], [0], [0], [0, 0, 1, 0], [], []>, transpose_lhs_hint = false} : vector<128x128xf32>, vector<32x128xf32>, vector<128x32xf32> -> vector<128x32xf32>
    %get3A_350 = arith.constant 0 : index
    %get3A_351 = arith.constant 7552 : index
    %get3A_352 = vector.load %arg1[%get3A_350, %get3A_351] : memref<32x8192xf32, #tpu.memory_space<vmem>>, vector<32x128xf32>
    %dot_general3A_353 = arith.constant dense<0.000000e+00> : vector<128x32xf32>
    %dot_general3A_354 = tpu.matmul %get3A_1, %get3A_352, %dot_general3A_353 {dimension_numbers = #tpu.dot_dimension_numbers<[1], [1], [0], [0], [0, 0, 1, 0], [], []>, transpose_lhs_hint = false} : vector<128x128xf32>, vector<32x128xf32>, vector<128x32xf32> -> vector<128x32xf32>
    %concatenate3A_355 = tpu.concatenate %dot_general3A_339, %dot_general3A_344, %dot_general3A_349, %dot_general3A_354 in 1 : vector<128x32xf32>, vector<128x32xf32>, vector<128x32xf32>, vector<128x32xf32> -> vector<128x128xf32>
    %swap3A_356 = arith.constant 1792 : index
    %swap3A_357 = arith.constant 0 : index
    %swap3A_358 = vector.load %arg3[%swap3A_356, %swap3A_357] : memref<2048x128xf32, #tpu.memory_space<vmem>>, vector<128x128xf32>
    tpu.vector_store %arg3[%swap3A_356, %swap3A_357], %concatenate3A_355 {strides = array<i32>} : memref<2048x128xf32, #tpu.memory_space<vmem>>, vector<128x128xf32>,
    %get3A_359 = arith.constant 0 : index
    %get3A_360 = arith.constant 7680 : index
    %get3A_361 = vector.load %arg1[%get3A_359, %get3A_360] : memref<32x8192xf32, #tpu.memory_space<vmem>>, vector<32x128xf32>
    %dot_general3A_362 = arith.constant dense<0.000000e+00> : vector<128x32xf32>
    %dot_general3A_363 = tpu.matmul %get3A_1, %get3A_361, %dot_general3A_362 {dimension_numbers = #tpu.dot_dimension_numbers<[1], [1], [0], [0], [0, 0, 1, 0], [], []>, transpose_lhs_hint = false} : vector<128x128xf32>, vector<32x128xf32>, vector<128x32xf32> -> vector<128x32xf32>
    %get3A_364 = arith.constant 0 : index
    %get3A_365 = arith.constant 7808 : index
    %get3A_366 = vector.load %arg1[%get3A_364, %get3A_365] : memref<32x8192xf32, #tpu.memory_space<vmem>>, vector<32x128xf32>
    %dot_general3A_367 = arith.constant dense<0.000000e+00> : vector<128x32xf32>
    %dot_general3A_368 = tpu.matmul %get3A_1, %get3A_366, %dot_general3A_367 {dimension_numbers = #tpu.dot_dimension_numbers<[1], [1], [0], [0], [0, 0, 1, 0], [], []>, transpose_lhs_hint = false} : vector<128x128xf32>, vector<32x128xf32>, vector<128x32xf32> -> vector<128x32xf32>
    %get3A_369 = arith.constant 0 : index
    %get3A_370 = arith.constant 7936 : index
    %get3A_371 = vector.load %arg1[%get3A_369, %get3A_370] : memref<32x8192xf32, #tpu.memory_space<vmem>>, vector<32x128xf32>
    %dot_general3A_372 = arith.constant dense<0.000000e+00> : vector<128x32xf32>
    %dot_general3A_373 = tpu.matmul %get3A_1, %get3A_371, %dot_general3A_372 {dimension_numbers = #tpu.dot_dimension_numbers<[1], [1], [0], [0], [0, 0, 1, 0], [], []>, transpose_lhs_hint = false} : vector<128x128xf32>, vector<32x128xf32>, vector<128x32xf32> -> vector<128x32xf32>
    %get3A_374 = arith.constant 0 : index
    %get3A_375 = arith.constant 8064 : index
    %get3A_376 = vector.load %arg1[%get3A_374, %get3A_375] : memref<32x8192xf32, #tpu.memory_space<vmem>>, vector<32x128xf32>
    %dot_general3A_377 = arith.constant dense<0.000000e+00> : vector<128x32xf32>
    %dot_general3A_378 = tpu.matmul %get3A_1, %get3A_376, %dot_general3A_377 {dimension_numbers = #tpu.dot_dimension_numbers<[1], [1], [0], [0], [0, 0, 1, 0], [], []>, transpose_lhs_hint = false} : vector<128x128xf32>, vector<32x128xf32>, vector<128x32xf32> -> vector<128x32xf32>
    %concatenate3A_379 = tpu.concatenate %dot_general3A_363, %dot_general3A_368, %dot_general3A_373, %dot_general3A_378 in 1 : vector<128x32xf32>, vector<128x32xf32>, vector<128x32xf32>, vector<128x32xf32> -> vector<128x128xf32>
    %swap3A_380 = arith.constant 1920 : index
    %swap3A_381 = arith.constant 0 : index
    %swap3A_382 = vector.load %arg3[%swap3A_380, %swap3A_381] : memref<2048x128xf32, #tpu.memory_space<vmem>>, vector<128x128xf32>
    tpu.vector_store %arg3[%swap3A_380, %swap3A_381], %concatenate3A_379 {strides = array<i32>} : memref<2048x128xf32, #tpu.memory_space<vmem>>, vector<128x128xf32>,
    return
  }
  func.func @transform_0(%arg0: i32) -> (i32, i32) {
    %c0_i32 = arith.constant 0 : i32
    %c0_i32_0 = arith.constant 0 : i32
    return %c0_i32, %arg0 : i32, i32
  }
  func.func @transform_1(%arg0: i32) -> (i32, i32) {
    %c0_i32 = arith.constant 0 : i32
    %c0_i32_0 = arith.constant 0 : i32
    %c0_i32_1 = arith.constant 0 : i32
    return %c0_i32, %c0_i32_0 : i32, i32
  }
  func.func @transform_2(%arg0: i32) -> (i32, i32) {
    %c0_i32 = arith.constant 0 : i32
    %c0_i32_0 = arith.constant 0 : i32
    return %arg0, %c0_i32 : i32, i32
  }
}

module attributes {stable_mosaic.version = 14 : i64} {
  func.func @_repack_body(%arg0: i32, %arg1: memref<32x8192xf32, #tpu.memory_space<vmem>>, %arg2: memref<128x128xf32, #tpu.memory_space<vmem>>, %arg3: memref<2048x128xf32, #tpu.memory_space<vmem>>) attributes {dimension_semantics = [#tpu.dimension_semantics<arbitrary>], iteration_bounds = array<i64: 123>, scalar_prefetch = 0 : i64, scratch_operands = 0 : i64, tpu.core_type = #tpu.core_type<tc>, window_params = [{transform_indices = @transform_0, window_bounds = array<i64: 32, 8192>}, {pipeline_mode = #tpu.pipeline_mode<synchronous>, transform_indices = @transform_1, window_bounds = array<i64: 128, 128>}, {transform_indices = @transform_2, window_bounds = array<i64: 2048, 128>}]} {
    %get3A = arith.constant 0 : index
    %get3A_0 = arith.constant 0 : index
    %get3A_1 = vector.load %arg2[%get3A, %get3A_0] : memref<128x128xf32, #tpu.memory_space<vmem>>, vector<128x128xf32>
    %get3A_2 = arith.constant 0 : index
    %get3A_3 = arith.constant 0 : index
    %get3A_4 = vector.load %arg1[%get3A_2, %get3A_3] : memref<32x8192xf32, #tpu.memory_space<vmem>>, vector<32x128xf32>
    %dot_general3A = arith.constant dense<0.000000e+00> : vector<128x32xf32>
    %dot_general3A_5 = tpu.matmul %get3A_1, %get3A_4, %dot_general3A {dimension_numbers = #tpu.dot_dimension_numbers<[1], [1], [0], [0], [0, 0, 1, 0], [], []>, transpose_lhs_hint = false} : vector<128x128xf32>, vector<32x128xf32>, vector<128x32xf32> -> vector<128x32xf32>
    %get3A_6 = arith.constant 0 : index
    %get3A_7 = arith.constant 128 : index
    %get3A_8 = vector.load %arg1[%get3A_6, %get3A_7] : memref<32x8192xf32, #tpu.memory_space<vmem>>, vector<32x128xf32>
    %dot_general3A_9 = arith.constant dense<0.000000e+00> : vector<128x32xf32>
    %dot_general3A_10 = tpu.matmul %get3A_1, %get3A_8, %dot_general3A_9 {dimension_numbers = #tpu.dot_dimension_numbers<[1], [1], [0], [0], [0, 0, 1, 0], [], []>, transpose_lhs_hint = false} : vector<128x128xf32>, vector<32x128xf32>, vector<128x32xf32> -> vector<128x32xf32>
    %get3A_11 = arith.constant 0 : index
    %get3A_12 = arith.constant 256 : index
    %get3A_13 = vector.load %arg1[%get3A_11, %get3A_12] : memref<32x8192xf32, #tpu.memory_space<vmem>>, vector<32x128xf32>
    %dot_general3A_14 = arith.constant dense<0.000000e+00> : vector<128x32xf32>
    %dot_general3A_15 = tpu.matmul %get3A_1, %get3A_13, %dot_general3A_14 {dimension_numbers = #tpu.dot_dimension_numbers<[1], [1], [0], [0], [0, 0, 1, 0], [], []>, transpose_lhs_hint = false} : vector<128x128xf32>, vector<32x128xf32>, vector<128x32xf32> -> vector<128x32xf32>
    %get3A_16 = arith.constant 0 : index
    %get3A_17 = arith.constant 384 : index
    %get3A_18 = vector.load %arg1[%get3A_16, %get3A_17] : memref<32x8192xf32, #tpu.memory_space<vmem>>, vector<32x128xf32>
    %dot_general3A_19 = arith.constant dense<0.000000e+00> : vector<128x32xf32>
    %dot_general3A_20 = tpu.matmul %get3A_1, %get3A_18, %dot_general3A_19 {dimension_numbers = #tpu.dot_dimension_numbers<[1], [1], [0], [0], [0, 0, 1, 0], [], []>, transpose_lhs_hint = false} : vector<128x128xf32>, vector<32x128xf32>, vector<128x32xf32> -> vector<128x32xf32>
    %concatenate3A = tpu.concatenate %dot_general3A_5, %dot_general3A_10, %dot_general3A_15, %dot_general3A_20 in 1 : vector<128x32xf32>, vector<128x32xf32>, vector<128x32xf32>, vector<128x32xf32> -> vector<128x128xf32>
    %swap3A = arith.constant 0 : index
    %swap3A_21 = arith.constant 0 : index
    %swap3A_22 = vector.load %arg3[%swap3A, %swap3A_21] : memref<2048x128xf32, #tpu.memory_space<vmem>>, vector<128x128xf32>
    tpu.vector_store %arg3[%swap3A, %swap3A_21], %concatenate3A {strides = array<i32>} : memref<2048x128xf32, #tpu.memory_space<vmem>>, vector<128x128xf32>,
    %get3A_23 = arith.constant 0 : index
    %get3A_24 = arith.constant 512 : index
    %get3A_25 = vector.load %arg1[%get3A_23, %get3A_24] : memref<32x8192xf32, #tpu.memory_space<vmem>>, vector<32x128xf32>
    %dot_general3A_26 = arith.constant dense<0.000000e+00> : vector<128x32xf32>
    %dot_general3A_27 = tpu.matmul %get3A_1, %get3A_25, %dot_general3A_26 {dimension_numbers = #tpu.dot_dimension_numbers<[1], [1], [0], [0], [0, 0, 1, 0], [], []>, transpose_lhs_hint = false} : vector<128x128xf32>, vector<32x128xf32>, vector<128x32xf32> -> vector<128x32xf32>
    %get3A_28 = arith.constant 0 : index
    %get3A_29 = arith.constant 640 : index
    %get3A_30 = vector.load %arg1[%get3A_28, %get3A_29] : memref<32x8192xf32, #tpu.memory_space<vmem>>, vector<32x128xf32>
    %dot_general3A_31 = arith.constant dense<0.000000e+00> : vector<128x32xf32>
    %dot_general3A_32 = tpu.matmul %get3A_1, %get3A_30, %dot_general3A_31 {dimension_numbers = #tpu.dot_dimension_numbers<[1], [1], [0], [0], [0, 0, 1, 0], [], []>, transpose_lhs_hint = false} : vector<128x128xf32>, vector<32x128xf32>, vector<128x32xf32> -> vector<128x32xf32>
    %get3A_33 = arith.constant 0 : index
    %get3A_34 = arith.constant 768 : index
    %get3A_35 = vector.load %arg1[%get3A_33, %get3A_34] : memref<32x8192xf32, #tpu.memory_space<vmem>>, vector<32x128xf32>
    %dot_general3A_36 = arith.constant dense<0.000000e+00> : vector<128x32xf32>
    %dot_general3A_37 = tpu.matmul %get3A_1, %get3A_35, %dot_general3A_36 {dimension_numbers = #tpu.dot_dimension_numbers<[1], [1], [0], [0], [0, 0, 1, 0], [], []>, transpose_lhs_hint = false} : vector<128x128xf32>, vector<32x128xf32>, vector<128x32xf32> -> vector<128x32xf32>
    %get3A_38 = arith.constant 0 : index
    %get3A_39 = arith.constant 896 : index
    %get3A_40 = vector.load %arg1[%get3A_38, %get3A_39] : memref<32x8192xf32, #tpu.memory_space<vmem>>, vector<32x128xf32>
    %dot_general3A_41 = arith.constant dense<0.000000e+00> : vector<128x32xf32>
    %dot_general3A_42 = tpu.matmul %get3A_1, %get3A_40, %dot_general3A_41 {dimension_numbers = #tpu.dot_dimension_numbers<[1], [1], [0], [0], [0, 0, 1, 0], [], []>, transpose_lhs_hint = false} : vector<128x128xf32>, vector<32x128xf32>, vector<128x32xf32> -> vector<128x32xf32>
    %concatenate3A_43 = tpu.concatenate %dot_general3A_27, %dot_general3A_32, %dot_general3A_37, %dot_general3A_42 in 1 : vector<128x32xf32>, vector<128x32xf32>, vector<128x32xf32>, vector<128x32xf32> -> vector<128x128xf32>
    %swap3A_44 = arith.constant 128 : index
    %swap3A_45 = arith.constant 0 : index
    %swap3A_46 = vector.load %arg3[%swap3A_44, %swap3A_45] : memref<2048x128xf32, #tpu.memory_space<vmem>>, vector<128x128xf32>
    tpu.vector_store %arg3[%swap3A_44, %swap3A_45], %concatenate3A_43 {strides = array<i32>} : memref<2048x128xf32, #tpu.memory_space<vmem>>, vector<128x128xf32>,
    %get3A_47 = arith.constant 0 : index
    %get3A_48 = arith.constant 1024 : index
    %get3A_49 = vector.load %arg1[%get3A_47, %get3A_48] : memref<32x8192xf32, #tpu.memory_space<vmem>>, vector<32x128xf32>
    %dot_general3A_50 = arith.constant dense<0.000000e+00> : vector<128x32xf32>
    %dot_general3A_51 = tpu.matmul %get3A_1, %get3A_49, %dot_general3A_50 {dimension_numbers = #tpu.dot_dimension_numbers<[1], [1], [0], [0], [0, 0, 1, 0], [], []>, transpose_lhs_hint = false} : vector<128x128xf32>, vector<32x128xf32>, vector<128x32xf32> -> vector<128x32xf32>
    %get3A_52 = arith.constant 0 : index
    %get3A_53 = arith.constant 1152 : index
    %get3A_54 = vector.load %arg1[%get3A_52, %get3A_53] : memref<32x8192xf32, #tpu.memory_space<vmem>>, vector<32x128xf32>
    %dot_general3A_55 = arith.constant dense<0.000000e+00> : vector<128x32xf32>
    %dot_general3A_56 = tpu.matmul %get3A_1, %get3A_54, %dot_general3A_55 {dimension_numbers = #tpu.dot_dimension_numbers<[1], [1], [0], [0], [0, 0, 1, 0], [], []>, transpose_lhs_hint = false} : vector<128x128xf32>, vector<32x128xf32>, vector<128x32xf32> -> vector<128x32xf32>
    %get3A_57 = arith.constant 0 : index
    %get3A_58 = arith.constant 1280 : index
    %get3A_59 = vector.load %arg1[%get3A_57, %get3A_58] : memref<32x8192xf32, #tpu.memory_space<vmem>>, vector<32x128xf32>
    %dot_general3A_60 = arith.constant dense<0.000000e+00> : vector<128x32xf32>
    %dot_general3A_61 = tpu.matmul %get3A_1, %get3A_59, %dot_general3A_60 {dimension_numbers = #tpu.dot_dimension_numbers<[1], [1], [0], [0], [0, 0, 1, 0], [], []>, transpose_lhs_hint = false} : vector<128x128xf32>, vector<32x128xf32>, vector<128x32xf32> -> vector<128x32xf32>
    %get3A_62 = arith.constant 0 : index
    %get3A_63 = arith.constant 1408 : index
    %get3A_64 = vector.load %arg1[%get3A_62, %get3A_63] : memref<32x8192xf32, #tpu.memory_space<vmem>>, vector<32x128xf32>
    %dot_general3A_65 = arith.constant dense<0.000000e+00> : vector<128x32xf32>
    %dot_general3A_66 = tpu.matmul %get3A_1, %get3A_64, %dot_general3A_65 {dimension_numbers = #tpu.dot_dimension_numbers<[1], [1], [0], [0], [0, 0, 1, 0], [], []>, transpose_lhs_hint = false} : vector<128x128xf32>, vector<32x128xf32>, vector<128x32xf32> -> vector<128x32xf32>
    %concatenate3A_67 = tpu.concatenate %dot_general3A_51, %dot_general3A_56, %dot_general3A_61, %dot_general3A_66 in 1 : vector<128x32xf32>, vector<128x32xf32>, vector<128x32xf32>, vector<128x32xf32> -> vector<128x128xf32>
    %swap3A_68 = arith.constant 256 : index
    %swap3A_69 = arith.constant 0 : index
    %swap3A_70 = vector.load %arg3[%swap3A_68, %swap3A_69] : memref<2048x128xf32, #tpu.memory_space<vmem>>, vector<128x128xf32>
    tpu.vector_store %arg3[%swap3A_68, %swap3A_69], %concatenate3A_67 {strides = array<i32>} : memref<2048x128xf32, #tpu.memory_space<vmem>>, vector<128x128xf32>,
    %get3A_71 = arith.constant 0 : index
    %get3A_72 = arith.constant 1536 : index
    %get3A_73 = vector.load %arg1[%get3A_71, %get3A_72] : memref<32x8192xf32, #tpu.memory_space<vmem>>, vector<32x128xf32>
    %dot_general3A_74 = arith.constant dense<0.000000e+00> : vector<128x32xf32>
    %dot_general3A_75 = tpu.matmul %get3A_1, %get3A_73, %dot_general3A_74 {dimension_numbers = #tpu.dot_dimension_numbers<[1], [1], [0], [0], [0, 0, 1, 0], [], []>, transpose_lhs_hint = false} : vector<128x128xf32>, vector<32x128xf32>, vector<128x32xf32> -> vector<128x32xf32>
    %get3A_76 = arith.constant 0 : index
    %get3A_77 = arith.constant 1664 : index
    %get3A_78 = vector.load %arg1[%get3A_76, %get3A_77] : memref<32x8192xf32, #tpu.memory_space<vmem>>, vector<32x128xf32>
    %dot_general3A_79 = arith.constant dense<0.000000e+00> : vector<128x32xf32>
    %dot_general3A_80 = tpu.matmul %get3A_1, %get3A_78, %dot_general3A_79 {dimension_numbers = #tpu.dot_dimension_numbers<[1], [1], [0], [0], [0, 0, 1, 0], [], []>, transpose_lhs_hint = false} : vector<128x128xf32>, vector<32x128xf32>, vector<128x32xf32> -> vector<128x32xf32>
    %get3A_81 = arith.constant 0 : index
    %get3A_82 = arith.constant 1792 : index
    %get3A_83 = vector.load %arg1[%get3A_81, %get3A_82] : memref<32x8192xf32, #tpu.memory_space<vmem>>, vector<32x128xf32>
    %dot_general3A_84 = arith.constant dense<0.000000e+00> : vector<128x32xf32>
    %dot_general3A_85 = tpu.matmul %get3A_1, %get3A_83, %dot_general3A_84 {dimension_numbers = #tpu.dot_dimension_numbers<[1], [1], [0], [0], [0, 0, 1, 0], [], []>, transpose_lhs_hint = false} : vector<128x128xf32>, vector<32x128xf32>, vector<128x32xf32> -> vector<128x32xf32>
    %get3A_86 = arith.constant 0 : index
    %get3A_87 = arith.constant 1920 : index
    %get3A_88 = vector.load %arg1[%get3A_86, %get3A_87] : memref<32x8192xf32, #tpu.memory_space<vmem>>, vector<32x128xf32>
    %dot_general3A_89 = arith.constant dense<0.000000e+00> : vector<128x32xf32>
    %dot_general3A_90 = tpu.matmul %get3A_1, %get3A_88, %dot_general3A_89 {dimension_numbers = #tpu.dot_dimension_numbers<[1], [1], [0], [0], [0, 0, 1, 0], [], []>, transpose_lhs_hint = false} : vector<128x128xf32>, vector<32x128xf32>, vector<128x32xf32> -> vector<128x32xf32>
    %concatenate3A_91 = tpu.concatenate %dot_general3A_75, %dot_general3A_80, %dot_general3A_85, %dot_general3A_90 in 1 : vector<128x32xf32>, vector<128x32xf32>, vector<128x32xf32>, vector<128x32xf32> -> vector<128x128xf32>
    %swap3A_92 = arith.constant 384 : index
    %swap3A_93 = arith.constant 0 : index
    %swap3A_94 = vector.load %arg3[%swap3A_92, %swap3A_93] : memref<2048x128xf32, #tpu.memory_space<vmem>>, vector<128x128xf32>
    tpu.vector_store %arg3[%swap3A_92, %swap3A_93], %concatenate3A_91 {strides = array<i32>} : memref<2048x128xf32, #tpu.memory_space<vmem>>, vector<128x128xf32>,
    %get3A_95 = arith.constant 0 : index
    %get3A_96 = arith.constant 2048 : index
    %get3A_97 = vector.load %arg1[%get3A_95, %get3A_96] : memref<32x8192xf32, #tpu.memory_space<vmem>>, vector<32x128xf32>
    %dot_general3A_98 = arith.constant dense<0.000000e+00> : vector<128x32xf32>
    %dot_general3A_99 = tpu.matmul %get3A_1, %get3A_97, %dot_general3A_98 {dimension_numbers = #tpu.dot_dimension_numbers<[1], [1], [0], [0], [0, 0, 1, 0], [], []>, transpose_lhs_hint = false} : vector<128x128xf32>, vector<32x128xf32>, vector<128x32xf32> -> vector<128x32xf32>
    %get3A_100 = arith.constant 0 : index
    %get3A_101 = arith.constant 2176 : index
    %get3A_102 = vector.load %arg1[%get3A_100, %get3A_101] : memref<32x8192xf32, #tpu.memory_space<vmem>>, vector<32x128xf32>
    %dot_general3A_103 = arith.constant dense<0.000000e+00> : vector<128x32xf32>
    %dot_general3A_104 = tpu.matmul %get3A_1, %get3A_102, %dot_general3A_103 {dimension_numbers = #tpu.dot_dimension_numbers<[1], [1], [0], [0], [0, 0, 1, 0], [], []>, transpose_lhs_hint = false} : vector<128x128xf32>, vector<32x128xf32>, vector<128x32xf32> -> vector<128x32xf32>
    %get3A_105 = arith.constant 0 : index
    %get3A_106 = arith.constant 2304 : index
    %get3A_107 = vector.load %arg1[%get3A_105, %get3A_106] : memref<32x8192xf32, #tpu.memory_space<vmem>>, vector<32x128xf32>
    %dot_general3A_108 = arith.constant dense<0.000000e+00> : vector<128x32xf32>
    %dot_general3A_109 = tpu.matmul %get3A_1, %get3A_107, %dot_general3A_108 {dimension_numbers = #tpu.dot_dimension_numbers<[1], [1], [0], [0], [0, 0, 1, 0], [], []>, transpose_lhs_hint = false} : vector<128x128xf32>, vector<32x128xf32>, vector<128x32xf32> -> vector<128x32xf32>
    %get3A_110 = arith.constant 0 : index
    %get3A_111 = arith.constant 2432 : index
    %get3A_112 = vector.load %arg1[%get3A_110, %get3A_111] : memref<32x8192xf32, #tpu.memory_space<vmem>>, vector<32x128xf32>
    %dot_general3A_113 = arith.constant dense<0.000000e+00> : vector<128x32xf32>
    %dot_general3A_114 = tpu.matmul %get3A_1, %get3A_112, %dot_general3A_113 {dimension_numbers = #tpu.dot_dimension_numbers<[1], [1], [0], [0], [0, 0, 1, 0], [], []>, transpose_lhs_hint = false} : vector<128x128xf32>, vector<32x128xf32>, vector<128x32xf32> -> vector<128x32xf32>
    %concatenate3A_115 = tpu.concatenate %dot_general3A_99, %dot_general3A_104, %dot_general3A_109, %dot_general3A_114 in 1 : vector<128x32xf32>, vector<128x32xf32>, vector<128x32xf32>, vector<128x32xf32> -> vector<128x128xf32>
    %swap3A_116 = arith.constant 512 : index
    %swap3A_117 = arith.constant 0 : index
    %swap3A_118 = vector.load %arg3[%swap3A_116, %swap3A_117] : memref<2048x128xf32, #tpu.memory_space<vmem>>, vector<128x128xf32>
    tpu.vector_store %arg3[%swap3A_116, %swap3A_117], %concatenate3A_115 {strides = array<i32>} : memref<2048x128xf32, #tpu.memory_space<vmem>>, vector<128x128xf32>,
    %get3A_119 = arith.constant 0 : index
    %get3A_120 = arith.constant 2560 : index
    %get3A_121 = vector.load %arg1[%get3A_119, %get3A_120] : memref<32x8192xf32, #tpu.memory_space<vmem>>, vector<32x128xf32>
    %dot_general3A_122 = arith.constant dense<0.000000e+00> : vector<128x32xf32>
    %dot_general3A_123 = tpu.matmul %get3A_1, %get3A_121, %dot_general3A_122 {dimension_numbers = #tpu.dot_dimension_numbers<[1], [1], [0], [0], [0, 0, 1, 0], [], []>, transpose_lhs_hint = false} : vector<128x128xf32>, vector<32x128xf32>, vector<128x32xf32> -> vector<128x32xf32>
    %get3A_124 = arith.constant 0 : index
    %get3A_125 = arith.constant 2688 : index
    %get3A_126 = vector.load %arg1[%get3A_124, %get3A_125] : memref<32x8192xf32, #tpu.memory_space<vmem>>, vector<32x128xf32>
    %dot_general3A_127 = arith.constant dense<0.000000e+00> : vector<128x32xf32>
    %dot_general3A_128 = tpu.matmul %get3A_1, %get3A_126, %dot_general3A_127 {dimension_numbers = #tpu.dot_dimension_numbers<[1], [1], [0], [0], [0, 0, 1, 0], [], []>, transpose_lhs_hint = false} : vector<128x128xf32>, vector<32x128xf32>, vector<128x32xf32> -> vector<128x32xf32>
    %get3A_129 = arith.constant 0 : index
    %get3A_130 = arith.constant 2816 : index
    %get3A_131 = vector.load %arg1[%get3A_129, %get3A_130] : memref<32x8192xf32, #tpu.memory_space<vmem>>, vector<32x128xf32>
    %dot_general3A_132 = arith.constant dense<0.000000e+00> : vector<128x32xf32>
    %dot_general3A_133 = tpu.matmul %get3A_1, %get3A_131, %dot_general3A_132 {dimension_numbers = #tpu.dot_dimension_numbers<[1], [1], [0], [0], [0, 0, 1, 0], [], []>, transpose_lhs_hint = false} : vector<128x128xf32>, vector<32x128xf32>, vector<128x32xf32> -> vector<128x32xf32>
    %get3A_134 = arith.constant 0 : index
    %get3A_135 = arith.constant 2944 : index
    %get3A_136 = vector.load %arg1[%get3A_134, %get3A_135] : memref<32x8192xf32, #tpu.memory_space<vmem>>, vector<32x128xf32>
    %dot_general3A_137 = arith.constant dense<0.000000e+00> : vector<128x32xf32>
    %dot_general3A_138 = tpu.matmul %get3A_1, %get3A_136, %dot_general3A_137 {dimension_numbers = #tpu.dot_dimension_numbers<[1], [1], [0], [0], [0, 0, 1, 0], [], []>, transpose_lhs_hint = false} : vector<128x128xf32>, vector<32x128xf32>, vector<128x32xf32> -> vector<128x32xf32>
    %concatenate3A_139 = tpu.concatenate %dot_general3A_123, %dot_general3A_128, %dot_general3A_133, %dot_general3A_138 in 1 : vector<128x32xf32>, vector<128x32xf32>, vector<128x32xf32>, vector<128x32xf32> -> vector<128x128xf32>
    %swap3A_140 = arith.constant 640 : index
    %swap3A_141 = arith.constant 0 : index
    %swap3A_142 = vector.load %arg3[%swap3A_140, %swap3A_141] : memref<2048x128xf32, #tpu.memory_space<vmem>>, vector<128x128xf32>
    tpu.vector_store %arg3[%swap3A_140, %swap3A_141], %concatenate3A_139 {strides = array<i32>} : memref<2048x128xf32, #tpu.memory_space<vmem>>, vector<128x128xf32>,
    %get3A_143 = arith.constant 0 : index
    %get3A_144 = arith.constant 3072 : index
    %get3A_145 = vector.load %arg1[%get3A_143, %get3A_144] : memref<32x8192xf32, #tpu.memory_space<vmem>>, vector<32x128xf32>
    %dot_general3A_146 = arith.constant dense<0.000000e+00> : vector<128x32xf32>
    %dot_general3A_147 = tpu.matmul %get3A_1, %get3A_145, %dot_general3A_146 {dimension_numbers = #tpu.dot_dimension_numbers<[1], [1], [0], [0], [0, 0, 1, 0], [], []>, transpose_lhs_hint = false} : vector<128x128xf32>, vector<32x128xf32>, vector<128x32xf32> -> vector<128x32xf32>
    %get3A_148 = arith.constant 0 : index
    %get3A_149 = arith.constant 3200 : index
    %get3A_150 = vector.load %arg1[%get3A_148, %get3A_149] : memref<32x8192xf32, #tpu.memory_space<vmem>>, vector<32x128xf32>
    %dot_general3A_151 = arith.constant dense<0.000000e+00> : vector<128x32xf32>
    %dot_general3A_152 = tpu.matmul %get3A_1, %get3A_150, %dot_general3A_151 {dimension_numbers = #tpu.dot_dimension_numbers<[1], [1], [0], [0], [0, 0, 1, 0], [], []>, transpose_lhs_hint = false} : vector<128x128xf32>, vector<32x128xf32>, vector<128x32xf32> -> vector<128x32xf32>
    %get3A_153 = arith.constant 0 : index
    %get3A_154 = arith.constant 3328 : index
    %get3A_155 = vector.load %arg1[%get3A_153, %get3A_154] : memref<32x8192xf32, #tpu.memory_space<vmem>>, vector<32x128xf32>
    %dot_general3A_156 = arith.constant dense<0.000000e+00> : vector<128x32xf32>
    %dot_general3A_157 = tpu.matmul %get3A_1, %get3A_155, %dot_general3A_156 {dimension_numbers = #tpu.dot_dimension_numbers<[1], [1], [0], [0], [0, 0, 1, 0], [], []>, transpose_lhs_hint = false} : vector<128x128xf32>, vector<32x128xf32>, vector<128x32xf32> -> vector<128x32xf32>
    %get3A_158 = arith.constant 0 : index
    %get3A_159 = arith.constant 3456 : index
    %get3A_160 = vector.load %arg1[%get3A_158, %get3A_159] : memref<32x8192xf32, #tpu.memory_space<vmem>>, vector<32x128xf32>
    %dot_general3A_161 = arith.constant dense<0.000000e+00> : vector<128x32xf32>
    %dot_general3A_162 = tpu.matmul %get3A_1, %get3A_160, %dot_general3A_161 {dimension_numbers = #tpu.dot_dimension_numbers<[1], [1], [0], [0], [0, 0, 1, 0], [], []>, transpose_lhs_hint = false} : vector<128x128xf32>, vector<32x128xf32>, vector<128x32xf32> -> vector<128x32xf32>
    %concatenate3A_163 = tpu.concatenate %dot_general3A_147, %dot_general3A_152, %dot_general3A_157, %dot_general3A_162 in 1 : vector<128x32xf32>, vector<128x32xf32>, vector<128x32xf32>, vector<128x32xf32> -> vector<128x128xf32>
    %swap3A_164 = arith.constant 768 : index
    %swap3A_165 = arith.constant 0 : index
    %swap3A_166 = vector.load %arg3[%swap3A_164, %swap3A_165] : memref<2048x128xf32, #tpu.memory_space<vmem>>, vector<128x128xf32>
    tpu.vector_store %arg3[%swap3A_164, %swap3A_165], %concatenate3A_163 {strides = array<i32>} : memref<2048x128xf32, #tpu.memory_space<vmem>>, vector<128x128xf32>,
    %get3A_167 = arith.constant 0 : index
    %get3A_168 = arith.constant 3584 : index
    %get3A_169 = vector.load %arg1[%get3A_167, %get3A_168] : memref<32x8192xf32, #tpu.memory_space<vmem>>, vector<32x128xf32>
    %dot_general3A_170 = arith.constant dense<0.000000e+00> : vector<128x32xf32>
    %dot_general3A_171 = tpu.matmul %get3A_1, %get3A_169, %dot_general3A_170 {dimension_numbers = #tpu.dot_dimension_numbers<[1], [1], [0], [0], [0, 0, 1, 0], [], []>, transpose_lhs_hint = false} : vector<128x128xf32>, vector<32x128xf32>, vector<128x32xf32> -> vector<128x32xf32>
    %get3A_172 = arith.constant 0 : index
    %get3A_173 = arith.constant 3712 : index
    %get3A_174 = vector.load %arg1[%get3A_172, %get3A_173] : memref<32x8192xf32, #tpu.memory_space<vmem>>, vector<32x128xf32>
    %dot_general3A_175 = arith.constant dense<0.000000e+00> : vector<128x32xf32>
    %dot_general3A_176 = tpu.matmul %get3A_1, %get3A_174, %dot_general3A_175 {dimension_numbers = #tpu.dot_dimension_numbers<[1], [1], [0], [0], [0, 0, 1, 0], [], []>, transpose_lhs_hint = false} : vector<128x128xf32>, vector<32x128xf32>, vector<128x32xf32> -> vector<128x32xf32>
    %get3A_177 = arith.constant 0 : index
    %get3A_178 = arith.constant 3840 : index
    %get3A_179 = vector.load %arg1[%get3A_177, %get3A_178] : memref<32x8192xf32, #tpu.memory_space<vmem>>, vector<32x128xf32>
    %dot_general3A_180 = arith.constant dense<0.000000e+00> : vector<128x32xf32>
    %dot_general3A_181 = tpu.matmul %get3A_1, %get3A_179, %dot_general3A_180 {dimension_numbers = #tpu.dot_dimension_numbers<[1], [1], [0], [0], [0, 0, 1, 0], [], []>, transpose_lhs_hint = false} : vector<128x128xf32>, vector<32x128xf32>, vector<128x32xf32> -> vector<128x32xf32>
    %get3A_182 = arith.constant 0 : index
    %get3A_183 = arith.constant 3968 : index
    %get3A_184 = vector.load %arg1[%get3A_182, %get3A_183] : memref<32x8192xf32, #tpu.memory_space<vmem>>, vector<32x128xf32>
    %dot_general3A_185 = arith.constant dense<0.000000e+00> : vector<128x32xf32>
    %dot_general3A_186 = tpu.matmul %get3A_1, %get3A_184, %dot_general3A_185 {dimension_numbers = #tpu.dot_dimension_numbers<[1], [1], [0], [0], [0, 0, 1, 0], [], []>, transpose_lhs_hint = false} : vector<128x128xf32>, vector<32x128xf32>, vector<128x32xf32> -> vector<128x32xf32>
    %concatenate3A_187 = tpu.concatenate %dot_general3A_171, %dot_general3A_176, %dot_general3A_181, %dot_general3A_186 in 1 : vector<128x32xf32>, vector<128x32xf32>, vector<128x32xf32>, vector<128x32xf32> -> vector<128x128xf32>
    %swap3A_188 = arith.constant 896 : index
    %swap3A_189 = arith.constant 0 : index
    %swap3A_190 = vector.load %arg3[%swap3A_188, %swap3A_189] : memref<2048x128xf32, #tpu.memory_space<vmem>>, vector<128x128xf32>
    tpu.vector_store %arg3[%swap3A_188, %swap3A_189], %concatenate3A_187 {strides = array<i32>} : memref<2048x128xf32, #tpu.memory_space<vmem>>, vector<128x128xf32>,
    %get3A_191 = arith.constant 0 : index
    %get3A_192 = arith.constant 4096 : index
    %get3A_193 = vector.load %arg1[%get3A_191, %get3A_192] : memref<32x8192xf32, #tpu.memory_space<vmem>>, vector<32x128xf32>
    %dot_general3A_194 = arith.constant dense<0.000000e+00> : vector<128x32xf32>
    %dot_general3A_195 = tpu.matmul %get3A_1, %get3A_193, %dot_general3A_194 {dimension_numbers = #tpu.dot_dimension_numbers<[1], [1], [0], [0], [0, 0, 1, 0], [], []>, transpose_lhs_hint = false} : vector<128x128xf32>, vector<32x128xf32>, vector<128x32xf32> -> vector<128x32xf32>
    %get3A_196 = arith.constant 0 : index
    %get3A_197 = arith.constant 4224 : index
    %get3A_198 = vector.load %arg1[%get3A_196, %get3A_197] : memref<32x8192xf32, #tpu.memory_space<vmem>>, vector<32x128xf32>
    %dot_general3A_199 = arith.constant dense<0.000000e+00> : vector<128x32xf32>
    %dot_general3A_200 = tpu.matmul %get3A_1, %get3A_198, %dot_general3A_199 {dimension_numbers = #tpu.dot_dimension_numbers<[1], [1], [0], [0], [0, 0, 1, 0], [], []>, transpose_lhs_hint = false} : vector<128x128xf32>, vector<32x128xf32>, vector<128x32xf32> -> vector<128x32xf32>
    %get3A_201 = arith.constant 0 : index
    %get3A_202 = arith.constant 4352 : index
    %get3A_203 = vector.load %arg1[%get3A_201, %get3A_202] : memref<32x8192xf32, #tpu.memory_space<vmem>>, vector<32x128xf32>
    %dot_general3A_204 = arith.constant dense<0.000000e+00> : vector<128x32xf32>
    %dot_general3A_205 = tpu.matmul %get3A_1, %get3A_203, %dot_general3A_204 {dimension_numbers = #tpu.dot_dimension_numbers<[1], [1], [0], [0], [0, 0, 1, 0], [], []>, transpose_lhs_hint = false} : vector<128x128xf32>, vector<32x128xf32>, vector<128x32xf32> -> vector<128x32xf32>
    %get3A_206 = arith.constant 0 : index
    %get3A_207 = arith.constant 4480 : index
    %get3A_208 = vector.load %arg1[%get3A_206, %get3A_207] : memref<32x8192xf32, #tpu.memory_space<vmem>>, vector<32x128xf32>
    %dot_general3A_209 = arith.constant dense<0.000000e+00> : vector<128x32xf32>
    %dot_general3A_210 = tpu.matmul %get3A_1, %get3A_208, %dot_general3A_209 {dimension_numbers = #tpu.dot_dimension_numbers<[1], [1], [0], [0], [0, 0, 1, 0], [], []>, transpose_lhs_hint = false} : vector<128x128xf32>, vector<32x128xf32>, vector<128x32xf32> -> vector<128x32xf32>
    %concatenate3A_211 = tpu.concatenate %dot_general3A_195, %dot_general3A_200, %dot_general3A_205, %dot_general3A_210 in 1 : vector<128x32xf32>, vector<128x32xf32>, vector<128x32xf32>, vector<128x32xf32> -> vector<128x128xf32>
    %swap3A_212 = arith.constant 1024 : index
    %swap3A_213 = arith.constant 0 : index
    %swap3A_214 = vector.load %arg3[%swap3A_212, %swap3A_213] : memref<2048x128xf32, #tpu.memory_space<vmem>>, vector<128x128xf32>
    tpu.vector_store %arg3[%swap3A_212, %swap3A_213], %concatenate3A_211 {strides = array<i32>} : memref<2048x128xf32, #tpu.memory_space<vmem>>, vector<128x128xf32>,
    %get3A_215 = arith.constant 0 : index
    %get3A_216 = arith.constant 4608 : index
    %get3A_217 = vector.load %arg1[%get3A_215, %get3A_216] : memref<32x8192xf32, #tpu.memory_space<vmem>>, vector<32x128xf32>
    %dot_general3A_218 = arith.constant dense<0.000000e+00> : vector<128x32xf32>
    %dot_general3A_219 = tpu.matmul %get3A_1, %get3A_217, %dot_general3A_218 {dimension_numbers = #tpu.dot_dimension_numbers<[1], [1], [0], [0], [0, 0, 1, 0], [], []>, transpose_lhs_hint = false} : vector<128x128xf32>, vector<32x128xf32>, vector<128x32xf32> -> vector<128x32xf32>
    %get3A_220 = arith.constant 0 : index
    %get3A_221 = arith.constant 4736 : index
    %get3A_222 = vector.load %arg1[%get3A_220, %get3A_221] : memref<32x8192xf32, #tpu.memory_space<vmem>>, vector<32x128xf32>
    %dot_general3A_223 = arith.constant dense<0.000000e+00> : vector<128x32xf32>
    %dot_general3A_224 = tpu.matmul %get3A_1, %get3A_222, %dot_general3A_223 {dimension_numbers = #tpu.dot_dimension_numbers<[1], [1], [0], [0], [0, 0, 1, 0], [], []>, transpose_lhs_hint = false} : vector<128x128xf32>, vector<32x128xf32>, vector<128x32xf32> -> vector<128x32xf32>
    %get3A_225 = arith.constant 0 : index
    %get3A_226 = arith.constant 4864 : index
    %get3A_227 = vector.load %arg1[%get3A_225, %get3A_226] : memref<32x8192xf32, #tpu.memory_space<vmem>>, vector<32x128xf32>
    %dot_general3A_228 = arith.constant dense<0.000000e+00> : vector<128x32xf32>
    %dot_general3A_229 = tpu.matmul %get3A_1, %get3A_227, %dot_general3A_228 {dimension_numbers = #tpu.dot_dimension_numbers<[1], [1], [0], [0], [0, 0, 1, 0], [], []>, transpose_lhs_hint = false} : vector<128x128xf32>, vector<32x128xf32>, vector<128x32xf32> -> vector<128x32xf32>
    %get3A_230 = arith.constant 0 : index
    %get3A_231 = arith.constant 4992 : index
    %get3A_232 = vector.load %arg1[%get3A_230, %get3A_231] : memref<32x8192xf32, #tpu.memory_space<vmem>>, vector<32x128xf32>
    %dot_general3A_233 = arith.constant dense<0.000000e+00> : vector<128x32xf32>
    %dot_general3A_234 = tpu.matmul %get3A_1, %get3A_232, %dot_general3A_233 {dimension_numbers = #tpu.dot_dimension_numbers<[1], [1], [0], [0], [0, 0, 1, 0], [], []>, transpose_lhs_hint = false} : vector<128x128xf32>, vector<32x128xf32>, vector<128x32xf32> -> vector<128x32xf32>
    %concatenate3A_235 = tpu.concatenate %dot_general3A_219, %dot_general3A_224, %dot_general3A_229, %dot_general3A_234 in 1 : vector<128x32xf32>, vector<128x32xf32>, vector<128x32xf32>, vector<128x32xf32> -> vector<128x128xf32>
    %swap3A_236 = arith.constant 1152 : index
    %swap3A_237 = arith.constant 0 : index
    %swap3A_238 = vector.load %arg3[%swap3A_236, %swap3A_237] : memref<2048x128xf32, #tpu.memory_space<vmem>>, vector<128x128xf32>
    tpu.vector_store %arg3[%swap3A_236, %swap3A_237], %concatenate3A_235 {strides = array<i32>} : memref<2048x128xf32, #tpu.memory_space<vmem>>, vector<128x128xf32>,
    %get3A_239 = arith.constant 0 : index
    %get3A_240 = arith.constant 5120 : index
    %get3A_241 = vector.load %arg1[%get3A_239, %get3A_240] : memref<32x8192xf32, #tpu.memory_space<vmem>>, vector<32x128xf32>
    %dot_general3A_242 = arith.constant dense<0.000000e+00> : vector<128x32xf32>
    %dot_general3A_243 = tpu.matmul %get3A_1, %get3A_241, %dot_general3A_242 {dimension_numbers = #tpu.dot_dimension_numbers<[1], [1], [0], [0], [0, 0, 1, 0], [], []>, transpose_lhs_hint = false} : vector<128x128xf32>, vector<32x128xf32>, vector<128x32xf32> -> vector<128x32xf32>
    %get3A_244 = arith.constant 0 : index
    %get3A_245 = arith.constant 5248 : index
    %get3A_246 = vector.load %arg1[%get3A_244, %get3A_245] : memref<32x8192xf32, #tpu.memory_space<vmem>>, vector<32x128xf32>
    %dot_general3A_247 = arith.constant dense<0.000000e+00> : vector<128x32xf32>
    %dot_general3A_248 = tpu.matmul %get3A_1, %get3A_246, %dot_general3A_247 {dimension_numbers = #tpu.dot_dimension_numbers<[1], [1], [0], [0], [0, 0, 1, 0], [], []>, transpose_lhs_hint = false} : vector<128x128xf32>, vector<32x128xf32>, vector<128x32xf32> -> vector<128x32xf32>
    %get3A_249 = arith.constant 0 : index
    %get3A_250 = arith.constant 5376 : index
    %get3A_251 = vector.load %arg1[%get3A_249, %get3A_250] : memref<32x8192xf32, #tpu.memory_space<vmem>>, vector<32x128xf32>
    %dot_general3A_252 = arith.constant dense<0.000000e+00> : vector<128x32xf32>
    %dot_general3A_253 = tpu.matmul %get3A_1, %get3A_251, %dot_general3A_252 {dimension_numbers = #tpu.dot_dimension_numbers<[1], [1], [0], [0], [0, 0, 1, 0], [], []>, transpose_lhs_hint = false} : vector<128x128xf32>, vector<32x128xf32>, vector<128x32xf32> -> vector<128x32xf32>
    %get3A_254 = arith.constant 0 : index
    %get3A_255 = arith.constant 5504 : index
    %get3A_256 = vector.load %arg1[%get3A_254, %get3A_255] : memref<32x8192xf32, #tpu.memory_space<vmem>>, vector<32x128xf32>
    %dot_general3A_257 = arith.constant dense<0.000000e+00> : vector<128x32xf32>
    %dot_general3A_258 = tpu.matmul %get3A_1, %get3A_256, %dot_general3A_257 {dimension_numbers = #tpu.dot_dimension_numbers<[1], [1], [0], [0], [0, 0, 1, 0], [], []>, transpose_lhs_hint = false} : vector<128x128xf32>, vector<32x128xf32>, vector<128x32xf32> -> vector<128x32xf32>
    %concatenate3A_259 = tpu.concatenate %dot_general3A_243, %dot_general3A_248, %dot_general3A_253, %dot_general3A_258 in 1 : vector<128x32xf32>, vector<128x32xf32>, vector<128x32xf32>, vector<128x32xf32> -> vector<128x128xf32>
    %swap3A_260 = arith.constant 1280 : index
    %swap3A_261 = arith.constant 0 : index
    %swap3A_262 = vector.load %arg3[%swap3A_260, %swap3A_261] : memref<2048x128xf32, #tpu.memory_space<vmem>>, vector<128x128xf32>
    tpu.vector_store %arg3[%swap3A_260, %swap3A_261], %concatenate3A_259 {strides = array<i32>} : memref<2048x128xf32, #tpu.memory_space<vmem>>, vector<128x128xf32>,
    %get3A_263 = arith.constant 0 : index
    %get3A_264 = arith.constant 5632 : index
    %get3A_265 = vector.load %arg1[%get3A_263, %get3A_264] : memref<32x8192xf32, #tpu.memory_space<vmem>>, vector<32x128xf32>
    %dot_general3A_266 = arith.constant dense<0.000000e+00> : vector<128x32xf32>
    %dot_general3A_267 = tpu.matmul %get3A_1, %get3A_265, %dot_general3A_266 {dimension_numbers = #tpu.dot_dimension_numbers<[1], [1], [0], [0], [0, 0, 1, 0], [], []>, transpose_lhs_hint = false} : vector<128x128xf32>, vector<32x128xf32>, vector<128x32xf32> -> vector<128x32xf32>
    %get3A_268 = arith.constant 0 : index
    %get3A_269 = arith.constant 5760 : index
    %get3A_270 = vector.load %arg1[%get3A_268, %get3A_269] : memref<32x8192xf32, #tpu.memory_space<vmem>>, vector<32x128xf32>
    %dot_general3A_271 = arith.constant dense<0.000000e+00> : vector<128x32xf32>
    %dot_general3A_272 = tpu.matmul %get3A_1, %get3A_270, %dot_general3A_271 {dimension_numbers = #tpu.dot_dimension_numbers<[1], [1], [0], [0], [0, 0, 1, 0], [], []>, transpose_lhs_hint = false} : vector<128x128xf32>, vector<32x128xf32>, vector<128x32xf32> -> vector<128x32xf32>
    %get3A_273 = arith.constant 0 : index
    %get3A_274 = arith.constant 5888 : index
    %get3A_275 = vector.load %arg1[%get3A_273, %get3A_274] : memref<32x8192xf32, #tpu.memory_space<vmem>>, vector<32x128xf32>
    %dot_general3A_276 = arith.constant dense<0.000000e+00> : vector<128x32xf32>
    %dot_general3A_277 = tpu.matmul %get3A_1, %get3A_275, %dot_general3A_276 {dimension_numbers = #tpu.dot_dimension_numbers<[1], [1], [0], [0], [0, 0, 1, 0], [], []>, transpose_lhs_hint = false} : vector<128x128xf32>, vector<32x128xf32>, vector<128x32xf32> -> vector<128x32xf32>
    %get3A_278 = arith.constant 0 : index
    %get3A_279 = arith.constant 6016 : index
    %get3A_280 = vector.load %arg1[%get3A_278, %get3A_279] : memref<32x8192xf32, #tpu.memory_space<vmem>>, vector<32x128xf32>
    %dot_general3A_281 = arith.constant dense<0.000000e+00> : vector<128x32xf32>
    %dot_general3A_282 = tpu.matmul %get3A_1, %get3A_280, %dot_general3A_281 {dimension_numbers = #tpu.dot_dimension_numbers<[1], [1], [0], [0], [0, 0, 1, 0], [], []>, transpose_lhs_hint = false} : vector<128x128xf32>, vector<32x128xf32>, vector<128x32xf32> -> vector<128x32xf32>
    %concatenate3A_283 = tpu.concatenate %dot_general3A_267, %dot_general3A_272, %dot_general3A_277, %dot_general3A_282 in 1 : vector<128x32xf32>, vector<128x32xf32>, vector<128x32xf32>, vector<128x32xf32> -> vector<128x128xf32>
    %swap3A_284 = arith.constant 1408 : index
    %swap3A_285 = arith.constant 0 : index
    %swap3A_286 = vector.load %arg3[%swap3A_284, %swap3A_285] : memref<2048x128xf32, #tpu.memory_space<vmem>>, vector<128x128xf32>
    tpu.vector_store %arg3[%swap3A_284, %swap3A_285], %concatenate3A_283 {strides = array<i32>} : memref<2048x128xf32, #tpu.memory_space<vmem>>, vector<128x128xf32>,
    %get3A_287 = arith.constant 0 : index
    %get3A_288 = arith.constant 6144 : index
    %get3A_289 = vector.load %arg1[%get3A_287, %get3A_288] : memref<32x8192xf32, #tpu.memory_space<vmem>>, vector<32x128xf32>
    %dot_general3A_290 = arith.constant dense<0.000000e+00> : vector<128x32xf32>
    %dot_general3A_291 = tpu.matmul %get3A_1, %get3A_289, %dot_general3A_290 {dimension_numbers = #tpu.dot_dimension_numbers<[1], [1], [0], [0], [0, 0, 1, 0], [], []>, transpose_lhs_hint = false} : vector<128x128xf32>, vector<32x128xf32>, vector<128x32xf32> -> vector<128x32xf32>
    %get3A_292 = arith.constant 0 : index
    %get3A_293 = arith.constant 6272 : index
    %get3A_294 = vector.load %arg1[%get3A_292, %get3A_293] : memref<32x8192xf32, #tpu.memory_space<vmem>>, vector<32x128xf32>
    %dot_general3A_295 = arith.constant dense<0.000000e+00> : vector<128x32xf32>
    %dot_general3A_296 = tpu.matmul %get3A_1, %get3A_294, %dot_general3A_295 {dimension_numbers = #tpu.dot_dimension_numbers<[1], [1], [0], [0], [0, 0, 1, 0], [], []>, transpose_lhs_hint = false} : vector<128x128xf32>, vector<32x128xf32>, vector<128x32xf32> -> vector<128x32xf32>
    %get3A_297 = arith.constant 0 : index
    %get3A_298 = arith.constant 6400 : index
    %get3A_299 = vector.load %arg1[%get3A_297, %get3A_298] : memref<32x8192xf32, #tpu.memory_space<vmem>>, vector<32x128xf32>
    %dot_general3A_300 = arith.constant dense<0.000000e+00> : vector<128x32xf32>
    %dot_general3A_301 = tpu.matmul %get3A_1, %get3A_299, %dot_general3A_300 {dimension_numbers = #tpu.dot_dimension_numbers<[1], [1], [0], [0], [0, 0, 1, 0], [], []>, transpose_lhs_hint = false} : vector<128x128xf32>, vector<32x128xf32>, vector<128x32xf32> -> vector<128x32xf32>
    %get3A_302 = arith.constant 0 : index
    %get3A_303 = arith.constant 6528 : index
    %get3A_304 = vector.load %arg1[%get3A_302, %get3A_303] : memref<32x8192xf32, #tpu.memory_space<vmem>>, vector<32x128xf32>
    %dot_general3A_305 = arith.constant dense<0.000000e+00> : vector<128x32xf32>
    %dot_general3A_306 = tpu.matmul %get3A_1, %get3A_304, %dot_general3A_305 {dimension_numbers = #tpu.dot_dimension_numbers<[1], [1], [0], [0], [0, 0, 1, 0], [], []>, transpose_lhs_hint = false} : vector<128x128xf32>, vector<32x128xf32>, vector<128x32xf32> -> vector<128x32xf32>
    %concatenate3A_307 = tpu.concatenate %dot_general3A_291, %dot_general3A_296, %dot_general3A_301, %dot_general3A_306 in 1 : vector<128x32xf32>, vector<128x32xf32>, vector<128x32xf32>, vector<128x32xf32> -> vector<128x128xf32>
    %swap3A_308 = arith.constant 1536 : index
    %swap3A_309 = arith.constant 0 : index
    %swap3A_310 = vector.load %arg3[%swap3A_308, %swap3A_309] : memref<2048x128xf32, #tpu.memory_space<vmem>>, vector<128x128xf32>
    tpu.vector_store %arg3[%swap3A_308, %swap3A_309], %concatenate3A_307 {strides = array<i32>} : memref<2048x128xf32, #tpu.memory_space<vmem>>, vector<128x128xf32>,
    %get3A_311 = arith.constant 0 : index
    %get3A_312 = arith.constant 6656 : index
    %get3A_313 = vector.load %arg1[%get3A_311, %get3A_312] : memref<32x8192xf32, #tpu.memory_space<vmem>>, vector<32x128xf32>
    %dot_general3A_314 = arith.constant dense<0.000000e+00> : vector<128x32xf32>
    %dot_general3A_315 = tpu.matmul %get3A_1, %get3A_313, %dot_general3A_314 {dimension_numbers = #tpu.dot_dimension_numbers<[1], [1], [0], [0], [0, 0, 1, 0], [], []>, transpose_lhs_hint = false} : vector<128x128xf32>, vector<32x128xf32>, vector<128x32xf32> -> vector<128x32xf32>
    %get3A_316 = arith.constant 0 : index
    %get3A_317 = arith.constant 6784 : index
    %get3A_318 = vector.load %arg1[%get3A_316, %get3A_317] : memref<32x8192xf32, #tpu.memory_space<vmem>>, vector<32x128xf32>
    %dot_general3A_319 = arith.constant dense<0.000000e+00> : vector<128x32xf32>
    %dot_general3A_320 = tpu.matmul %get3A_1, %get3A_318, %dot_general3A_319 {dimension_numbers = #tpu.dot_dimension_numbers<[1], [1], [0], [0], [0, 0, 1, 0], [], []>, transpose_lhs_hint = false} : vector<128x128xf32>, vector<32x128xf32>, vector<128x32xf32> -> vector<128x32xf32>
    %get3A_321 = arith.constant 0 : index
    %get3A_322 = arith.constant 6912 : index
    %get3A_323 = vector.load %arg1[%get3A_321, %get3A_322] : memref<32x8192xf32, #tpu.memory_space<vmem>>, vector<32x128xf32>
    %dot_general3A_324 = arith.constant dense<0.000000e+00> : vector<128x32xf32>
    %dot_general3A_325 = tpu.matmul %get3A_1, %get3A_323, %dot_general3A_324 {dimension_numbers = #tpu.dot_dimension_numbers<[1], [1], [0], [0], [0, 0, 1, 0], [], []>, transpose_lhs_hint = false} : vector<128x128xf32>, vector<32x128xf32>, vector<128x32xf32> -> vector<128x32xf32>
    %get3A_326 = arith.constant 0 : index
    %get3A_327 = arith.constant 7040 : index
    %get3A_328 = vector.load %arg1[%get3A_326, %get3A_327] : memref<32x8192xf32, #tpu.memory_space<vmem>>, vector<32x128xf32>
    %dot_general3A_329 = arith.constant dense<0.000000e+00> : vector<128x32xf32>
    %dot_general3A_330 = tpu.matmul %get3A_1, %get3A_328, %dot_general3A_329 {dimension_numbers = #tpu.dot_dimension_numbers<[1], [1], [0], [0], [0, 0, 1, 0], [], []>, transpose_lhs_hint = false} : vector<128x128xf32>, vector<32x128xf32>, vector<128x32xf32> -> vector<128x32xf32>
    %concatenate3A_331 = tpu.concatenate %dot_general3A_315, %dot_general3A_320, %dot_general3A_325, %dot_general3A_330 in 1 : vector<128x32xf32>, vector<128x32xf32>, vector<128x32xf32>, vector<128x32xf32> -> vector<128x128xf32>
    %swap3A_332 = arith.constant 1664 : index
    %swap3A_333 = arith.constant 0 : index
    %swap3A_334 = vector.load %arg3[%swap3A_332, %swap3A_333] : memref<2048x128xf32, #tpu.memory_space<vmem>>, vector<128x128xf32>
    tpu.vector_store %arg3[%swap3A_332, %swap3A_333], %concatenate3A_331 {strides = array<i32>} : memref<2048x128xf32, #tpu.memory_space<vmem>>, vector<128x128xf32>,
    %get3A_335 = arith.constant 0 : index
    %get3A_336 = arith.constant 7168 : index
    %get3A_337 = vector.load %arg1[%get3A_335, %get3A_336] : memref<32x8192xf32, #tpu.memory_space<vmem>>, vector<32x128xf32>
    %dot_general3A_338 = arith.constant dense<0.000000e+00> : vector<128x32xf32>
    %dot_general3A_339 = tpu.matmul %get3A_1, %get3A_337, %dot_general3A_338 {dimension_numbers = #tpu.dot_dimension_numbers<[1], [1], [0], [0], [0, 0, 1, 0], [], []>, transpose_lhs_hint = false} : vector<128x128xf32>, vector<32x128xf32>, vector<128x32xf32> -> vector<128x32xf32>
    %get3A_340 = arith.constant 0 : index
    %get3A_341 = arith.constant 7296 : index
    %get3A_342 = vector.load %arg1[%get3A_340, %get3A_341] : memref<32x8192xf32, #tpu.memory_space<vmem>>, vector<32x128xf32>
    %dot_general3A_343 = arith.constant dense<0.000000e+00> : vector<128x32xf32>
    %dot_general3A_344 = tpu.matmul %get3A_1, %get3A_342, %dot_general3A_343 {dimension_numbers = #tpu.dot_dimension_numbers<[1], [1], [0], [0], [0, 0, 1, 0], [], []>, transpose_lhs_hint = false} : vector<128x128xf32>, vector<32x128xf32>, vector<128x32xf32> -> vector<128x32xf32>
    %get3A_345 = arith.constant 0 : index
    %get3A_346 = arith.constant 7424 : index
    %get3A_347 = vector.load %arg1[%get3A_345, %get3A_346] : memref<32x8192xf32, #tpu.memory_space<vmem>>, vector<32x128xf32>
    %dot_general3A_348 = arith.constant dense<0.000000e+00> : vector<128x32xf32>
    %dot_general3A_349 = tpu.matmul %get3A_1, %get3A_347, %dot_general3A_348 {dimension_numbers = #tpu.dot_dimension_numbers<[1], [1], [0], [0], [0, 0, 1, 0], [], []>, transpose_lhs_hint = false} : vector<128x128xf32>, vector<32x128xf32>, vector<128x32xf32> -> vector<128x32xf32>
    %get3A_350 = arith.constant 0 : index
    %get3A_351 = arith.constant 7552 : index
    %get3A_352 = vector.load %arg1[%get3A_350, %get3A_351] : memref<32x8192xf32, #tpu.memory_space<vmem>>, vector<32x128xf32>
    %dot_general3A_353 = arith.constant dense<0.000000e+00> : vector<128x32xf32>
    %dot_general3A_354 = tpu.matmul %get3A_1, %get3A_352, %dot_general3A_353 {dimension_numbers = #tpu.dot_dimension_numbers<[1], [1], [0], [0], [0, 0, 1, 0], [], []>, transpose_lhs_hint = false} : vector<128x128xf32>, vector<32x128xf32>, vector<128x32xf32> -> vector<128x32xf32>
    %concatenate3A_355 = tpu.concatenate %dot_general3A_339, %dot_general3A_344, %dot_general3A_349, %dot_general3A_354 in 1 : vector<128x32xf32>, vector<128x32xf32>, vector<128x32xf32>, vector<128x32xf32> -> vector<128x128xf32>
    %swap3A_356 = arith.constant 1792 : index
    %swap3A_357 = arith.constant 0 : index
    %swap3A_358 = vector.load %arg3[%swap3A_356, %swap3A_357] : memref<2048x128xf32, #tpu.memory_space<vmem>>, vector<128x128xf32>
    tpu.vector_store %arg3[%swap3A_356, %swap3A_357], %concatenate3A_355 {strides = array<i32>} : memref<2048x128xf32, #tpu.memory_space<vmem>>, vector<128x128xf32>,
    %get3A_359 = arith.constant 0 : index
    %get3A_360 = arith.constant 7680 : index
    %get3A_361 = vector.load %arg1[%get3A_359, %get3A_360] : memref<32x8192xf32, #tpu.memory_space<vmem>>, vector<32x128xf32>
    %dot_general3A_362 = arith.constant dense<0.000000e+00> : vector<128x32xf32>
    %dot_general3A_363 = tpu.matmul %get3A_1, %get3A_361, %dot_general3A_362 {dimension_numbers = #tpu.dot_dimension_numbers<[1], [1], [0], [0], [0, 0, 1, 0], [], []>, transpose_lhs_hint = false} : vector<128x128xf32>, vector<32x128xf32>, vector<128x32xf32> -> vector<128x32xf32>
    %get3A_364 = arith.constant 0 : index
    %get3A_365 = arith.constant 7808 : index
    %get3A_366 = vector.load %arg1[%get3A_364, %get3A_365] : memref<32x8192xf32, #tpu.memory_space<vmem>>, vector<32x128xf32>
    %dot_general3A_367 = arith.constant dense<0.000000e+00> : vector<128x32xf32>
    %dot_general3A_368 = tpu.matmul %get3A_1, %get3A_366, %dot_general3A_367 {dimension_numbers = #tpu.dot_dimension_numbers<[1], [1], [0], [0], [0, 0, 1, 0], [], []>, transpose_lhs_hint = false} : vector<128x128xf32>, vector<32x128xf32>, vector<128x32xf32> -> vector<128x32xf32>
    %get3A_369 = arith.constant 0 : index
    %get3A_370 = arith.constant 7936 : index
    %get3A_371 = vector.load %arg1[%get3A_369, %get3A_370] : memref<32x8192xf32, #tpu.memory_space<vmem>>, vector<32x128xf32>
    %dot_general3A_372 = arith.constant dense<0.000000e+00> : vector<128x32xf32>
    %dot_general3A_373 = tpu.matmul %get3A_1, %get3A_371, %dot_general3A_372 {dimension_numbers = #tpu.dot_dimension_numbers<[1], [1], [0], [0], [0, 0, 1, 0], [], []>, transpose_lhs_hint = false} : vector<128x128xf32>, vector<32x128xf32>, vector<128x32xf32> -> vector<128x32xf32>
    %get3A_374 = arith.constant 0 : index
    %get3A_375 = arith.constant 8064 : index
    %get3A_376 = vector.load %arg1[%get3A_374, %get3A_375] : memref<32x8192xf32, #tpu.memory_space<vmem>>, vector<32x128xf32>
    %dot_general3A_377 = arith.constant dense<0.000000e+00> : vector<128x32xf32>
    %dot_general3A_378 = tpu.matmul %get3A_1, %get3A_376, %dot_general3A_377 {dimension_numbers = #tpu.dot_dimension_numbers<[1], [1], [0], [0], [0, 0, 1, 0], [], []>, transpose_lhs_hint = false} : vector<128x128xf32>, vector<32x128xf32>, vector<128x32xf32> -> vector<128x32xf32>
    %concatenate3A_379 = tpu.concatenate %dot_general3A_363, %dot_general3A_368, %dot_general3A_373, %dot_general3A_378 in 1 : vector<128x32xf32>, vector<128x32xf32>, vector<128x32xf32>, vector<128x32xf32> -> vector<128x128xf32>
    %swap3A_380 = arith.constant 1920 : index
    %swap3A_381 = arith.constant 0 : index
    %swap3A_382 = vector.load %arg3[%swap3A_380, %swap3A_381] : memref<2048x128xf32, #tpu.memory_space<vmem>>, vector<128x128xf32>
    tpu.vector_store %arg3[%swap3A_380, %swap3A_381], %concatenate3A_379 {strides = array<i32>} : memref<2048x128xf32, #tpu.memory_space<vmem>>, vector<128x128xf32>,
    return
  }
  func.func @transform_0(%arg0: i32) -> (i32, i32) {
    %c0_i32 = arith.constant 0 : i32
    %c0_i32_0 = arith.constant 0 : i32
    return %c0_i32, %arg0 : i32, i32
  }
  func.func @transform_1(%arg0: i32) -> (i32, i32) {
    %c0_i32 = arith.constant 0 : i32
    %c0_i32_0 = arith.constant 0 : i32
    %c0_i32_1 = arith.constant 0 : i32
    return %c0_i32, %c0_i32_0 : i32, i32
  }
  func.func @transform_2(%arg0: i32) -> (i32, i32) {
    %c0_i32 = arith.constant 0 : i32
    %c0_i32_0 = arith.constant 0 : i32
    return %arg0, %c0_i32 : i32, i32
  }
}

module attributes {stable_mosaic.version = 14 : i64} {
  func.func @_mlp_body(%arg0: i32, %arg1: memref<1024x128xf32, #tpu.memory_space<vmem>>, %arg2: memref<1024x128xf32, #tpu.memory_space<vmem>>, %arg3: memref<128x256xf32, #tpu.memory_space<vmem>>, %arg4: memref<128x256xf32, #tpu.memory_space<vmem>>, %arg5: memref<1x256xf32, #tpu.memory_space<vmem>>, %arg6: memref<256x128xf32, #tpu.memory_space<vmem>>, %arg7: memref<1x128xf32, #tpu.memory_space<vmem>>, %arg8: memref<1024x128xf32, #tpu.memory_space<vmem>>) attributes {dimension_semantics = [#tpu.dimension_semantics<arbitrary>], iteration_bounds = array<i64: 200>, scalar_prefetch = 0 : i64, scratch_operands = 0 : i64, tpu.core_type = #tpu.core_type<tc>, window_params = [{transform_indices = @transform_0, window_bounds = array<i64: 1024, 128>}, {transform_indices = @transform_1, window_bounds = array<i64: 1024, 128>}, {pipeline_mode = #tpu.pipeline_mode<synchronous>, transform_indices = @transform_2, window_bounds = array<i64: 128, 256>}, {pipeline_mode = #tpu.pipeline_mode<synchronous>, transform_indices = @transform_3, window_bounds = array<i64: 128, 256>}, {pipeline_mode = #tpu.pipeline_mode<synchronous>, transform_indices = @transform_4, window_bounds = array<i64: 1, 256>}, {pipeline_mode = #tpu.pipeline_mode<synchronous>, transform_indices = @transform_5, window_bounds = array<i64: 256, 128>}, {pipeline_mode = #tpu.pipeline_mode<synchronous>, transform_indices = @transform_6, window_bounds = array<i64: 1, 128>}, {transform_indices = @transform_7, window_bounds = array<i64: 1024, 128>}]} {
    %get3A = arith.constant 0 : index
    %get3A_0 = arith.constant 0 : index
    %get3A_1 = vector.load %arg1[%get3A, %get3A_0] : memref<1024x128xf32, #tpu.memory_space<vmem>>, vector<1024x128xf32>
    %get3A_2 = arith.constant 0 : index
    %get3A_3 = arith.constant 0 : index
    %get3A_4 = vector.load %arg3[%get3A_2, %get3A_3] : memref<128x256xf32, #tpu.memory_space<vmem>>, vector<128x256xf32>
    %dot_general3A = arith.constant dense<0.000000e+00> : vector<1024x256xf32>
    %dot_general3A_5 = tpu.matmul %get3A_1, %get3A_4, %dot_general3A {dimension_numbers = #tpu.dot_dimension_numbers<[1], [0], [0], [1], [0, 0, 1, 1], [], []>, transpose_lhs_hint = false} : vector<1024x128xf32>, vector<128x256xf32>, vector<1024x256xf32> -> vector<1024x256xf32>
    %get3A_6 = arith.constant 0 : index
    %get3A_7 = arith.constant 0 : index
    %get3A_8 = vector.load %arg2[%get3A_6, %get3A_7] : memref<1024x128xf32, #tpu.memory_space<vmem>>, vector<1024x128xf32>
    %get3A_9 = arith.constant 0 : index
    %get3A_10 = arith.constant 0 : index
    %get3A_11 = vector.load %arg4[%get3A_9, %get3A_10] : memref<128x256xf32, #tpu.memory_space<vmem>>, vector<128x256xf32>
    %dot_general3A_12 = arith.constant dense<0.000000e+00> : vector<1024x256xf32>
    %dot_general3A_13 = tpu.matmul %get3A_8, %get3A_11, %dot_general3A_12 {dimension_numbers = #tpu.dot_dimension_numbers<[1], [0], [0], [1], [0, 0, 1, 1], [], []>, transpose_lhs_hint = false} : vector<1024x128xf32>, vector<128x256xf32>, vector<1024x256xf32> -> vector<1024x256xf32>
    %add3A = arith.addf %dot_general3A_5, %dot_general3A_13 : vector<1024x256xf32>
    %get3A_14 = arith.constant 0 : index
    %get3A_15 = arith.constant 0 : index
    %get3A_16 = vector.load %arg5[%get3A_14, %get3A_15] : memref<1x256xf32, #tpu.memory_space<vmem>>, vector<1x256xf32>
    %add3A_17 = vector.broadcast %get3A_16 : vector<1x256xf32> to vector<1024x256xf32>
    %add3A_18 = arith.addf %add3A, %add3A_17 : vector<1024x256xf32>
    %max3A = arith.constant 0.000000e+00 : f32
    %max3A_19 = vector.broadcast %max3A : f32 to vector<1024x256xf32>
    %max3A_20 = arith.maximumf %add3A_18, %max3A_19 : vector<1024x256xf32>
    %get3A_21 = arith.constant 0 : index
    %get3A_22 = arith.constant 0 : index
    %get3A_23 = vector.load %arg6[%get3A_21, %get3A_22] : memref<256x128xf32, #tpu.memory_space<vmem>>, vector<256x128xf32>
    %dot_general3A_24 = arith.constant dense<0.000000e+00> : vector<1024x128xf32>
    %dot_general3A_25 = tpu.matmul %max3A_20, %get3A_23, %dot_general3A_24 {dimension_numbers = #tpu.dot_dimension_numbers<[1], [0], [0], [1], [0, 0, 1, 1], [], []>, transpose_lhs_hint = false} : vector<1024x256xf32>, vector<256x128xf32>, vector<1024x128xf32> -> vector<1024x128xf32>
    %get3A_26 = arith.constant 0 : index
    %get3A_27 = arith.constant 0 : index
    %get3A_28 = vector.load %arg7[%get3A_26, %get3A_27] : memref<1x128xf32, #tpu.memory_space<vmem>>, vector<1x128xf32>
    %add3A_29 = vector.broadcast %get3A_28 : vector<1x128xf32> to vector<1024x128xf32>
    %add3A_30 = arith.addf %dot_general3A_25, %add3A_29 : vector<1024x128xf32>
    %swap3A = arith.constant 0 : index
    %swap3A_31 = arith.constant 0 : index
    %swap3A_32 = vector.load %arg8[%swap3A, %swap3A_31] : memref<1024x128xf32, #tpu.memory_space<vmem>>, vector<1024x128xf32>
    tpu.vector_store %arg8[%swap3A, %swap3A_31], %add3A_30 {strides = array<i32>} : memref<1024x128xf32, #tpu.memory_space<vmem>>, vector<1024x128xf32>,
    return
  }
  func.func @transform_0(%arg0: i32) -> (i32, i32) {
    %c0_i32 = arith.constant 0 : i32
    %c0_i32_0 = arith.constant 0 : i32
    return %arg0, %c0_i32 : i32, i32
  }
  func.func @transform_1(%arg0: i32) -> (i32, i32) {
    %c0_i32 = arith.constant 0 : i32
    %c0_i32_0 = arith.constant 0 : i32
    return %arg0, %c0_i32 : i32, i32
  }
  func.func @transform_2(%arg0: i32) -> (i32, i32) {
    %c0_i32 = arith.constant 0 : i32
    %c0_i32_0 = arith.constant 0 : i32
    %c0_i32_1 = arith.constant 0 : i32
    return %c0_i32, %c0_i32_0 : i32, i32
  }
  func.func @transform_3(%arg0: i32) -> (i32, i32) {
    %c0_i32 = arith.constant 0 : i32
    %c0_i32_0 = arith.constant 0 : i32
    %c0_i32_1 = arith.constant 0 : i32
    return %c0_i32, %c0_i32_0 : i32, i32
  }
  func.func @transform_4(%arg0: i32) -> (i32, i32) {
    %c0_i32 = arith.constant 0 : i32
    %c0_i32_0 = arith.constant 0 : i32
    %c0_i32_1 = arith.constant 0 : i32
    return %c0_i32, %c0_i32_0 : i32, i32
  }
  func.func @transform_5(%arg0: i32) -> (i32, i32) {
    %c0_i32 = arith.constant 0 : i32
    %c0_i32_0 = arith.constant 0 : i32
    %c0_i32_1 = arith.constant 0 : i32
    return %c0_i32, %c0_i32_0 : i32, i32
  }
  func.func @transform_6(%arg0: i32) -> (i32, i32) {
    %c0_i32 = arith.constant 0 : i32
    %c0_i32_0 = arith.constant 0 : i32
    %c0_i32_1 = arith.constant 0 : i32
    return %c0_i32, %c0_i32_0 : i32, i32
  }
  func.func @transform_7(%arg0: i32) -> (i32, i32) {
    %c0_i32 = arith.constant 0 : i32
    %c0_i32_0 = arith.constant 0 : i32
    return %arg0, %c0_i32 : i32, i32
  }
}

</mosaic_0001>

<sc_bundles>
// kernel: kernel.7.cloned.1.call-start
scs
__scs_entry_jumppad:
0x0: {  	(pc) =	sbr.rel $0x88, $3  }
0x1: {  	(tag) =	ssettag $0x0;
	lr =	simm.s32 $0x1  }
0x2: {  	[smem:$0x3F92] =	sst lr;
	_ =	strace $0xD0000000  }
0x3: {  	_ = 	snop  }
0x4: {  	_ = 	snop  }
0x5: {  	_ = 	snop  }
0x6: {  	_ = 	snop  }
0x7: {  	_ = 	snop  }
__scs_overlays_trampoline_lowered:
0x8: {  	[smem:$0x3FA1] =	sst s0  }
0x9: {  	[smem:$0x3FA2] =	sst s1  }
0xa: {  	[smem:$0x3FA3] =	sst s2  }
0xb: {  	[smem:$0x3FA4] =	sst s3  }
0xc: {  	[smem:$0x3FA5] =	sst s4  }
0xd: {  	[smem:$0x3FA6] =	sst s5  }
0xe: {  	[smem:$0x3FA7] =	sst s6  }
0xf: {  	[smem:$0x3FA8] =	sst s7  }
0x10: {  	[smem:$0x3FA9] =	sst s8  }
0x11: {  	[smem:$0x3FAA] =	sst s9;
	s0 =	simm.s32 @!p0 $0x0  }
0x12: {  	s1 =	sld [smem:$0x3F90];
	s0 =	simm.s32 @p0 $0x1  }
0x13: {  	[smem:$0x3FAB] =	sst s0;
	s0 =	simm.s32 @!p1 $0x0  }
0x14: {  	s2 =	sld [smem:$0x3F8F];
	s0 =	simm.s32 @p1 $0x1  }
0x15: {  	[smem:$0x3FAC] =	sst s0;
	s0 =	simm.s32 @!p2 $0x0  }
0x16: {  	s3 =	sld [smem:$0x3FDB];
	s0 =	simm.s32 @p2 $0x1  }
0x17: {  	s4 =	simm.s32 $0x1BF5;
	[smem:$0x3FAE] =	sst s0  }
0x18: {  	s0 =	sld [smem:$0x3F91];
	_ =	swait.ge [sflag:s4], $0x0  }
0x19: {  	s7 =	sld [smem:$0x3F92]  }
0x1a: {  	s8 =	sadd.s32 $0xFFFFE003, lr  }
0x1b: {  	s9 =	sadd.s32 $0xFFFFFEF7, lr;
	s5 =	simm.s32 $0xFFFFFFFF;
	p2 =	slt.u32 s8, $0xFFFFF086  }
0x1c: {  	p1 =	slt.u32 s9, $0xF7A;
	s5 =	simm.s32 @!p2 $0x0  }
0x1d: {  	s5 =	simm.s32 @p1 $0x1;
	p0 =	seq.s32 s7, s2  }
0x1e: {  	s7 =	smul.u32 @!p0 $0xF7A, s2;
	p2 =	seq.s32 @!p0 s5, $0x0  }
0x1f: {  	s9 =	smul.u32 $0xF7A, s1;
	s8 =	simm.s32 @!p0 $0x1BF5;
	p2 =	por !p2, p0  }
0x20: {  	[sflag:s8] =	ssyncset.s32 @!p0 $0xFFFFF086;
	s6 =	sadd.s32 @!p0 s3, s7;
	s7 =	simm.s32 @!p0 $0x108  }
0x21: {  	s3 =	sadd.s32 s3, s9;
	s6 =	sadd.s32 @!p0 $0x88, s6;
	s7 =	simm.s32 @p2 $0x1082  }
0x22: {  	[simem:s7], [sflag:s8] =	dma.local @!p0 [hbm:s6], $0xF7A  }
0x23: {  	s9 =	sor.u32 $0xD0000000, s2;
	s6 =	simm.s32 $0x108;
	_ =	swait.ge @!p0 [sflag:s8], $0x0  }
0x24: {  	s3 =	sadd.s32 $0x88, s3;
	s6 =	simm.s32 @!p1 $0x1082;
	[sflag:s4] =	ssyncset.s32 $0xFFFFF086  }
0x25: {  	[simem:s6], [sflag:s4] =	dma.local [hbm:s3], $0xF7A  }
0x26: {  	[smem:$0x3F92] =	sst s1;
	(tag) =	ssettag s2;
	_ =	strace s9  }
0x27: {  	s1 =	sld [smem:$0x3FA2]  }
0x28: {  	s2 =	sld [smem:$0x3FA3]  }
0x29: {  	s4 =	sld [smem:$0x3FA5]  }
0x2a: {  	p0 =	seq.s32 s5, $0x0;
	s5 =	sld [smem:$0x3FA6]  }
0x2b: {  	s6 =	sld [smem:$0x3FA7]  }
0x2c: {  	s7 =	sld [smem:$0x3FA8]  }
0x2d: {  	s3 =	simm.s32 $0x108;
	s8 =	sld [smem:$0x3FA9]  }
0x2e: {  	s3 =	simm.s32 @!p0 $0x1082;
	s9 =	sld [smem:$0x3FAA]  }
0x2f: {  	lr =	sadd.s32 s0, s3;
	s0 =	sld [smem:$0x3FA1]  }
0x30: {  	s3 =	sld [smem:$0x3FA4]  }
0x31: {  	[smem:$0x3FAD] =	sst s10  }
0x32: {  	s10 =	sld [smem:$0x3FAB];
	_ =	sdelay $0x3  }
0x33: {  	p0 =	seq.s32 s10, $0x1;
	s10 =	sld [smem:$0x3FAD];
	_ =	sdelay $0x3  }
0x34: {  	[smem:$0x3FAD] =	sst s10  }
0x35: {  	s10 =	sld [smem:$0x3FAC];
	_ =	sdelay $0x3  }
0x36: {  	p1 =	seq.s32 s10, $0x1;
	s10 =	sld [smem:$0x3FAD];
	_ =	sdelay $0x3  }
0x37: {  	[smem:$0x3FAD] =	sst s10  }
0x38: {  	s10 =	sld [smem:$0x3FAE]  }
0x39: {  	_ = 	snop;
	(pc) =	sbr.ind lr, $3  }
0x3a: {  	_ = 	snop  }
0x3b: {  	_ = 	snop  }
0x3c: {  	p2 =	seq.s32 s10, $0x1;
	s10 =	sld [smem:$0x3FAD]  }
0x3d: {  	_ =	shalt  }
0x3e: {  	_ =	shalt  }
0x3f: {  	_ =	shalt  }
0x40: {  	_ =	shalt  }
0x41: {  	_ =	shalt  }
0x42: {  	_ =	shalt  }
0x43: {  	_ =	shalt  }
0x44: {  	_ =	shalt  }
0x45: {  	_ =	shalt  }
0x46: {  	_ =	shalt  }
0x47: {  	_ =	shalt  }
0x48: {  	_ =	shalt  }
0x49: {  	_ =	shalt  }
0x4a: {  	_ =	shalt  }
0x4b: {  	_ =	shalt  }
0x4c: {  	_ =	shalt  }
0x4d: {  	_ =	shalt  }
0x4e: {  	_ =	shalt  }
0x4f: {  	_ =	shalt  }
0x50: {  	_ =	shalt  }
0x51: {  	_ =	shalt  }
0x52: {  	_ =	shalt  }
0x53: {  	_ =	shalt  }
0x54: {  	_ =	shalt  }
0x55: {  	_ =	shalt  }
0x56: {  	_ =	shalt  }
0x57: {  	_ =	shalt  }
0x58: {  	_ =	shalt  }
0x59: {  	_ =	shalt  }
0x5a: {  	_ =	shalt  }
0x5b: {  	_ =	shalt  }
0x5c: {  	_ =	shalt  }
0x5d: {  	_ =	shalt  }
0x5e: {  	_ =	shalt  }
0x5f: {  	_ =	shalt  }
0x60: {  	_ =	shalt  }
0x61: {  	_ =	shalt  }
0x62: {  	_ =	shalt  }
0x63: {  	_ =	shalt  }
0x64: {  	_ =	shalt  }
0x65: {  	_ =	shalt  }
0x66: {  	_ =	shalt  }
0x67: {  	_ =	shalt  }
0x68: {  	_ =	shalt  }
0x69: {  	_ =	shalt  }
0x6a: {  	_ =	shalt  }
0x6b: {  	_ =	shalt  }
0x6c: {  	_ =	shalt  }
0x6d: {  	_ =	shalt  }
0x6e: {  	_ =	shalt  }
0x6f: {  	_ =	shalt  }
0x70: {  	_ =	shalt  }
0x71: {  	_ =	shalt  }
0x72: {  	_ =	shalt  }
0x73: {  	_ =	shalt  }
0x74: {  	_ =	shalt  }
0x75: {  	_ =	shalt  }
0x76: {  	_ =	shalt  }
0x77: {  	_ =	shalt  }
0x78: {  	_ =	shalt  }
0x79: {  	_ =	shalt  }
0x7a: {  	_ =	shalt  }
0x7b: {  	_ =	shalt  }
0x7c: {  	_ =	shalt  }
0x7d: {  	_ =	shalt  }
0x7e: {  	_ =	shalt  }
0x7f: {  	_ =	shalt  }
0x80: {  	_ =	shalt  }
0x81: {  	_ =	shalt  }
0x82: {  	_ =	shalt  }
0x83: {  	_ =	shalt  }
0x84: {  	_ =	shalt  }
0x85: {  	_ =	shalt  }
0x86: {  	_ =	shalt  }
0x87: {  	_ =	shalt  }
.Lfunc_end0:
.L_simem_size_0:
called_computation_lowered:
.L_overlay_start_0:
0x88: {  	s2 =	sld [smem:$0x3FD9]  }
0x89: {  	s3 =	sld [smem:$0x3FFE];
	_ =	sdelay $0x1  }
0x8a: {  	s1 =	srdreg.scid  }
0x8b: {  	s0 =	sand.u32 $0x1, s1  }
0x8c: {  	s17 =	sshll.u32 s0, $0xA;
	s2 =	sadd.s32 s3, s2  }
0x8d: {  	s2 =	sadd.s32 s2, s17  }
0x8e: {  	[smem:$0x3FB9] =	sst s2  }
0x8f: {  	_ = 	snop  }
0x90: {  	s2 =	sld [smem:$0x3FD0];
	(tm) =	ssettm $0x1  }
0x91: {  	s18 =	sld [smem:$0x3FFB];
	_ =	sdelay $0x3  }
0x92: {  	_ =	strace s18  }
0x93: {  	s3 =	sld [smem:$0x3FFC];
	_ =	sdelay $0x3  }
0x94: {  	_ =	strace s3  }
0x95: {  	s3 =	sld [smem:$0x3FFD];
	_ =	sdelay $0x3  }
0x96: {  	_ =	strace s3  }
0x97: {  	_ =	strace $0x8FFFFFFF  }
0x98: {  	s19 =	sld [smem:$0x3FDB];
	_ =	sdelay $0x1  }
0x99: {  	s4 =	simm.s32 $_scs_section_size  }
0x9a: {  	s5 =	simm.s32 $_size__tile_overlayer_lowered;
	s6 =	simm.s32 $_tile_overlayer_lowered  }
0x9b: {  	s22 =	simm.s32 $0x1BFF;
	s21 =	sshll.u32 s6, $0x1;
	s3 =	sadd.s32 s4, s19  }
0x9c: {  	s7 =	simm.s32 $0x0;
	s20 =	sshll.u32 s5, $0x1;
	s5 =	sadd.s32 s21, s3  }
0x9d: {  	[timem:s7], [sflag:s22] =	dma.local [hbm:s5], s20  }
0x9e: {  	_ =	swait.ge [sflag:s22], s20  }
0x9f: {  	s4 =	ssub.s32 $0x0, s20;
	[sflag:s22] =	ssyncset.done $0x0  }
0xa0: {  	[sflag:s22] =	ssyncadd.s32 s4;
	_ =	sdelay $0x1  }
0xa1: {  	s23 =	simm.s32 $0x1B8B  }
0xa2: {  	_ =	swait.ge [sflag:s23], $0x1  }
0xa3: {  	[sflag:s23] =	ssyncset.done $0x0  }
0xa4: {  	s25 =	simm.s32 $0x1B8E;
	s24 =	sld [smem:$0x3FFE];
	[sflag:s23] =	ssyncadd.s32 $0xFFFFFFFF  }
0xa5: {  	s26 =	simm.s32 $execute0_lowered;
	[smem:$0x3FD2] =	sst s25  }
0xa6: {  	s5 =	sshll.u32 s26, $0x1;
	_ =	strace $0x80000046;
	[dreg:$0x1] =	wrdreg $0xFFFFFFFF  }
0xa7: {  	s28 =	simm.s32 $_size_execute0_lowered;
	s3 =	sadd.s32 s3, s5;
	[dreg:$0x0] =	wrdreg $0x0  }
0xa8: {  	s5 =	sshll.u32 s28, $0x1;
	[dreg:$0x2] =	wrdreg s3  }
0xa9: {  	[dreg:$0x3] =	wrdreg s5  }
0xaa: {  	[dreg:$0x4] =	wrdreg $0xC0  }
0xab: {  	_ =	task [dreg:s7], $0x5FFFF  }
0xac: {  	[dreg:$0x1] =	wrdreg $0xFFFFFFFF  }
0xad: {  	[dreg:$0x0] =	wrdreg $0x60  }
0xae: {  	[dreg:$0x2] =	wrdreg s24  }
0xaf: {  	[dreg:$0x3] =	wrdreg s2  }
0xb0: {  	[dreg:$0x4] =	wrdreg $0x9  }
0xb1: {  	_ =	task.clear_ibuf [dreg:s7], $0x5FFFF;
	_ =	strace $0x90000046  }
0xb2: {  	s29 =	simm.s32 $0x9;
	_ =	strace $0x80000048  }
0xb3: {  	_ =	swait.ge [sflag:s29], $0x1  }
0xb4: {  	[sflag:s29] =	ssyncadd.s32 $0xFFFFFFFF  }
0xb5: {  	_ =	strace $0x90000048  }
0xb6: {  	_ =	sfence  }
0xb7: {  	s30 =	sld [smem:$0x0];
	_ =	sdelay $0x2  }
0xb8: {  	s31 =	sshll.u32 s1, $0xD;
	s1 =	sshrl.u32 s1, $0x2  }
0xb9: {  	s3 =	sand.u32 $0x4000, s31;
	s1 =	sadd.s32 s1, s30  }
0xba: {  	s0 =	sor.u32 s3, s0;
	s1 =	sshll.u32 s1, $0x11  }
0xbb: {  	s0 =	sor.u32 s1, s0  }
0xbc: {  	s0 =	sadd.s32 $0x8F2B, s0  }
0xbd: {  	[sflag:s0] =	ssyncadd.remote.s32 $0x1  }
0xbe: {  	_ =	sfence.sel $0xFFFF  }
0xbf: {  	[dreg:$0x0] =	wrdreg $0xFFFFFFFF;
	(pc) =	sbr.abs _section_cstart, $3  }
0xc0: {  	[dreg:$0x1] =	wrdreg $0xFFFFFFFF  }
0xc1: {  	_ =	task.clear_ibuf [dreg:s7], $0x2FFFF;
	_ =	strace $0x9FFFFFFF  }
0xc2: {  	(tm) =	ssettm $0x7FFFFFFF  }
0xc3: {  	_ =	shalt  }
tec
execute0_lowered:
.L_overlay_start_1:
0x0: {  	(tag) =	ssettag $0x1  }
0x1: {  	s1 =	srdreg.scid;
	s7 =	rddreg [dreg:$0x0]  }
0x2: {  	s0 =	stileid.u32;
	s2 =	rddreg [dreg:$0x1];
	s3 =	simm.s32 $0x0  }
0x3: {  	s29 =	simm.s32 $0x7400;
	s30 =	simm.s32 $0x8400;
	s15 =	simm.s32 $0x9400  }
0x4: {  	s16 =	simm.s32 $0xA400;
	s17 =	simm.s32 $0xC400;
	s18 =	simm.s32 $0xD400  }
0x5: {  	s19 =	simm.s32 $0xE400;
	s20 =	simm.s32 $0xF400;
	s21 =	simm.s32 $0x11400  }
0x6: {  	v0 =	vlaneseq.u32;
	s22 =	simm.s32 $0x12400;
	s31 =	simm.s32 $0x13400;
	[smem:$0x7FF] =	sst s3  }
0x7: {  	s23 =	simm.s32 $0x1;
	v0 =	vmul.u32 $0x20, v0;
	_ =	strace $0x80000047;
	[dreg:$0x3] =	wrdreg s29  }
0x8: {  	s24 =	simm.s32 $0x20;
	s25 =	simm.s32 $0x2;
	[dreg:$0x4] =	wrdreg s30  }
0x9: {  	s26 =	simm.s32 $0x0;
	s9 =	sand.u32 $0x1, s1;
	[dreg:$0x5] =	wrdreg s15;
	v1 =	vor.u32 $0x200, v0  }
0xa: {  	s28 =	sshll.u32 s0, $0x1;
	s8 =	smul.u32 $0x32000, s0;
	[dreg:$0x6] =	wrdreg s16;
	v2 =	vor.u32 $0x400, v0;
	v3 =	vor.u32 $0x600, v0;
	v4 =	vor.u32 $0x800, v0  }
0xb: {  	s5 =	sadd.s32 $0x2000, s7;
	s6 =	sadd.s32 $0x3DA000, s7;
	[dreg:$0x7] =	wrdreg s17;
	v5 =	vor.u32 $0xA00, v0;
	v6 =	vor.u32 $0xC00, v0;
	v7 =	vor.u32 $0xE00, v0  }
0xc: {  	s1 =	sor.u32 s9, s28;
	s11 =	ssub.s32 $0x2, s9;
	[dreg:$0x8] =	wrdreg s18;
	v8 =	vor.u32 $0x1000, v0;
	v9 =	vor.u32 $0x1200, v0;
	v10 =	vor.u32 $0x1400, v0  }
0xd: {  	s14 =	smul.u32 $0x19000, s9;
	s15 =	simm.s32 $0x3200;
	[dreg:$0x9] =	wrdreg s19;
	v11 =	vor.u32 $0x1600, v0;
	v12 =	vor.u32 $0x1800, v0;
	v13 =	vor.u32 $0x1A00, v0  }
0xe: {  	s16 =	simm.s32 $0x4B00;
	s17 =	simm.s32 $0x15400;
	[dreg:$0xa] =	wrdreg s20;
	v14 =	vor.u32 $0x1C00, v0;
	v15 =	vor.u32 $0x1E00, v0;
	v16 =	vor.u32 $0x2000, v0  }
0xf: {  	s18 =	simm.s32 $0x80;
	s19 =	simm.s32 $0x6400;
	[dreg:$0xb] =	wrdreg s21;
	v17 =	vor.u32 $0x2200, v0;
	v18 =	vor.u32 $0x2400, v0;
	v19 =	vor.u32 $0x2600, v0  }
0x10: {  	s20 =	simm.s32 $0xB400;
	s21 =	simm.s32 $0x10400;
	[dreg:$0xc] =	wrdreg s22;
	v20 =	vor.u32 $0x2800, v0;
	v21 =	vor.u32 $0x2A00, v0;
	v22 =	vor.u32 $0x2C00, v0  }
0x11: {  	[dreg:$0xd] =	wrdreg s31;
	s4 =	smul.u32 $0x1900, s1;
	s13 =	sshrl.u32 s11, $0x1;
	v23 =	vor.u32 $0x2E00, v0;
	v24 =	vor.u32 $0x3000, v0;
	v25 =	vor.u32 $0x3200, v0  }
0x12: {  	s22 =	simm.s32 $0x14400;
	s12 =	sadd.s32 s8, s7;
	v26 =	vor.u32 $0x3400, v0;
	v27 =	vor.u32 $0x3600, v0;
	v28 =	vor.u32 $0x3800, v0;
	s11 =	ssub.s32 s11, s13  }
0x13: {  	v29 =	vor.u32 $0x3A00, v0;
	v30 =	vor.u32 $0x3C00, v0;
	v31 =	vor.u32 $0x3E00, v0;
	s12 =	sadd.s32 s14, s12;
	s14 =	simm.s32 $0x1900;
	s4 =	sshrl.u32 s4, $0x3  }
0x14: {  	v32 =	vor.u32 $0x4000, v0;
	v33 =	vor.u32 $0x4200, v0;
	v34 =	vor.u32 $0x4400, v0;
	s12 =	sadd.s32 $0x45BA0C, s12;
	s10 =	sadd.s32 s4, s7;
	s4 =	sadd.s32 $0x45B000, s7  }
0x15: {  	v35 =	vor.u32 $0x4600, v0;
	v36 =	vor.u32 $0x4800, v0;
	s13 =	simm.s32 $0x3;
	s7 =	sadd.s32 $0x44E800, s10;
	s8 =	sadd.s32 $0x448400, s10  }
0x16: {  	v37 =	vor.u32 $0x4A00, v0;
	v38 =	vor.u32 $0x4C00, v0;
	v39 =	vor.u32 $0x4E00, v0;
	s11 =	smax.u32 s11, $0x1;
	s9 =	sadd.s32 $0x442000, s10;
	s10 =	sadd.s32 $0x454C00, s10  }
.LBB2_1:
0x17: {  	[tilespmem:s3], [sflag:$0x3] =	stream.linear.gather [hbm4b:s7+s3], $0x1900, $0x38;
	[tilespmem:$0x1A400] =	vst v63  }
0x18: {  	_ =	swait.ge [sflag:s13], $0x1900  }
0x19: {  	[sflag:s13] =	ssyncset.done $0x0  }
0x1a: {  	[sflag:s13] =	ssyncadd.s32 $0xFFFFE700  }
0x1b: {  	[tilespmem:s14], [sflag:$0x3] =	stream.linear.gather [hbm4b:s8+s3], $0x1900, $0x38;
	[tilespmem:$0x1A400] =	vst v63  }
0x1c: {  	_ =	swait.ge [sflag:s13], $0x1900  }
0x1d: {  	[sflag:s13] =	ssyncset.done $0x0  }
0x1e: {  	[sflag:s13] =	ssyncadd.s32 $0xFFFFE700  }
0x1f: {  	[tilespmem:s15], [sflag:$0x3] =	stream.linear.gather [hbm4b:s9+s3], $0x1900, $0x38;
	[tilespmem:$0x1A400] =	vst v63  }
0x20: {  	_ =	swait.ge [sflag:s13], $0x1900  }
0x21: {  	[sflag:s13] =	ssyncset.done $0x0  }
0x22: {  	[sflag:s13] =	ssyncadd.s32 $0xFFFFE700  }
0x23: {  	[tilespmem:s16], [sflag:$0x3] =	stream.linear.gather [hbm4b:s10+s3], $0x1900, $0x38;
	[tilespmem:$0x1A400] =	vst v63  }
0x24: {  	_ =	swait.ge [sflag:s13], $0x1900  }
0x25: {  	[sflag:s13] =	ssyncset.done $0x0  }
0x26: {  	[sflag:s13] =	ssyncadd.s32 $0xFFFFE700  }
0x27: {  	[tilespmem:s17], [sflag:$0x3] =	stream.linear.gather [hbm4b:s4+s3], $0x5000, $0x38;
	[tilespmem:$0x1A400] =	vst v63  }
0x28: {  	_ =	swait.ge [sflag:s13], $0x5000  }
0x29: {  	[sflag:s13] =	ssyncset.done $0x0  }
0x2a: {  	s28 =	smov.u32 s12;
	s29 =	simm.s32 $0x0;
	[sflag:s13] =	ssyncadd.s32 $0xFFFFB000  }
.LBB2_2:
0x2b: {  	s30 =	sshra.s32 s29, $0x2  }
0x2c: {  	[tilespmem:s19], [sflag:$0x1] =	stream.indirect.gather [hbm4b:s5+s18], $0x20, s30, s18, $0xb8;
	[tilespmem:$0x1A400] =	vst v63  }
0x2d: {  	s31 =	rddreg [dreg:$0x3];
	s1 =	sadd.s32 $0x80, s30  }
0x2e: {  	[tilespmem:s31], [sflag:$0x1] =	stream.indirect.gather [hbm4b:s5+s18], $0x20, s1, s18, $0xb8;
	[tilespmem:$0x1A400] =	vst v63  }
0x2f: {  	s0 =	rddreg [dreg:$0x4];
	s1 =	sadd.s32 $0x100, s30  }
0x30: {  	[tilespmem:s0], [sflag:$0x1] =	stream.indirect.gather [hbm4b:s5+s18], $0x20, s1, s18, $0xb8;
	[tilespmem:$0x1A400] =	vst v63  }
0x31: {  	s31 =	rddreg [dreg:$0x5];
	s0 =	sadd.s32 $0x180, s30  }
0x32: {  	[tilespmem:s31], [sflag:$0x1] =	stream.indirect.gather [hbm4b:s5+s18], $0x20, s0, s18, $0xb8;
	[tilespmem:$0x1A400] =	vst v63  }
0x33: {  	s1 =	rddreg [dreg:$0x6];
	s31 =	sadd.s32 $0x200, s30  }
0x34: {  	[tilespmem:s1], [sflag:$0x1] =	stream.indirect.gather [hbm4b:s5+s18], $0x20, s31, s18, $0xb8;
	[tilespmem:$0x1A400] =	vst v63  }
0x35: {  	s31 =	sadd.s32 $0x1900, s30  }
0x36: {  	[tilespmem:s20], [sflag:$0x1] =	stream.indirect.gather [hbm4b:s2+s18], $0x20, s31, s18, $0xb8;
	[tilespmem:$0x1A400] =	vst v63  }
0x37: {  	s0 =	sadd.s32 $0x1980, s30;
	s1 =	rddreg [dreg:$0x7]  }
0x38: {  	[tilespmem:s1], [sflag:$0x1] =	stream.indirect.gather [hbm4b:s2+s18], $0x20, s0, s18, $0xb8;
	[tilespmem:$0x1A400] =	vst v63  }
0x39: {  	s31 =	rddreg [dreg:$0x8];
	s0 =	sadd.s32 $0x1A00, s30  }
0x3a: {  	[tilespmem:s31], [sflag:$0x1] =	stream.indirect.gather [hbm4b:s2+s18], $0x20, s0, s18, $0xb8;
	[tilespmem:$0x1A400] =	vst v63  }
0x3b: {  	s1 =	rddreg [dreg:$0x9];
	s0 =	sadd.s32 $0x1A80, s30  }
0x3c: {  	[tilespmem:s1], [sflag:$0x1] =	stream.indirect.gather [hbm4b:s2+s18], $0x20, s0, s18, $0xb8;
	[tilespmem:$0x1A400] =	vst v63  }
0x3d: {  	s31 =	rddreg [dreg:$0xa];
	s1 =	sadd.s32 $0x1B00, s30  }
0x3e: {  	[tilespmem:s31], [sflag:$0x1] =	stream.indirect.gather [hbm4b:s2+s18], $0x20, s1, s18, $0xb8;
	[tilespmem:$0x1A400] =	vst v63  }
0x3f: {  	s31 =	sadd.s32 $0x3200, s30  }
0x40: {  	[tilespmem:s21], [sflag:$0x1] =	stream.indirect.gather [hbm4b:s6+s18], $0x20, s31, s18, $0xb8;
	[tilespmem:$0x1A400] =	vst v63  }
0x41: {  	s0 =	sadd.s32 $0x3280, s30;
	s1 =	rddreg [dreg:$0xb]  }
0x42: {  	[tilespmem:s1], [sflag:$0x1] =	stream.indirect.gather [hbm4b:s6+s18], $0x20, s0, s18, $0xb8;
	[tilespmem:$0x1A400] =	vst v63  }
0x43: {  	s31 =	rddreg [dreg:$0xc];
	s0 =	sadd.s32 $0x3300, s30  }
0x44: {  	[tilespmem:s31], [sflag:$0x1] =	stream.indirect.gather [hbm4b:s6+s18], $0x20, s0, s18, $0xb8;
	[tilespmem:$0x1A400] =	vst v63  }
0x45: {  	s1 =	rddreg [dreg:$0xd];
	s31 =	sadd.s32 $0x3380, s30  }
0x46: {  	[tilespmem:s1], [sflag:$0x1] =	stream.indirect.gather [hbm4b:s6+s18], $0x20, s31, s18, $0xb8;
	[tilespmem:$0x1A400] =	vst v63  }
0x47: {  	s31 =	sadd.s32 $0x3400, s30  }
0x48: {  	[tilespmem:s22], [sflag:$0x1] =	stream.indirect.gather [hbm4b:s6+s18], $0x20, s31, s18, $0xb8;
	[tilespmem:$0x1A400] =	vst v63  }
0x49: {  	v40 =	vld [tilespmem:s30+$0x4B00];
	_ =	sdelay $0x4  }
0x4a: {  	[tilespmem:v0+s17+$0x0] =	vst.idx.msk $0xffff, v40  }
0x4b: {  	v40 =	vld [tilespmem:s30+$0x4B10];
	_ =	sdelay $0x4  }
0x4c: {  	[tilespmem:v1+s17+$0x0] =	vst.idx.msk $0xffff, v40  }
0x4d: {  	v40 =	vld [tilespmem:s30+$0x4B20];
	_ =	sdelay $0x4  }
0x4e: {  	[tilespmem:v2+s17+$0x0] =	vst.idx.msk $0xffff, v40  }
0x4f: {  	v40 =	vld [tilespmem:s30+$0x4B30];
	_ =	sdelay $0x4  }
0x50: {  	[tilespmem:v3+s17+$0x0] =	vst.idx.msk $0xffff, v40  }
0x51: {  	v40 =	vld [tilespmem:s30+$0x4B40];
	_ =	sdelay $0x4  }
0x52: {  	[tilespmem:v4+s17+$0x0] =	vst.idx.msk $0xffff, v40  }
0x53: {  	v40 =	vld [tilespmem:s30+$0x4B50];
	_ =	sdelay $0x4  }
0x54: {  	[tilespmem:v5+s17+$0x0] =	vst.idx.msk $0xffff, v40  }
0x55: {  	v40 =	vld [tilespmem:s30+$0x4B60];
	_ =	sdelay $0x4  }
0x56: {  	[tilespmem:v6+s17+$0x0] =	vst.idx.msk $0xffff, v40  }
0x57: {  	v40 =	vld [tilespmem:s30+$0x4B70];
	_ =	sdelay $0x4  }
0x58: {  	[tilespmem:v7+s17+$0x0] =	vst.idx.msk $0xffff, v40  }
0x59: {  	v40 =	vld [tilespmem:s30+$0x4B80];
	_ =	sdelay $0x4  }
0x5a: {  	[tilespmem:v8+s17+$0x0] =	vst.idx.msk $0xffff, v40  }
0x5b: {  	v40 =	vld [tilespmem:s30+$0x4B90];
	_ =	sdelay $0x4  }
0x5c: {  	[tilespmem:v9+s17+$0x0] =	vst.idx.msk $0xffff, v40  }
0x5d: {  	v40 =	vld [tilespmem:s30+$0x4BA0];
	_ =	sdelay $0x4  }
0x5e: {  	[tilespmem:v10+s17+$0x0] =	vst.idx.msk $0xffff, v40  }
0x5f: {  	v40 =	vld [tilespmem:s30+$0x4BB0];
	_ =	sdelay $0x4  }
0x60: {  	[tilespmem:v11+s17+$0x0] =	vst.idx.msk $0xffff, v40  }
0x61: {  	v40 =	vld [tilespmem:s30+$0x4BC0];
	_ =	sdelay $0x4  }
0x62: {  	[tilespmem:v12+s17+$0x0] =	vst.idx.msk $0xffff, v40  }
0x63: {  	v40 =	vld [tilespmem:s30+$0x4BD0];
	_ =	sdelay $0x4  }
0x64: {  	[tilespmem:v13+s17+$0x0] =	vst.idx.msk $0xffff, v40  }
0x65: {  	v40 =	vld [tilespmem:s30+$0x4BE0];
	_ =	sdelay $0x4  }
0x66: {  	[tilespmem:v14+s17+$0x0] =	vst.idx.msk $0xffff, v40  }
0x67: {  	v40 =	vld [tilespmem:s30+$0x4BF0];
	_ =	sdelay $0x4  }
0x68: {  	[tilespmem:v15+s17+$0x0] =	vst.idx.msk $0xffff, v40  }
0x69: {  	v40 =	vld [tilespmem:s30+$0x4C00];
	_ =	sdelay $0x4  }
0x6a: {  	[tilespmem:v16+s17+$0x0] =	vst.idx.msk $0xffff, v40  }
0x6b: {  	v40 =	vld [tilespmem:s30+$0x4C10];
	_ =	sdelay $0x4  }
0x6c: {  	[tilespmem:v17+s17+$0x0] =	vst.idx.msk $0xffff, v40  }
0x6d: {  	v40 =	vld [tilespmem:s30+$0x4C20];
	_ =	sdelay $0x4  }
0x6e: {  	[tilespmem:v18+s17+$0x0] =	vst.idx.msk $0xffff, v40  }
0x6f: {  	v40 =	vld [tilespmem:s30+$0x4C30];
	_ =	sdelay $0x4  }
0x70: {  	[tilespmem:v19+s17+$0x0] =	vst.idx.msk $0xffff, v40  }
0x71: {  	v40 =	vld [tilespmem:s30+$0x4C40];
	_ =	sdelay $0x4  }
0x72: {  	[tilespmem:v20+s17+$0x0] =	vst.idx.msk $0xffff, v40  }
0x73: {  	v40 =	vld [tilespmem:s30+$0x4C50];
	_ =	sdelay $0x4  }
0x74: {  	[tilespmem:v21+s17+$0x0] =	vst.idx.msk $0xffff, v40  }
0x75: {  	v40 =	vld [tilespmem:s30+$0x4C60];
	_ =	sdelay $0x4  }
0x76: {  	[tilespmem:v22+s17+$0x0] =	vst.idx.msk $0xffff, v40  }
0x77: {  	v40 =	vld [tilespmem:s30+$0x4C70];
	_ =	sdelay $0x4  }
0x78: {  	[tilespmem:v23+s17+$0x0] =	vst.idx.msk $0xffff, v40  }
0x79: {  	v40 =	vld [tilespmem:s30+$0x4C80];
	_ =	sdelay $0x4  }
0x7a: {  	[tilespmem:v24+s17+$0x0] =	vst.idx.msk $0xffff, v40  }
0x7b: {  	v40 =	vld [tilespmem:s30+$0x4C90];
	_ =	sdelay $0x4  }
0x7c: {  	[tilespmem:v25+s17+$0x0] =	vst.idx.msk $0xffff, v40  }
0x7d: {  	v40 =	vld [tilespmem:s30+$0x4CA0];
	_ =	sdelay $0x4  }
0x7e: {  	[tilespmem:v26+s17+$0x0] =	vst.idx.msk $0xffff, v40  }
0x7f: {  	v40 =	vld [tilespmem:s30+$0x4CB0];
	_ =	sdelay $0x4  }
0x80: {  	[tilespmem:v27+s17+$0x0] =	vst.idx.msk $0xffff, v40  }
0x81: {  	v40 =	vld [tilespmem:s30+$0x4CC0];
	_ =	sdelay $0x4  }
0x82: {  	[tilespmem:v28+s17+$0x0] =	vst.idx.msk $0xffff, v40  }
0x83: {  	v40 =	vld [tilespmem:s30+$0x4CD0];
	_ =	sdelay $0x4  }
0x84: {  	[tilespmem:v29+s17+$0x0] =	vst.idx.msk $0xffff, v40  }
0x85: {  	v40 =	vld [tilespmem:s30+$0x4CE0];
	_ =	sdelay $0x4  }
0x86: {  	[tilespmem:v30+s17+$0x0] =	vst.idx.msk $0xffff, v40  }
0x87: {  	v40 =	vld [tilespmem:s30+$0x4CF0];
	_ =	sdelay $0x4  }
0x88: {  	[tilespmem:v31+s17+$0x0] =	vst.idx.msk $0xffff, v40  }
0x89: {  	v40 =	vld [tilespmem:s30+$0x4D00];
	_ =	sdelay $0x4  }
0x8a: {  	[tilespmem:v32+s17+$0x0] =	vst.idx.msk $0xffff, v40  }
0x8b: {  	v40 =	vld [tilespmem:s30+$0x4D10];
	_ =	sdelay $0x4  }
0x8c: {  	[tilespmem:v33+s17+$0x0] =	vst.idx.msk $0xffff, v40  }
0x8d: {  	v40 =	vld [tilespmem:s30+$0x4D20];
	_ =	sdelay $0x4  }
0x8e: {  	[tilespmem:v34+s17+$0x0] =	vst.idx.msk $0xffff, v40  }
0x8f: {  	v40 =	vld [tilespmem:s30+$0x4D30];
	_ =	sdelay $0x4  }
0x90: {  	[tilespmem:v35+s17+$0x0] =	vst.idx.msk $0xffff, v40  }
0x91: {  	v40 =	vld [tilespmem:s30+$0x4D40];
	_ =	sdelay $0x4  }
0x92: {  	[tilespmem:v36+s17+$0x0] =	vst.idx.msk $0xffff, v40  }
0x93: {  	v40 =	vld [tilespmem:s30+$0x4D50];
	_ =	sdelay $0x4  }
0x94: {  	[tilespmem:v37+s17+$0x0] =	vst.idx.msk $0xffff, v40  }
0x95: {  	v40 =	vld [tilespmem:s30+$0x4D60];
	_ =	sdelay $0x4  }
0x96: {  	[tilespmem:v38+s17+$0x0] =	vst.idx.msk $0xffff, v40  }
0x97: {  	v40 =	vld [tilespmem:s30+$0x4D70];
	_ =	sdelay $0x4  }
0x98: {  	[tilespmem:v39+s17+$0x0] =	vst.idx.msk $0xffff, v40  }
0x99: {  	_ =	swait.ge [sflag:s23], $0x1000  }
0x9a: {  	[sflag:s23] =	ssyncset.done $0x0  }
0x9b: {  	[sflag:s23] =	ssyncadd.s32 $0xFFFFF000  }
0x9c: {  	_ =	swait.ge [sflag:s23], $0x1000  }
0x9d: {  	[sflag:s23] =	ssyncset.done $0x0  }
0x9e: {  	[sflag:s23] =	ssyncadd.s32 $0xFFFFF000  }
0x9f: {  	_ =	swait.ge [sflag:s23], $0x1000  }
0xa0: {  	[sflag:s23] =	ssyncset.done $0x0  }
0xa1: {  	[sflag:s23] =	ssyncadd.s32 $0xFFFFF000  }
0xa2: {  	_ =	swait.ge [sflag:s23], $0x1000  }
0xa3: {  	[sflag:s23] =	ssyncset.done $0x0  }
0xa4: {  	[sflag:s23] =	ssyncadd.s32 $0xFFFFF000  }
0xa5: {  	_ =	swait.ge [sflag:s23], $0x1000  }
0xa6: {  	[sflag:s23] =	ssyncset.done $0x0  }
0xa7: {  	[sflag:s23] =	ssyncadd.s32 $0xFFFFF000  }
0xa8: {  	_ =	swait.ge [sflag:s23], $0x1000  }
0xa9: {  	[sflag:s23] =	ssyncset.done $0x0  }
0xaa: {  	[sflag:s23] =	ssyncadd.s32 $0xFFFFF000  }
0xab: {  	_ =	swait.ge [sflag:s23], $0x1000  }
0xac: {  	[sflag:s23] =	ssyncset.done $0x0  }
0xad: {  	[sflag:s23] =	ssyncadd.s32 $0xFFFFF000  }
0xae: {  	_ =	swait.ge [sflag:s23], $0x1000  }
0xaf: {  	[sflag:s23] =	ssyncset.done $0x0  }
0xb0: {  	[sflag:s23] =	ssyncadd.s32 $0xFFFFF000  }
0xb1: {  	_ =	swait.ge [sflag:s23], $0x1000  }
0xb2: {  	[sflag:s23] =	ssyncset.done $0x0  }
0xb3: {  	[sflag:s23] =	ssyncadd.s32 $0xFFFFF000  }
0xb4: {  	_ =	swait.ge [sflag:s23], $0x1000  }
0xb5: {  	[sflag:s23] =	ssyncset.done $0x0  }
0xb6: {  	[sflag:s23] =	ssyncadd.s32 $0xFFFFF000  }
0xb7: {  	_ =	swait.ge [sflag:s23], $0x1000  }
0xb8: {  	[sflag:s23] =	ssyncset.done $0x0  }
0xb9: {  	[sflag:s23] =	ssyncadd.s32 $0xFFFFF000  }
0xba: {  	_ =	swait.ge [sflag:s23], $0x1000  }
0xbb: {  	[sflag:s23] =	ssyncset.done $0x0  }
0xbc: {  	[sflag:s23] =	ssyncadd.s32 $0xFFFFF000  }
0xbd: {  	_ =	swait.ge [sflag:s23], $0x1000  }
0xbe: {  	[sflag:s23] =	ssyncset.done $0x0  }
0xbf: {  	[sflag:s23] =	ssyncadd.s32 $0xFFFFF000  }
0xc0: {  	_ =	swait.ge [sflag:s23], $0x1000  }
0xc1: {  	[sflag:s23] =	ssyncset.done $0x0  }
0xc2: {  	[sflag:s23] =	ssyncadd.s32 $0xFFFFF000  }
0xc3: {  	_ =	swait.ge [sflag:s23], $0x1000  }
0xc4: {  	[sflag:s23] =	ssyncset.done $0x0  }
0xc5: {  	s1 =	sadd.s32 $0xFFFFFFF4, s28;
	[sflag:s23] =	ssyncadd.s32 $0xFFFFF000  }
0xc6: {  	[hbm4b:s1+s24] =	stream.strided.scatter [tilespmem:s19], [sflag:$0x2], $0x5000, s18, s24, $0x38;
	[tilespmem:$0x1A400] =	vst v63  }
0xc7: {  	s30 =	sadd.s32 $0xFFFFFFF8, s28  }
0xc8: {  	[hbm4b:s30+s24] =	stream.strided.scatter [tilespmem:s20], [sflag:$0x2], $0x5000, s18, s24, $0x38;
	[tilespmem:$0x1A400] =	vst v63  }
0xc9: {  	s31 =	sadd.s32 $0xFFFFFFFC, s28  }
0xca: {  	[hbm4b:s31+s24] =	stream.strided.scatter [tilespmem:s21], [sflag:$0x2], $0x5000, s18, s24, $0x38;
	[tilespmem:$0x1A400] =	vst v63  }
0xcb: {  	_ = 	snop  }
0xcc: {  	[hbm4b:s28+s24] =	stream.strided.scatter [tilespmem:s17], [sflag:$0x2], $0x5000, s18, s24, $0x38;
	[tilespmem:$0x1A400] =	vst v63  }
0xcd: {  	_ =	swait.ge [sflag:s25], $0x5000  }
0xce: {  	[sflag:s25] =	ssyncset.done $0x0  }
0xcf: {  	[sflag:s25] =	ssyncadd.s32 $0xFFFFB000  }
0xd0: {  	_ =	swait.ge [sflag:s25], $0x5000  }
0xd1: {  	[sflag:s25] =	ssyncset.done $0x0  }
0xd2: {  	[sflag:s25] =	ssyncadd.s32 $0xFFFFB000  }
0xd3: {  	p0 =	sne.s32 s29, $0x5A00;
	_ =	swait.ge [sflag:s25], $0x5000  }
.Ltmp0:
0xd4: {  	[sflag:s25] =	ssyncset.done $0x0;
	(pc) =	sbr.rel @p0 .LBB2_2-.Ltmp0, $4  }
0xd5: {  	[sflag:s25] =	ssyncadd.s32 $0xFFFFB000  }
0xd6: {  	_ =	swait.ge [sflag:s25], $0x5000  }
0xd7: {  	[sflag:s25] =	ssyncset.done $0x0  }
0xd8: {  	s29 =	sadd.s32 $0xA00, s29;
	s28 =	sadd.s32 $0x2800, s28;
	[sflag:s25] =	ssyncadd.s32 $0xFFFFB000  }
0xd9: {  	s26 =	sadd.s32 $0x1, s26  }
0xda: {  	p0 =	sne.s32 s26, s11  }
.Ltmp1:
0xdb: {  	_ = 	snop;
	(pc) =	sbr.rel @p0 .LBB2_1-.Ltmp1, $1  }
0xdc: {  	_ =	sdelay $0x3  }
0xdd: {  	_ =	sfence.sel $0x180000  }
0xde: {  	[bflag:$0x0] =	sbarrier.arrive $0xFFFF  }
0xdf: {  	_ =	strace $0x90000047  }
0xe0: {  	s0 =	stileid.u32;
	[bflag:$0x2] =	sbarrier.arrive $0xFFFF  }
0xe1: {  	p0 =	sne.s32 s0, $0x0;
	s0 =	rddreg [dreg:$0x2]  }
0xe2: {  	s0 =	sadd.s32 @!p0 $0x100000, s0  }
0xe3: {  	[sflag:s0] =	ssyncadd.tile.s32 @!p0 $0x1;
	_ =	shalt  }
.Lfunc_end2:
_tile_overlayer_lowered:
.L_overlay_start_2:
0xe4: {  	(tag) =	ssettag $0x2  }
0xe5: {  	s0 =	rddreg [dreg:$0x0];
	s2 =	stileid.u32  }
0xe6: {  	s1 =	rddreg [dreg:$0x1];
	p0 =	sne.s32 s2, $0x0  }
0xe7: {  	s3 =	rddreg [dreg:$0x2];
	[bflag:$0x3] =	sbarrier.arrive $0xFFFF;
	s2 =	simm.s32 @!p0 $0x1C03  }
0xe8: {  	[timem:s3], [sflag:s2] =	dma.local @!p0 [hbm:s0], s1  }
0xe9: {  	s0 =	simm.s32 @!p0 $0x3  }
0xea: {  	_ =	swait.ge @!p0 [sflag:s0], s1  }
0xeb: {  	s1 =	ssub.s32 @!p0 $0x0, s1;
	[sflag:s0] =	ssyncset.done @!p0 $0x0  }
0xec: {  	[sflag:s0] =	ssyncadd.s32 @!p0 s1  }
0xed: {  	[bflag:$0x3] =	sbarrier.arrive $0xFFFF  }
0xee: {  	_ =	shalt  }

</sc_bundles>
